<compile_context>
chip_gen: v7x
topology: tpu7x:2x2x1
jax: 0.10.2.dev20260603
libtpu: 0.0.44.dev20260713+nightly
codegen_flags: <defaults>
</compile_context>

<pallas_src>
import functools

import jax
import jax.numpy as jnp
from jax import lax
from jax.experimental import pallas as pl
from jax.experimental.pallas import tpu as pltpu
from jax.experimental.pallas import tpu_sc as plsc

N = 10000
E = 320000
D = 128
NP = 10240
NC = 2
NS = 16
NW = NC * NS
EW = E // NW
C = 112
PADW = 80
NCHUNK = (EW + PADW) // C
CB = 18
NB = NCHUNK // CB
DEGW = NP // NS
NA = 10112
ROWS_PER_TILE = NA // NS

_mesh = plsc.VectorSubcoreMesh(core_axis_name="c", subcore_axis_name="s")


def _deg_body(ei_hbm, ones_hbm, zz_hbm, out_hbm, idx_v, ones_v, sem, acc_sh):
    c = lax.axis_index("c")
    s = lax.axis_index("s")
    w = c * NS + s
    pltpu.sync_copy(zz_hbm, acc_sh.at[pl.ds(s * DEGW, DEGW)])
    pltpu.sync_copy(ones_hbm, ones_v)
    pltpu.sync_copy(ei_hbm.at[1, w], idx_v)
    plsc.subcore_barrier()

    @pl.loop(0, NB)
    def _(b):
        @pl.loop(0, CB)
        def _(i):
            pltpu.async_copy(ones_v, acc_sh.at[idx_v.at[b, i]], sem, add=True)

    @pl.loop(0, NB * CB)
    def _(i):
        pltpu.make_async_copy(ones_v, acc_sh.at[idx_v.at[0, 0]], sem).wait()

    plsc.subcore_barrier()
    pltpu.sync_copy(acc_sh.at[pl.ds(s * DEGW, DEGW)],
                    out_hbm.at[c, pl.ds(s * DEGW, DEGW)])


def _degree(ei_deg, ones_c, zz_deg):
    k = pl.kernel(
        _deg_body,
        out_type=jax.ShapeDtypeStruct((NC, NP), jnp.float32),
        mesh=_mesh,
        scratch_types=[
            pltpu.VMEM((NB, CB, C), jnp.int32),
            pltpu.VMEM((C,), jnp.float32),
            pltpu.SemaphoreType.DMA,
            pltpu.VMEM_SHARED((NP,), jnp.float32),
        ],
    )
    return k(ei_deg, ones_c, zz_deg)


def _prop_body(g_hbm, ei_hbm, zz_hbm, out_hbm,
               idxs_v, idxd_v, rows0_v, rows1_v, rows2_v,
               sem0, sem1, sem2, sem3, sem4, sem5, semz, acc_sh):
    c = lax.axis_index("c")
    s = lax.axis_index("s")
    w = c * NS + s
    zslice = acc_sh.at[pl.ds(s * ROWS_PER_TILE, ROWS_PER_TILE), :]
    pltpu.async_copy(zz_hbm, zslice, semz)

    rows = (rows0_v, rows1_v, rows2_v)
    gsem = (sem0, sem1, sem2)
    ssem = (sem3, sem4, sem5)

    def _gather(j, b):
        pltpu.async_copy(g_hbm.at[idxs_v.at[j]], rows[b], gsem[b])

    def _wait_gather(b):
        pltpu.make_async_copy(g_hbm.at[idxs_v.at[0]], rows[b], gsem[b]).wait()

    def _scatter(j, b):
        pltpu.async_copy(rows[b], acc_sh.at[idxd_v.at[j]], ssem[b], add=True)

    def _wait_scatter(b):
        pltpu.make_async_copy(rows[b], acc_sh.at[idxd_v.at[0]], ssem[b]).wait()

    def _step(j, b):
        _wait_scatter(b)
        _gather(j, b)
        _wait_gather((b + 1) % 3)
        _scatter(j - 2, (b + 1) % 3)

    @pl.loop(0, NB)
    def _(b):
        pltpu.async_copy(ei_hbm.at[0, w, b], idxs_v, sem0)
        pltpu.async_copy(ei_hbm.at[1, w, b], idxd_v, sem1)
        pltpu.make_async_copy(ei_hbm.at[0, w, b], idxs_v, sem0).wait()
        pltpu.make_async_copy(ei_hbm.at[1, w, b], idxd_v, sem1).wait()
        _gather(0, 0)
        _gather(1, 1)
        _gather(2, 2)

        @pl.when(b == 0)
        def _():
            pltpu.make_async_copy(zz_hbm, zslice, semz).wait()
            plsc.subcore_barrier()

        _wait_gather(0)
        _scatter(0, 0)

        @pl.loop(1, 6)
        def _(m):
            j = 3 * m
            _step(j + 0, 0)
            _step(j + 1, 1)
            _step(j + 2, 2)

        _wait_gather(1)
        _scatter(16, 1)
        _wait_gather(2)
        _scatter(17, 2)
        _wait_scatter(0)
        _wait_scatter(1)
        _wait_scatter(2)

    plsc.subcore_barrier()
    pltpu.sync_copy(acc_sh.at[pl.ds(s * ROWS_PER_TILE, ROWS_PER_TILE), :],
                    out_hbm.at[c, pl.ds(s * ROWS_PER_TILE, ROWS_PER_TILE), :])


def _propagate(g, ei_prop, zz_rows):
    k = pl.kernel(
        _prop_body,
        out_type=jax.ShapeDtypeStruct((NC, NA, D), jnp.float32),
        mesh=_mesh,
        scratch_types=[
            pltpu.VMEM((CB, C), jnp.int32),
            pltpu.VMEM((CB, C), jnp.int32),
            pltpu.VMEM((C, D), jnp.float32),
            pltpu.VMEM((C, D), jnp.float32),
            pltpu.VMEM((C, D), jnp.float32),
            pltpu.SemaphoreType.DMA,
            pltpu.SemaphoreType.DMA,
            pltpu.SemaphoreType.DMA,
            pltpu.SemaphoreType.DMA,
            pltpu.SemaphoreType.DMA,
            pltpu.SemaphoreType.DMA,
            pltpu.SemaphoreType.DMA,
            pltpu.VMEM_SHARED((NA, D), jnp.float32),
        ],
    )
    return k(g, ei_prop, zz_rows)


_R = 2000


def _mm1_body(d0_ref, d1_ref, x_ref, w_ref, g_ref, dis_ref):
    deg = d0_ref[...] + d1_ref[...] + 1.0
    dis = lax.rsqrt(deg)
    h = jnp.dot(x_ref[...], w_ref[...], preferred_element_type=jnp.float32)
    g_ref[...] = h * dis
    dis_ref[...] = dis


def _mid_body(s_ref, g1_ref, dis_ref, b_ref, w_ref, g2_ref):
    dis = dis_ref[...]
    t = (s_ref[0] + s_ref[1] + g1_ref[...]) * dis + b_ref[...]
    t = jnp.maximum(t, 0.0)
    g2_ref[...] = jnp.dot(t, w_ref[...], preferred_element_type=jnp.float32) * dis


def _fin_body(s_ref, g2_ref, dis_ref, b_ref, o_ref):
    o_ref[...] = ((s_ref[0] + s_ref[1] + g2_ref[...]) * dis_ref[...]
                  + b_ref[...])


def _row_spec(width):
    return pl.BlockSpec((_R, width), lambda i: (i, 0))


def _s_spec():
    return pl.BlockSpec((NC, _R, D), lambda i: (0, i, 0))


def _full_spec(shape):
    return pl.BlockSpec(shape, lambda i: (0,) * len(shape))


def _mm1(d0, d1, x, W1):
    return pl.pallas_call(
        _mm1_body,
        grid=(N // _R,),
        in_specs=[_row_spec(1), _row_spec(1), _row_spec(D), _full_spec((D, D))],
        out_specs=[_row_spec(D), _row_spec(1)],
        out_shape=[jax.ShapeDtypeStruct((N, D), jnp.float32),
                   jax.ShapeDtypeStruct((N, 1), jnp.float32)],
    )(d0, d1, x, W1)


def _mid(s, g1, dis, b1, W2):
    return pl.pallas_call(
        _mid_body,
        grid=(N // _R,),
        in_specs=[_s_spec(), _row_spec(D), _row_spec(1),
                  _full_spec((1, D)), _full_spec((D, D))],
        out_specs=_row_spec(D),
        out_shape=jax.ShapeDtypeStruct((N, D), jnp.float32),
    )(s, g1, dis, b1, W2)


def _fin(s, g2, dis, b2):
    return pl.pallas_call(
        _fin_body,
        grid=(N // _R,),
        in_specs=[_s_spec(), _row_spec(D), _row_spec(1), _full_spec((1, D))],
        out_specs=_row_spec(D),
        out_shape=jax.ShapeDtypeStruct((N, D), jnp.float32),
    )(s, g2, dis, b2)


def kernel(x, edge_index, W1, b1, W2, b2):
    ei3 = edge_index.reshape(2, NW, EW)
    wk = jnp.arange(NW, dtype=jnp.int32)[:, None]
    pk = jnp.arange(PADW, dtype=jnp.int32)[None, :]
    dsrc = (wk * 977 + pk * 131) % N
    ddst = N + (wk * 37 + pk) % (NA - N)
    dummy = jnp.stack([dsrc, ddst])
    ei_prop = jnp.concatenate([ei3, dummy], axis=2).reshape(2, NW, NB, CB, C)
    ones_c = jnp.ones((C,), jnp.float32)
    zz_deg = jnp.zeros((DEGW,), jnp.float32)
    zz_rows = jnp.zeros((ROWS_PER_TILE, D), jnp.float32)

    deg = _degree(ei_prop, ones_c, zz_deg)
    g1, dis = _mm1(deg[0, :N, None], deg[1, :N, None], x, W1)

    s1 = _propagate(g1, ei_prop, zz_rows)
    g2 = _mid(s1, g1, dis, b1[None, :], W2)

    s2 = _propagate(g2, ei_prop, zz_rows)
    return _fin(s2, g2, dis, b2[None, :])

# --- scband reference (transcript-rebuilt; emitter-appended) ---
"""Pipeline reference for scband-gcnfeature-selector-47304769798459 (READ-ONLY COPY).

The authoritative reference and input builder live on the scoring server;
editing this copy changes nothing except your own understanding.
"""

import jax, jax.numpy as jnp
import numpy as np

N = 10000
E = 320000
D = 128
H = 128


def setup_inputs(seed: int = 0) -> dict:
    key = jax.random.key(seed)
    k1, k2, k3, k4 = jax.random.split(key, 4)
    x = jax.random.normal(k1, (N, D), dtype=jnp.float32)
    edge_index = jax.random.randint(k2, (2, E), 0, N, dtype=jnp.int32)
    W1 = jax.random.normal(k3, (D, H), dtype=jnp.float32) * (1.0 / np.sqrt(D))
    b1 = jnp.zeros((H,), dtype=jnp.float32)
    W2 = jax.random.normal(k4, (H, D), dtype=jnp.float32) * (1.0 / np.sqrt(H))
    b2 = jnp.zeros((D,), dtype=jnp.float32)
    return {"x": x, "edge_index": edge_index, "W1": W1, "b1": b1, "W2": W2, "b2": b2}


def gcn_conv(x, edge_index, W, b):
    # Faithful PyG GCNConv: add self-loops, symmetric normalization, linear, scatter-add aggregate.
    n = x.shape[0]
    src = edge_index[0]
    dst = edge_index[1]
    loop = jnp.arange(n, dtype=edge_index.dtype)
    src = jnp.concatenate([src, loop])
    dst = jnp.concatenate([dst, loop])
    h = x @ W
    deg = jnp.zeros((n,), dtype=h.dtype).at[dst].add(1.0)
    deg_inv_sqrt = jnp.where(deg > 0, 1.0 / jnp.sqrt(deg), 0.0)
    norm = deg_inv_sqrt[src] * deg_inv_sqrt[dst]
    msg = h[src] * norm[:, None]
    out = jnp.zeros((n, W.shape[1]), dtype=h.dtype).at[dst].add(msg)
    return out + b


def reference(x, edge_index, W1, b1, W2, b2):
    h = jax.nn.relu(gcn_conv(x, edge_index, W1, b1))
    out = gcn_conv(h, edge_index, W2, b2)
    return out

if __name__ == "__main__":
    import jax
    _d = setup_inputs()
    print(jax.jit(kernel)(*tuple(_d.values())))

</pallas_src>

<mosaic_0001>
#map = affine_map<(d0, d1) -> (0, 0)>
#map1 = affine_map<(d0, d1) -> (0, 0, 0, 0, 0)>
#map2 = affine_map<(d0, d1) -> (0, 0, 0)>
module attributes {stable_mosaic.version = 14 : i64} {
  func.func @_prop_body(%arg0: i32, %arg1: i32, %arg2: memref<10000x128xf32, #tpu.memory_space<hbm>>, %arg3: memref<2x32x5x18x112xi32, #tpu.memory_space<hbm>>, %arg4: memref<632x128xf32, #tpu.memory_space<hbm>>, %arg5: memref<2x10112x128xf32, #tpu.memory_space<hbm>>, %arg6: memref<18x112xi32, #tpu.memory_space<vmem>>, %arg7: memref<18x112xi32, #tpu.memory_space<vmem>>, %arg8: memref<112x128xf32, #tpu.memory_space<vmem>>, %arg9: memref<112x128xf32, #tpu.memory_space<vmem>>, %arg10: memref<112x128xf32, #tpu.memory_space<vmem>>, %arg11: memref<!tpu.dma_semaphore, #tpu.memory_space<semaphore_mem>>, %arg12: memref<!tpu.dma_semaphore, #tpu.memory_space<semaphore_mem>>, %arg13: memref<!tpu.dma_semaphore, #tpu.memory_space<semaphore_mem>>, %arg14: memref<!tpu.dma_semaphore, #tpu.memory_space<semaphore_mem>>, %arg15: memref<!tpu.dma_semaphore, #tpu.memory_space<semaphore_mem>>, %arg16: memref<!tpu.dma_semaphore, #tpu.memory_space<semaphore_mem>>, %arg17: memref<!tpu.dma_semaphore, #tpu.memory_space<semaphore_mem>>, %arg18: memref<10112x128xf32, #tpu.memory_space<vmem_shared>>) attributes {dimension_semantics = [#tpu.dimension_semantics<core_parallel>, #tpu.dimension_semantics<subcore_parallel>], iteration_bounds = array<i64: 2, 16>, scalar_prefetch = 0 : i64, scratch_operands = 13 : i64, tpu.core_type = #tpu.core_type<sc_vector_subcore>, window_params = [{transform_indices = #map}, {transform_indices = #map1}, {transform_indices = #map}, {transform_indices = #map2}]} {
    %mul3A = arith.constant 16 : i32
    %mul3A_0 = arith.muli %arg0, %mul3A : i32
    %add3A = arith.addi %mul3A_0, %arg1 : i32
    %mul3A_1 = arith.constant 632 : i32
    %mul3A_2 = arith.muli %arg1, %mul3A_1 : i32
    %dma_start3A = arith.constant 0 : i32
    %dma_start3A_3 = tpu.memref_slice %arg18[%mul3A_2, %dma_start3A] : memref<10112x128xf32, #tpu.memory_space<vmem_shared>> -> memref<632x128xf32, #tpu.memory_space<vmem_shared>>
    tpu.enqueue_dma source(%arg4 : memref<632x128xf32, #tpu.memory_space<hbm>>) target(%dma_start3A_3 : memref<632x128xf32, #tpu.memory_space<vmem_shared>>) target_semaphore(%arg17 : memref<!tpu.dma_semaphore, #tpu.memory_space<semaphore_mem>>)
    %scan3A = arith.constant 0 : i32
    %scan3A_4 = arith.constant 5 : i32
    %scan3A_5 = arith.addi %scan3A, %scan3A_4 : i32
    %scan3A_6 = arith.constant 1 : i32
    scf.for %scan3A_12 = %scan3A to %scan3A_5 step %scan3A_6  : i32 {
      %mul3A_13 = arith.constant 1 : i32
      %mul3A_14 = arith.muli %scan3A_12, %mul3A_13 : i32
      %add3A_15 = arith.constant 0 : i32
      %add3A_16 = arith.addi %add3A_15, %mul3A_14 : i32
      %dma_start3A_17 = arith.constant 0 : i32
      %dma_start3A_18 = arith.constant 0 : i32
      %dma_start3A_19 = arith.constant 0 : i32
      %dma_start3A_20 = tpu.memref_slice %arg3[%dma_start3A_17, %add3A, %add3A_16, %dma_start3A_18, %dma_start3A_19] : memref<2x32x5x18x112xi32, #tpu.memory_space<hbm>> -> memref<1x1x1x18x112xi32, #tpu.memory_space<hbm>>
      %dma_start3A_21 = tpu.memref_squeeze %dma_start3A_20 : memref<1x1x1x18x112xi32, #tpu.memory_space<hbm>> -> memref<18x112xi32, #tpu.memory_space<hbm>>
      %dma_start3A_22 = arith.constant 0 : i32
      %dma_start3A_23 = arith.constant 0 : i32
      %dma_start3A_24 = tpu.memref_slice %arg3[%dma_start3A_17, %add3A, %add3A_16, %dma_start3A_22, %dma_start3A_23] : memref<2x32x5x18x112xi32, #tpu.memory_space<hbm>> -> memref<1x1x1x18x112xi32, #tpu.memory_space<hbm>>
      %dma_start3A_25 = tpu.memref_squeeze %dma_start3A_24 : memref<1x1x1x18x112xi32, #tpu.memory_space<hbm>> -> memref<18x112xi32, #tpu.memory_space<hbm>>
      tpu.enqueue_dma source(%dma_start3A_25 : memref<18x112xi32, #tpu.memory_space<hbm>>) target(%arg6 : memref<18x112xi32, #tpu.memory_space<vmem>>) target_semaphore(%arg11 : memref<!tpu.dma_semaphore, #tpu.memory_space<semaphore_mem>>)
      %dma_start3A_26 = arith.constant 1 : i32
      %dma_start3A_27 = arith.constant 0 : i32
      %dma_start3A_28 = arith.constant 0 : i32
      %dma_start3A_29 = tpu.memref_slice %arg3[%dma_start3A_26, %add3A, %add3A_16, %dma_start3A_27, %dma_start3A_28] : memref<2x32x5x18x112xi32, #tpu.memory_space<hbm>> -> memref<1x1x1x18x112xi32, #tpu.memory_space<hbm>>
      %dma_start3A_30 = tpu.memref_squeeze %dma_start3A_29 : memref<1x1x1x18x112xi32, #tpu.memory_space<hbm>> -> memref<18x112xi32, #tpu.memory_space<hbm>>
      %dma_start3A_31 = arith.constant 0 : i32
      %dma_start3A_32 = arith.constant 0 : i32
      %dma_start3A_33 = tpu.memref_slice %arg3[%dma_start3A_26, %add3A, %add3A_16, %dma_start3A_31, %dma_start3A_32] : memref<2x32x5x18x112xi32, #tpu.memory_space<hbm>> -> memref<1x1x1x18x112xi32, #tpu.memory_space<hbm>>
      %dma_start3A_34 = tpu.memref_squeeze %dma_start3A_33 : memref<1x1x1x18x112xi32, #tpu.memory_space<hbm>> -> memref<18x112xi32, #tpu.memory_space<hbm>>
      tpu.enqueue_dma source(%dma_start3A_34 : memref<18x112xi32, #tpu.memory_space<hbm>>) target(%arg7 : memref<18x112xi32, #tpu.memory_space<vmem>>) target_semaphore(%arg12 : memref<!tpu.dma_semaphore, #tpu.memory_space<semaphore_mem>>)
      %dma_wait3A = arith.constant 0 : i32
      %dma_wait3A_35 = arith.constant 0 : i32
      %dma_wait3A_36 = arith.constant 0 : i32
      %dma_wait3A_37 = tpu.memref_slice %arg3[%dma_wait3A, %add3A, %add3A_16, %dma_wait3A_35, %dma_wait3A_36] : memref<2x32x5x18x112xi32, #tpu.memory_space<hbm>> -> memref<1x1x1x18x112xi32, #tpu.memory_space<hbm>>
      %dma_wait3A_38 = tpu.memref_squeeze %dma_wait3A_37 : memref<1x1x1x18x112xi32, #tpu.memory_space<hbm>> -> memref<18x112xi32, #tpu.memory_space<hbm>>
      %dma_wait3A_39 = arith.constant 0 : i32
      %dma_wait3A_40 = arith.constant 0 : i32
      %dma_wait3A_41 = tpu.memref_slice %arg3[%dma_wait3A, %add3A, %add3A_16, %dma_wait3A_39, %dma_wait3A_40] : memref<2x32x5x18x112xi32, #tpu.memory_space<hbm>> -> memref<1x1x1x18x112xi32, #tpu.memory_space<hbm>>
      %dma_wait3A_42 = tpu.memref_squeeze %dma_wait3A_41 : memref<1x1x1x18x112xi32, #tpu.memory_space<hbm>> -> memref<18x112xi32, #tpu.memory_space<hbm>>
      tpu.wait_dma2 semaphore(%arg11 : memref<!tpu.dma_semaphore, #tpu.memory_space<semaphore_mem>>) src(%dma_wait3A_42 : memref<18x112xi32, #tpu.memory_space<hbm>>) dst(%arg6 : memref<18x112xi32, #tpu.memory_space<vmem>>)
      %dma_wait3A_43 = arith.constant 1 : i32
      %dma_wait3A_44 = arith.constant 0 : i32
      %dma_wait3A_45 = arith.constant 0 : i32
      %dma_wait3A_46 = tpu.memref_slice %arg3[%dma_wait3A_43, %add3A, %add3A_16, %dma_wait3A_44, %dma_wait3A_45] : memref<2x32x5x18x112xi32, #tpu.memory_space<hbm>> -> memref<1x1x1x18x112xi32, #tpu.memory_space<hbm>>
      %dma_wait3A_47 = tpu.memref_squeeze %dma_wait3A_46 : memref<1x1x1x18x112xi32, #tpu.memory_space<hbm>> -> memref<18x112xi32, #tpu.memory_space<hbm>>
      %dma_wait3A_48 = arith.constant 0 : i32
      %dma_wait3A_49 = arith.constant 0 : i32
      %dma_wait3A_50 = tpu.memref_slice %arg3[%dma_wait3A_43, %add3A, %add3A_16, %dma_wait3A_48, %dma_wait3A_49] : memref<2x32x5x18x112xi32, #tpu.memory_space<hbm>> -> memref<1x1x1x18x112xi32, #tpu.memory_space<hbm>>
      %dma_wait3A_51 = tpu.memref_squeeze %dma_wait3A_50 : memref<1x1x1x18x112xi32, #tpu.memory_space<hbm>> -> memref<18x112xi32, #tpu.memory_space<hbm>>
      tpu.wait_dma2 semaphore(%arg12 : memref<!tpu.dma_semaphore, #tpu.memory_space<semaphore_mem>>) src(%dma_wait3A_51 : memref<18x112xi32, #tpu.memory_space<hbm>>) dst(%arg7 : memref<18x112xi32, #tpu.memory_space<vmem>>)
      %dma_start3A_52 = arith.constant 0 : i32
      %dma_start3A_53 = arith.constant 0 : i32
      %dma_start3A_54 = tpu.memref_slice %arg6[%dma_start3A_52, %dma_start3A_53] : memref<18x112xi32, #tpu.memory_space<vmem>> -> memref<1x112xi32, #tpu.memory_space<vmem>>
      %dma_start3A_55 = tpu.memref_squeeze %dma_start3A_54 : memref<1x112xi32, #tpu.memory_space<vmem>> -> memref<112xi32, #tpu.memory_space<vmem>>
      %dma_start3A_56 = arith.constant 0 : i32
      %dma_start3A_57 = arith.constant 0 : i32
      %dma_start3A_58 = tpu.memref_slice %arg2[%dma_start3A_56, %dma_start3A_57] : memref<10000x128xf32, #tpu.memory_space<hbm>> -> memref<10000x128xf32, #tpu.memory_space<hbm>>
      tpu.enqueue_indirect_dma source(%dma_start3A_58 : memref<10000x128xf32, #tpu.memory_space<hbm>>) target(%arg8 : memref<112x128xf32, #tpu.memory_space<vmem>>) offsets(%dma_start3A_55 : memref<112xi32, #tpu.memory_space<vmem>>) semaphore(%arg11 : memref<!tpu.dma_semaphore, #tpu.memory_space<semaphore_mem>>)
      %dma_start3A_59 = arith.constant 1 : i32
      %dma_start3A_60 = arith.constant 0 : i32
      %dma_start3A_61 = tpu.memref_slice %arg6[%dma_start3A_59, %dma_start3A_60] : memref<18x112xi32, #tpu.memory_space<vmem>> -> memref<1x112xi32, #tpu.memory_space<vmem>>
      %dma_start3A_62 = tpu.memref_squeeze %dma_start3A_61 : memref<1x112xi32, #tpu.memory_space<vmem>> -> memref<112xi32, #tpu.memory_space<vmem>>
      %dma_start3A_63 = arith.constant 0 : i32
      %dma_start3A_64 = arith.constant 0 : i32
      %dma_start3A_65 = tpu.memref_slice %arg2[%dma_start3A_63, %dma_start3A_64] : memref<10000x128xf32, #tpu.memory_space<hbm>> -> memref<10000x128xf32, #tpu.memory_space<hbm>>
      tpu.enqueue_indirect_dma source(%dma_start3A_65 : memref<10000x128xf32, #tpu.memory_space<hbm>>) target(%arg9 : memref<112x128xf32, #tpu.memory_space<vmem>>) offsets(%dma_start3A_62 : memref<112xi32, #tpu.memory_space<vmem>>) semaphore(%arg12 : memref<!tpu.dma_semaphore, #tpu.memory_space<semaphore_mem>>)
      %dma_start3A_66 = arith.constant 2 : i32
      %dma_start3A_67 = arith.constant 0 : i32
      %dma_start3A_68 = tpu.memref_slice %arg6[%dma_start3A_66, %dma_start3A_67] : memref<18x112xi32, #tpu.memory_space<vmem>> -> memref<1x112xi32, #tpu.memory_space<vmem>>
      %dma_start3A_69 = tpu.memref_squeeze %dma_start3A_68 : memref<1x112xi32, #tpu.memory_space<vmem>> -> memref<112xi32, #tpu.memory_space<vmem>>
      %dma_start3A_70 = arith.constant 0 : i32
      %dma_start3A_71 = arith.constant 0 : i32
      %dma_start3A_72 = tpu.memref_slice %arg2[%dma_start3A_70, %dma_start3A_71] : memref<10000x128xf32, #tpu.memory_space<hbm>> -> memref<10000x128xf32, #tpu.memory_space<hbm>>
      tpu.enqueue_indirect_dma source(%dma_start3A_72 : memref<10000x128xf32, #tpu.memory_space<hbm>>) target(%arg10 : memref<112x128xf32, #tpu.memory_space<vmem>>) offsets(%dma_start3A_69 : memref<112xi32, #tpu.memory_space<vmem>>) semaphore(%arg13 : memref<!tpu.dma_semaphore, #tpu.memory_space<semaphore_mem>>)
      %eq3A = arith.constant 0 : i32
      %eq3A_73 = arith.cmpi eq, %add3A_16, %eq3A : i32
      %convert_element_type3A = arith.extui %eq3A_73 : i1 to i32
      %cond3A = arith.constant 0 : i32
      %cond3A_74 = arith.cmpi ne, %convert_element_type3A, %cond3A : i32
      scf.if %cond3A_74 {
        %dma_wait3A_143 = arith.constant 0 : i32
        %dma_wait3A_144 = tpu.memref_slice %arg18[%mul3A_2, %dma_wait3A_143] : memref<10112x128xf32, #tpu.memory_space<vmem_shared>> -> memref<632x128xf32, #tpu.memory_space<vmem_shared>>
        tpu.wait_dma2 semaphore(%arg17 : memref<!tpu.dma_semaphore, #tpu.memory_space<semaphore_mem>>) src(%arg4 : memref<632x128xf32, #tpu.memory_space<hbm>>) dst(%dma_wait3A_144 : memref<632x128xf32, #tpu.memory_space<vmem_shared>>)
        %barrier3A_145 = arith.constant 0 : index
        tpu.barrier barrier_id(%barrier3A_145)
      } else {
      }
      %dma_wait3A_75 = arith.constant 0 : i32
      %dma_wait3A_76 = arith.constant 0 : i32
      %dma_wait3A_77 = tpu.memref_slice %arg6[%dma_wait3A_75, %dma_wait3A_76] : memref<18x112xi32, #tpu.memory_space<vmem>> -> memref<1x112xi32, #tpu.memory_space<vmem>>
      %dma_wait3A_78 = tpu.memref_squeeze %dma_wait3A_77 : memref<1x112xi32, #tpu.memory_space<vmem>> -> memref<112xi32, #tpu.memory_space<vmem>>
      %dma_wait3A_79 = arith.constant 0 : i32
      %dma_wait3A_80 = arith.constant 0 : i32
      %dma_wait3A_81 = tpu.memref_slice %arg2[%dma_wait3A_79, %dma_wait3A_80] : memref<10000x128xf32, #tpu.memory_space<hbm>> -> memref<10000x128xf32, #tpu.memory_space<hbm>>
      tpu.wait_indirect_dma semaphore(%arg11 : memref<!tpu.dma_semaphore, #tpu.memory_space<semaphore_mem>>) src(%dma_wait3A_81 : memref<10000x128xf32, #tpu.memory_space<hbm>>) dst(%arg8 : memref<112x128xf32, #tpu.memory_space<vmem>>)
      %dma_start3A_82 = arith.constant 0 : i32
      %dma_start3A_83 = arith.constant 0 : i32
      %dma_start3A_84 = tpu.memref_slice %arg7[%dma_start3A_82, %dma_start3A_83] : memref<18x112xi32, #tpu.memory_space<vmem>> -> memref<1x112xi32, #tpu.memory_space<vmem>>
      %dma_start3A_85 = tpu.memref_squeeze %dma_start3A_84 : memref<1x112xi32, #tpu.memory_space<vmem>> -> memref<112xi32, #tpu.memory_space<vmem>>
      %dma_start3A_86 = arith.constant 0 : i32
      %dma_start3A_87 = arith.constant 0 : i32
      %dma_start3A_88 = tpu.memref_slice %arg18[%dma_start3A_86, %dma_start3A_87] : memref<10112x128xf32, #tpu.memory_space<vmem_shared>> -> memref<10112x128xf32, #tpu.memory_space<vmem_shared>>
      tpu.enqueue_indirect_dma source(%arg8 : memref<112x128xf32, #tpu.memory_space<vmem>>) target(%dma_start3A_88 : memref<10112x128xf32, #tpu.memory_space<vmem_shared>>) offsets(%dma_start3A_85 : memref<112xi32, #tpu.memory_space<vmem>>) semaphore(%arg14 : memref<!tpu.dma_semaphore, #tpu.memory_space<semaphore_mem>>) {add = true}
      %scan3A_89 = arith.constant 0 : i32
      %scan3A_90 = arith.constant 5 : i32
      %scan3A_91 = arith.addi %scan3A_89, %scan3A_90 : i32
      %scan3A_92 = arith.constant 1 : i32
      scf.for %scan3A_143 = %scan3A_89 to %scan3A_91 step %scan3A_92  : i32 {
        %mul3A_144 = arith.constant 1 : i32
        %mul3A_145 = arith.muli %scan3A_143, %mul3A_144 : i32
        %add3A_146 = arith.constant 1 : i32
        %add3A_147 = arith.addi %add3A_146, %mul3A_145 : i32
        %mul3A_148 = arith.constant 3 : i32
        %mul3A_149 = arith.muli %mul3A_148, %add3A_147 : i32
        %add3A_150 = arith.constant 0 : i32
        %add3A_151 = arith.addi %mul3A_149, %add3A_150 : i32
        %dma_wait3A_152 = arith.constant 0 : i32
        %dma_wait3A_153 = arith.constant 0 : i32
        %dma_wait3A_154 = tpu.memref_slice %arg7[%dma_wait3A_152, %dma_wait3A_153] : memref<18x112xi32, #tpu.memory_space<vmem>> -> memref<1x112xi32, #tpu.memory_space<vmem>>
        %dma_wait3A_155 = tpu.memref_squeeze %dma_wait3A_154 : memref<1x112xi32, #tpu.memory_space<vmem>> -> memref<112xi32, #tpu.memory_space<vmem>>
        %dma_wait3A_156 = arith.constant 0 : i32
        %dma_wait3A_157 = arith.constant 0 : i32
        %dma_wait3A_158 = tpu.memref_slice %arg18[%dma_wait3A_156, %dma_wait3A_157] : memref<10112x128xf32, #tpu.memory_space<vmem_shared>> -> memref<10112x128xf32, #tpu.memory_space<vmem_shared>>
        tpu.wait_indirect_dma semaphore(%arg14 : memref<!tpu.dma_semaphore, #tpu.memory_space<semaphore_mem>>) src(%arg8 : memref<112x128xf32, #tpu.memory_space<vmem>>) dst(%dma_wait3A_158 : memref<10112x128xf32, #tpu.memory_space<vmem_shared>>)
        %dma_start3A_159 = arith.constant 0 : i32
        %dma_start3A_160 = tpu.memref_slice %arg6[%add3A_151, %dma_start3A_159] : memref<18x112xi32, #tpu.memory_space<vmem>> -> memref<1x112xi32, #tpu.memory_space<vmem>>
        %dma_start3A_161 = tpu.memref_squeeze %dma_start3A_160 : memref<1x112xi32, #tpu.memory_space<vmem>> -> memref<112xi32, #tpu.memory_space<vmem>>
        %dma_start3A_162 = arith.constant 0 : i32
        %dma_start3A_163 = arith.constant 0 : i32
        %dma_start3A_164 = tpu.memref_slice %arg2[%dma_start3A_162, %dma_start3A_163] : memref<10000x128xf32, #tpu.memory_space<hbm>> -> memref<10000x128xf32, #tpu.memory_space<hbm>>
        tpu.enqueue_indirect_dma source(%dma_start3A_164 : memref<10000x128xf32, #tpu.memory_space<hbm>>) target(%arg8 : memref<112x128xf32, #tpu.memory_space<vmem>>) offsets(%dma_start3A_161 : memref<112xi32, #tpu.memory_space<vmem>>) semaphore(%arg11 : memref<!tpu.dma_semaphore, #tpu.memory_space<semaphore_mem>>)
        %dma_wait3A_165 = arith.constant 0 : i32
        %dma_wait3A_166 = arith.constant 0 : i32
        %dma_wait3A_167 = tpu.memref_slice %arg6[%dma_wait3A_165, %dma_wait3A_166] : memref<18x112xi32, #tpu.memory_space<vmem>> -> memref<1x112xi32, #tpu.memory_space<vmem>>
        %dma_wait3A_168 = tpu.memref_squeeze %dma_wait3A_167 : memref<1x112xi32, #tpu.memory_space<vmem>> -> memref<112xi32, #tpu.memory_space<vmem>>
        %dma_wait3A_169 = arith.constant 0 : i32
        %dma_wait3A_170 = arith.constant 0 : i32
        %dma_wait3A_171 = tpu.memref_slice %arg2[%dma_wait3A_169, %dma_wait3A_170] : memref<10000x128xf32, #tpu.memory_space<hbm>> -> memref<10000x128xf32, #tpu.memory_space<hbm>>
        tpu.wait_indirect_dma semaphore(%arg12 : memref<!tpu.dma_semaphore, #tpu.memory_space<semaphore_mem>>) src(%dma_wait3A_171 : memref<10000x128xf32, #tpu.memory_space<hbm>>) dst(%arg9 : memref<112x128xf32, #tpu.memory_space<vmem>>)
        %sub3A = arith.constant 2 : i32
        %sub3A_172 = arith.subi %add3A_151, %sub3A : i32
        %dma_start3A_173 = arith.constant 0 : i32
        %dma_start3A_174 = tpu.memref_slice %arg7[%sub3A_172, %dma_start3A_173] : memref<18x112xi32, #tpu.memory_space<vmem>> -> memref<1x112xi32, #tpu.memory_space<vmem>>
        %dma_start3A_175 = tpu.memref_squeeze %dma_start3A_174 : memref<1x112xi32, #tpu.memory_space<vmem>> -> memref<112xi32, #tpu.memory_space<vmem>>
        %dma_start3A_176 = arith.constant 0 : i32
        %dma_start3A_177 = arith.constant 0 : i32
        %dma_start3A_178 = tpu.memref_slice %arg18[%dma_start3A_176, %dma_start3A_177] : memref<10112x128xf32, #tpu.memory_space<vmem_shared>> -> memref<10112x128xf32, #tpu.memory_space<vmem_shared>>
        tpu.enqueue_indirect_dma source(%arg9 : memref<112x128xf32, #tpu.memory_space<vmem>>) target(%dma_start3A_178 : memref<10112x128xf32, #tpu.memory_space<vmem_shared>>) offsets(%dma_start3A_175 : memref<112xi32, #tpu.memory_space<vmem>>) semaphore(%arg15 : memref<!tpu.dma_semaphore, #tpu.memory_space<semaphore_mem>>) {add = true}
        %add3A_179 = arith.constant 1 : i32
        %add3A_180 = arith.addi %mul3A_149, %add3A_179 : i32
        %dma_wait3A_181 = arith.constant 0 : i32
        %dma_wait3A_182 = arith.constant 0 : i32
        %dma_wait3A_183 = tpu.memref_slice %arg7[%dma_wait3A_181, %dma_wait3A_182] : memref<18x112xi32, #tpu.memory_space<vmem>> -> memref<1x112xi32, #tpu.memory_space<vmem>>
        %dma_wait3A_184 = tpu.memref_squeeze %dma_wait3A_183 : memref<1x112xi32, #tpu.memory_space<vmem>> -> memref<112xi32, #tpu.memory_space<vmem>>
        %dma_wait3A_185 = arith.constant 0 : i32
        %dma_wait3A_186 = arith.constant 0 : i32
        %dma_wait3A_187 = tpu.memref_slice %arg18[%dma_wait3A_185, %dma_wait3A_186] : memref<10112x128xf32, #tpu.memory_space<vmem_shared>> -> memref<10112x128xf32, #tpu.memory_space<vmem_shared>>
        tpu.wait_indirect_dma semaphore(%arg15 : memref<!tpu.dma_semaphore, #tpu.memory_space<semaphore_mem>>) src(%arg9 : memref<112x128xf32, #tpu.memory_space<vmem>>) dst(%dma_wait3A_187 : memref<10112x128xf32, #tpu.memory_space<vmem_shared>>)
        %dma_start3A_188 = arith.constant 0 : i32
        %dma_start3A_189 = tpu.memref_slice %arg6[%add3A_180, %dma_start3A_188] : memref<18x112xi32, #tpu.memory_space<vmem>> -> memref<1x112xi32, #tpu.memory_space<vmem>>
        %dma_start3A_190 = tpu.memref_squeeze %dma_start3A_189 : memref<1x112xi32, #tpu.memory_space<vmem>> -> memref<112xi32, #tpu.memory_space<vmem>>
        %dma_start3A_191 = arith.constant 0 : i32
        %dma_start3A_192 = arith.constant 0 : i32
        %dma_start3A_193 = tpu.memref_slice %arg2[%dma_start3A_191, %dma_start3A_192] : memref<10000x128xf32, #tpu.memory_space<hbm>> -> memref<10000x128xf32, #tpu.memory_space<hbm>>
        tpu.enqueue_indirect_dma source(%dma_start3A_193 : memref<10000x128xf32, #tpu.memory_space<hbm>>) target(%arg9 : memref<112x128xf32, #tpu.memory_space<vmem>>) offsets(%dma_start3A_190 : memref<112xi32, #tpu.memory_space<vmem>>) semaphore(%arg12 : memref<!tpu.dma_semaphore, #tpu.memory_space<semaphore_mem>>)
        %dma_wait3A_194 = arith.constant 0 : i32
        %dma_wait3A_195 = arith.constant 0 : i32
        %dma_wait3A_196 = tpu.memref_slice %arg6[%dma_wait3A_194, %dma_wait3A_195] : memref<18x112xi32, #tpu.memory_space<vmem>> -> memref<1x112xi32, #tpu.memory_space<vmem>>
        %dma_wait3A_197 = tpu.memref_squeeze %dma_wait3A_196 : memref<1x112xi32, #tpu.memory_space<vmem>> -> memref<112xi32, #tpu.memory_space<vmem>>
        %dma_wait3A_198 = arith.constant 0 : i32
        %dma_wait3A_199 = arith.constant 0 : i32
        %dma_wait3A_200 = tpu.memref_slice %arg2[%dma_wait3A_198, %dma_wait3A_199] : memref<10000x128xf32, #tpu.memory_space<hbm>> -> memref<10000x128xf32, #tpu.memory_space<hbm>>
        tpu.wait_indirect_dma semaphore(%arg13 : memref<!tpu.dma_semaphore, #tpu.memory_space<semaphore_mem>>) src(%dma_wait3A_200 : memref<10000x128xf32, #tpu.memory_space<hbm>>) dst(%arg10 : memref<112x128xf32, #tpu.memory_space<vmem>>)
        %sub3A_201 = arith.constant 2 : i32
        %sub3A_202 = arith.subi %add3A_180, %sub3A_201 : i32
        %dma_start3A_203 = arith.constant 0 : i32
        %dma_start3A_204 = tpu.memref_slice %arg7[%sub3A_202, %dma_start3A_203] : memref<18x112xi32, #tpu.memory_space<vmem>> -> memref<1x112xi32, #tpu.memory_space<vmem>>
        %dma_start3A_205 = tpu.memref_squeeze %dma_start3A_204 : memref<1x112xi32, #tpu.memory_space<vmem>> -> memref<112xi32, #tpu.memory_space<vmem>>
        %dma_start3A_206 = arith.constant 0 : i32
        %dma_start3A_207 = arith.constant 0 : i32
        %dma_start3A_208 = tpu.memref_slice %arg18[%dma_start3A_206, %dma_start3A_207] : memref<10112x128xf32, #tpu.memory_space<vmem_shared>> -> memref<10112x128xf32, #tpu.memory_space<vmem_shared>>
        tpu.enqueue_indirect_dma source(%arg10 : memref<112x128xf32, #tpu.memory_space<vmem>>) target(%dma_start3A_208 : memref<10112x128xf32, #tpu.memory_space<vmem_shared>>) offsets(%dma_start3A_205 : memref<112xi32, #tpu.memory_space<vmem>>) semaphore(%arg16 : memref<!tpu.dma_semaphore, #tpu.memory_space<semaphore_mem>>) {add = true}
        %add3A_209 = arith.constant 2 : i32
        %add3A_210 = arith.addi %mul3A_149, %add3A_209 : i32
        %dma_wait3A_211 = arith.constant 0 : i32
        %dma_wait3A_212 = arith.constant 0 : i32
        %dma_wait3A_213 = tpu.memref_slice %arg7[%dma_wait3A_211, %dma_wait3A_212] : memref<18x112xi32, #tpu.memory_space<vmem>> -> memref<1x112xi32, #tpu.memory_space<vmem>>
        %dma_wait3A_214 = tpu.memref_squeeze %dma_wait3A_213 : memref<1x112xi32, #tpu.memory_space<vmem>> -> memref<112xi32, #tpu.memory_space<vmem>>
        %dma_wait3A_215 = arith.constant 0 : i32
        %dma_wait3A_216 = arith.constant 0 : i32
        %dma_wait3A_217 = tpu.memref_slice %arg18[%dma_wait3A_215, %dma_wait3A_216] : memref<10112x128xf32, #tpu.memory_space<vmem_shared>> -> memref<10112x128xf32, #tpu.memory_space<vmem_shared>>
        tpu.wait_indirect_dma semaphore(%arg16 : memref<!tpu.dma_semaphore, #tpu.memory_space<semaphore_mem>>) src(%arg10 : memref<112x128xf32, #tpu.memory_space<vmem>>) dst(%dma_wait3A_217 : memref<10112x128xf32, #tpu.memory_space<vmem_shared>>)
        %dma_start3A_218 = arith.constant 0 : i32
        %dma_start3A_219 = tpu.memref_slice %arg6[%add3A_210, %dma_start3A_218] : memref<18x112xi32, #tpu.memory_space<vmem>> -> memref<1x112xi32, #tpu.memory_space<vmem>>
        %dma_start3A_220 = tpu.memref_squeeze %dma_start3A_219 : memref<1x112xi32, #tpu.memory_space<vmem>> -> memref<112xi32, #tpu.memory_space<vmem>>
        %dma_start3A_221 = arith.constant 0 : i32
        %dma_start3A_222 = arith.constant 0 : i32
        %dma_start3A_223 = tpu.memref_slice %arg2[%dma_start3A_221, %dma_start3A_222] : memref<10000x128xf32, #tpu.memory_space<hbm>> -> memref<10000x128xf32, #tpu.memory_space<hbm>>
        tpu.enqueue_indirect_dma source(%dma_start3A_223 : memref<10000x128xf32, #tpu.memory_space<hbm>>) target(%arg10 : memref<112x128xf32, #tpu.memory_space<vmem>>) offsets(%dma_start3A_220 : memref<112xi32, #tpu.memory_space<vmem>>) semaphore(%arg13 : memref<!tpu.dma_semaphore, #tpu.memory_space<semaphore_mem>>)
        %dma_wait3A_224 = arith.constant 0 : i32
        %dma_wait3A_225 = arith.constant 0 : i32
        %dma_wait3A_226 = tpu.memref_slice %arg6[%dma_wait3A_224, %dma_wait3A_225] : memref<18x112xi32, #tpu.memory_space<vmem>> -> memref<1x112xi32, #tpu.memory_space<vmem>>
        %dma_wait3A_227 = tpu.memref_squeeze %dma_wait3A_226 : memref<1x112xi32, #tpu.memory_space<vmem>> -> memref<112xi32, #tpu.memory_space<vmem>>
        %dma_wait3A_228 = arith.constant 0 : i32
        %dma_wait3A_229 = arith.constant 0 : i32
        %dma_wait3A_230 = tpu.memref_slice %arg2[%dma_wait3A_228, %dma_wait3A_229] : memref<10000x128xf32, #tpu.memory_space<hbm>> -> memref<10000x128xf32, #tpu.memory_space<hbm>>
        tpu.wait_indirect_dma semaphore(%arg11 : memref<!tpu.dma_semaphore, #tpu.memory_space<semaphore_mem>>) src(%dma_wait3A_230 : memref<10000x128xf32, #tpu.memory_space<hbm>>) dst(%arg8 : memref<112x128xf32, #tpu.memory_space<vmem>>)
        %sub3A_231 = arith.constant 2 : i32
        %sub3A_232 = arith.subi %add3A_210, %sub3A_231 : i32
        %dma_start3A_233 = arith.constant 0 : i32
        %dma_start3A_234 = tpu.memref_slice %arg7[%sub3A_232, %dma_start3A_233] : memref<18x112xi32, #tpu.memory_space<vmem>> -> memref<1x112xi32, #tpu.memory_space<vmem>>
        %dma_start3A_235 = tpu.memref_squeeze %dma_start3A_234 : memref<1x112xi32, #tpu.memory_space<vmem>> -> memref<112xi32, #tpu.memory_space<vmem>>
        %dma_start3A_236 = arith.constant 0 : i32
        %dma_start3A_237 = arith.constant 0 : i32
        %dma_start3A_238 = tpu.memref_slice %arg18[%dma_start3A_236, %dma_start3A_237] : memref<10112x128xf32, #tpu.memory_space<vmem_shared>> -> memref<10112x128xf32, #tpu.memory_space<vmem_shared>>
        tpu.enqueue_indirect_dma source(%arg8 : memref<112x128xf32, #tpu.memory_space<vmem>>) target(%dma_start3A_238 : memref<10112x128xf32, #tpu.memory_space<vmem_shared>>) offsets(%dma_start3A_235 : memref<112xi32, #tpu.memory_space<vmem>>) semaphore(%arg14 : memref<!tpu.dma_semaphore, #tpu.memory_space<semaphore_mem>>) {add = true}
      }
      %scan3A_93 = arith.constant 5 : i32
      %dma_wait3A_94 = arith.constant 0 : i32
      %dma_wait3A_95 = arith.constant 0 : i32
      %dma_wait3A_96 = tpu.memref_slice %arg6[%dma_wait3A_94, %dma_wait3A_95] : memref<18x112xi32, #tpu.memory_space<vmem>> -> memref<1x112xi32, #tpu.memory_space<vmem>>
      %dma_wait3A_97 = tpu.memref_squeeze %dma_wait3A_96 : memref<1x112xi32, #tpu.memory_space<vmem>> -> memref<112xi32, #tpu.memory_space<vmem>>
      %dma_wait3A_98 = arith.constant 0 : i32
      %dma_wait3A_99 = arith.constant 0 : i32
      %dma_wait3A_100 = tpu.memref_slice %arg2[%dma_wait3A_98, %dma_wait3A_99] : memref<10000x128xf32, #tpu.memory_space<hbm>> -> memref<10000x128xf32, #tpu.memory_space<hbm>>
      tpu.wait_indirect_dma semaphore(%arg12 : memref<!tpu.dma_semaphore, #tpu.memory_space<semaphore_mem>>) src(%dma_wait3A_100 : memref<10000x128xf32, #tpu.memory_space<hbm>>) dst(%arg9 : memref<112x128xf32, #tpu.memory_space<vmem>>)
      %dma_start3A_101 = arith.constant 16 : i32
      %dma_start3A_102 = arith.constant 0 : i32
      %dma_start3A_103 = tpu.memref_slice %arg7[%dma_start3A_101, %dma_start3A_102] : memref<18x112xi32, #tpu.memory_space<vmem>> -> memref<1x112xi32, #tpu.memory_space<vmem>>
      %dma_start3A_104 = tpu.memref_squeeze %dma_start3A_103 : memref<1x112xi32, #tpu.memory_space<vmem>> -> memref<112xi32, #tpu.memory_space<vmem>>
      %dma_start3A_105 = arith.constant 0 : i32
      %dma_start3A_106 = arith.constant 0 : i32
      %dma_start3A_107 = tpu.memref_slice %arg18[%dma_start3A_105, %dma_start3A_106] : memref<10112x128xf32, #tpu.memory_space<vmem_shared>> -> memref<10112x128xf32, #tpu.memory_space<vmem_shared>>
      tpu.enqueue_indirect_dma source(%arg9 : memref<112x128xf32, #tpu.memory_space<vmem>>) target(%dma_start3A_107 : memref<10112x128xf32, #tpu.memory_space<vmem_shared>>) offsets(%dma_start3A_104 : memref<112xi32, #tpu.memory_space<vmem>>) semaphore(%arg15 : memref<!tpu.dma_semaphore, #tpu.memory_space<semaphore_mem>>) {add = true}
      %dma_wait3A_108 = arith.constant 0 : i32
      %dma_wait3A_109 = arith.constant 0 : i32
      %dma_wait3A_110 = tpu.memref_slice %arg6[%dma_wait3A_108, %dma_wait3A_109] : memref<18x112xi32, #tpu.memory_space<vmem>> -> memref<1x112xi32, #tpu.memory_space<vmem>>
      %dma_wait3A_111 = tpu.memref_squeeze %dma_wait3A_110 : memref<1x112xi32, #tpu.memory_space<vmem>> -> memref<112xi32, #tpu.memory_space<vmem>>
      %dma_wait3A_112 = arith.constant 0 : i32
      %dma_wait3A_113 = arith.constant 0 : i32
      %dma_wait3A_114 = tpu.memref_slice %arg2[%dma_wait3A_112, %dma_wait3A_113] : memref<10000x128xf32, #tpu.memory_space<hbm>> -> memref<10000x128xf32, #tpu.memory_space<hbm>>
      tpu.wait_indirect_dma semaphore(%arg13 : memref<!tpu.dma_semaphore, #tpu.memory_space<semaphore_mem>>) src(%dma_wait3A_114 : memref<10000x128xf32, #tpu.memory_space<hbm>>) dst(%arg10 : memref<112x128xf32, #tpu.memory_space<vmem>>)
      %dma_start3A_115 = arith.constant 17 : i32
      %dma_start3A_116 = arith.constant 0 : i32
      %dma_start3A_117 = tpu.memref_slice %arg7[%dma_start3A_115, %dma_start3A_116] : memref<18x112xi32, #tpu.memory_space<vmem>> -> memref<1x112xi32, #tpu.memory_space<vmem>>
      %dma_start3A_118 = tpu.memref_squeeze %dma_start3A_117 : memref<1x112xi32, #tpu.memory_space<vmem>> -> memref<112xi32, #tpu.memory_space<vmem>>
      %dma_start3A_119 = arith.constant 0 : i32
      %dma_start3A_120 = arith.constant 0 : i32
      %dma_start3A_121 = tpu.memref_slice %arg18[%dma_start3A_119, %dma_start3A_120] : memref<10112x128xf32, #tpu.memory_space<vmem_shared>> -> memref<10112x128xf32, #tpu.memory_space<vmem_shared>>
      tpu.enqueue_indirect_dma source(%arg10 : memref<112x128xf32, #tpu.memory_space<vmem>>) target(%dma_start3A_121 : memref<10112x128xf32, #tpu.memory_space<vmem_shared>>) offsets(%dma_start3A_118 : memref<112xi32, #tpu.memory_space<vmem>>) semaphore(%arg16 : memref<!tpu.dma_semaphore, #tpu.memory_space<semaphore_mem>>) {add = true}
      %dma_wait3A_122 = arith.constant 0 : i32
      %dma_wait3A_123 = arith.constant 0 : i32
      %dma_wait3A_124 = tpu.memref_slice %arg7[%dma_wait3A_122, %dma_wait3A_123] : memref<18x112xi32, #tpu.memory_space<vmem>> -> memref<1x112xi32, #tpu.memory_space<vmem>>
      %dma_wait3A_125 = tpu.memref_squeeze %dma_wait3A_124 : memref<1x112xi32, #tpu.memory_space<vmem>> -> memref<112xi32, #tpu.memory_space<vmem>>
      %dma_wait3A_126 = arith.constant 0 : i32
      %dma_wait3A_127 = arith.constant 0 : i32
      %dma_wait3A_128 = tpu.memref_slice %arg18[%dma_wait3A_126, %dma_wait3A_127] : memref<10112x128xf32, #tpu.memory_space<vmem_shared>> -> memref<10112x128xf32, #tpu.memory_space<vmem_shared>>
      tpu.wait_indirect_dma semaphore(%arg14 : memref<!tpu.dma_semaphore, #tpu.memory_space<semaphore_mem>>) src(%arg8 : memref<112x128xf32, #tpu.memory_space<vmem>>) dst(%dma_wait3A_128 : memref<10112x128xf32, #tpu.memory_space<vmem_shared>>)
      %dma_wait3A_129 = arith.constant 0 : i32
      %dma_wait3A_130 = arith.constant 0 : i32
      %dma_wait3A_131 = tpu.memref_slice %arg7[%dma_wait3A_129, %dma_wait3A_130] : memref<18x112xi32, #tpu.memory_space<vmem>> -> memref<1x112xi32, #tpu.memory_space<vmem>>
      %dma_wait3A_132 = tpu.memref_squeeze %dma_wait3A_131 : memref<1x112xi32, #tpu.memory_space<vmem>> -> memref<112xi32, #tpu.memory_space<vmem>>
      %dma_wait3A_133 = arith.constant 0 : i32
      %dma_wait3A_134 = arith.constant 0 : i32
      %dma_wait3A_135 = tpu.memref_slice %arg18[%dma_wait3A_133, %dma_wait3A_134] : memref<10112x128xf32, #tpu.memory_space<vmem_shared>> -> memref<10112x128xf32, #tpu.memory_space<vmem_shared>>
      tpu.wait_indirect_dma semaphore(%arg15 : memref<!tpu.dma_semaphore, #tpu.memory_space<semaphore_mem>>) src(%arg9 : memref<112x128xf32, #tpu.memory_space<vmem>>) dst(%dma_wait3A_135 : memref<10112x128xf32, #tpu.memory_space<vmem_shared>>)
      %dma_wait3A_136 = arith.constant 0 : i32
      %dma_wait3A_137 = arith.constant 0 : i32
      %dma_wait3A_138 = tpu.memref_slice %arg7[%dma_wait3A_136, %dma_wait3A_137] : memref<18x112xi32, #tpu.memory_space<vmem>> -> memref<1x112xi32, #tpu.memory_space<vmem>>
      %dma_wait3A_139 = tpu.memref_squeeze %dma_wait3A_138 : memref<1x112xi32, #tpu.memory_space<vmem>> -> memref<112xi32, #tpu.memory_space<vmem>>
      %dma_wait3A_140 = arith.constant 0 : i32
      %dma_wait3A_141 = arith.constant 0 : i32
      %dma_wait3A_142 = tpu.memref_slice %arg18[%dma_wait3A_140, %dma_wait3A_141] : memref<10112x128xf32, #tpu.memory_space<vmem_shared>> -> memref<10112x128xf32, #tpu.memory_space<vmem_shared>>
      tpu.wait_indirect_dma semaphore(%arg16 : memref<!tpu.dma_semaphore, #tpu.memory_space<semaphore_mem>>) src(%arg10 : memref<112x128xf32, #tpu.memory_space<vmem>>) dst(%dma_wait3A_142 : memref<10112x128xf32, #tpu.memory_space<vmem_shared>>)
    }
    %scan3A_7 = arith.constant 5 : i32
    %barrier3A = arith.constant 0 : index
    tpu.barrier barrier_id(%barrier3A)
    %mul3A_8 = arith.constant 632 : i32
    %mul3A_9 = arith.muli %arg1, %mul3A_8 : i32
    %mul3A_10 = arith.constant 632 : i32
    %mul3A_11 = arith.muli %arg1, %mul3A_10 : i32
    "tpu.region"() ({
      %run_scoped3A = tpu.sem_alloc : memref<!tpu.dma_semaphore, #tpu.memory_space<semaphore_mem>>
      %dma_start3A_12 = arith.constant 0 : i32
      %dma_start3A_13 = tpu.memref_slice %arg5[%arg0, %mul3A_11, %dma_start3A_12] : memref<2x10112x128xf32, #tpu.memory_space<hbm>> -> memref<1x632x128xf32, #tpu.memory_space<hbm>>
      %dma_start3A_14 = tpu.memref_squeeze %dma_start3A_13 : memref<1x632x128xf32, #tpu.memory_space<hbm>> -> memref<632x128xf32, #tpu.memory_space<hbm>>
      %dma_start3A_15 = arith.constant 0 : i32
      %dma_start3A_16 = tpu.memref_slice %arg18[%mul3A_9, %dma_start3A_15] : memref<10112x128xf32, #tpu.memory_space<vmem_shared>> -> memref<632x128xf32, #tpu.memory_space<vmem_shared>>
      tpu.enqueue_dma source(%dma_start3A_16 : memref<632x128xf32, #tpu.memory_space<vmem_shared>>) target(%dma_start3A_14 : memref<632x128xf32, #tpu.memory_space<hbm>>) target_semaphore(%run_scoped3A : memref<!tpu.dma_semaphore, #tpu.memory_space<semaphore_mem>>)
      %dma_wait3A = arith.constant 0 : i32
      %dma_wait3A_17 = tpu.memref_slice %arg5[%arg0, %mul3A_11, %dma_wait3A] : memref<2x10112x128xf32, #tpu.memory_space<hbm>> -> memref<1x632x128xf32, #tpu.memory_space<hbm>>
      %dma_wait3A_18 = tpu.memref_squeeze %dma_wait3A_17 : memref<1x632x128xf32, #tpu.memory_space<hbm>> -> memref<632x128xf32, #tpu.memory_space<hbm>>
      %dma_wait3A_19 = arith.constant 0 : i32
      %dma_wait3A_20 = tpu.memref_slice %arg18[%mul3A_9, %dma_wait3A_19] : memref<10112x128xf32, #tpu.memory_space<vmem_shared>> -> memref<632x128xf32, #tpu.memory_space<vmem_shared>>
      tpu.wait_dma2 semaphore(%run_scoped3A : memref<!tpu.dma_semaphore, #tpu.memory_space<semaphore_mem>>) src(%dma_wait3A_20 : memref<632x128xf32, #tpu.memory_space<vmem_shared>>) dst(%dma_wait3A_18 : memref<632x128xf32, #tpu.memory_space<hbm>>)
      tpu.yield
    }) : () -> ()
    return
  }
}

#map = affine_map<(d0, d1) -> (0, 0)>
#map1 = affine_map<(d0, d1) -> (0, 0, 0, 0, 0)>
#map2 = affine_map<(d0, d1) -> (0, 0, 0)>
module attributes {stable_mosaic.version = 14 : i64} {
  func.func @_prop_body(%arg0: i32, %arg1: i32, %arg2: memref<10000x128xf32, #tpu.memory_space<hbm>>, %arg3: memref<2x32x5x18x112xi32, #tpu.memory_space<hbm>>, %arg4: memref<632x128xf32, #tpu.memory_space<hbm>>, %arg5: memref<2x10112x128xf32, #tpu.memory_space<hbm>>, %arg6: memref<18x112xi32, #tpu.memory_space<vmem>>, %arg7: memref<18x112xi32, #tpu.memory_space<vmem>>, %arg8: memref<112x128xf32, #tpu.memory_space<vmem>>, %arg9: memref<112x128xf32, #tpu.memory_space<vmem>>, %arg10: memref<112x128xf32, #tpu.memory_space<vmem>>, %arg11: memref<!tpu.dma_semaphore, #tpu.memory_space<semaphore_mem>>, %arg12: memref<!tpu.dma_semaphore, #tpu.memory_space<semaphore_mem>>, %arg13: memref<!tpu.dma_semaphore, #tpu.memory_space<semaphore_mem>>, %arg14: memref<!tpu.dma_semaphore, #tpu.memory_space<semaphore_mem>>, %arg15: memref<!tpu.dma_semaphore, #tpu.memory_space<semaphore_mem>>, %arg16: memref<!tpu.dma_semaphore, #tpu.memory_space<semaphore_mem>>, %arg17: memref<!tpu.dma_semaphore, #tpu.memory_space<semaphore_mem>>, %arg18: memref<10112x128xf32, #tpu.memory_space<vmem_shared>>) attributes {dimension_semantics = [#tpu.dimension_semantics<core_parallel>, #tpu.dimension_semantics<subcore_parallel>], iteration_bounds = array<i64: 2, 16>, scalar_prefetch = 0 : i64, scratch_operands = 13 : i64, tpu.core_type = #tpu.core_type<sc_vector_subcore>, window_params = [{transform_indices = #map}, {transform_indices = #map1}, {transform_indices = #map}, {transform_indices = #map2}]} {
    %mul3A = arith.constant 16 : i32
    %mul3A_0 = arith.muli %arg0, %mul3A : i32
    %add3A = arith.addi %mul3A_0, %arg1 : i32
    %mul3A_1 = arith.constant 632 : i32
    %mul3A_2 = arith.muli %arg1, %mul3A_1 : i32
    %dma_start3A = arith.constant 0 : i32
    %dma_start3A_3 = tpu.memref_slice %arg18[%mul3A_2, %dma_start3A] : memref<10112x128xf32, #tpu.memory_space<vmem_shared>> -> memref<632x128xf32, #tpu.memory_space<vmem_shared>>
    tpu.enqueue_dma source(%arg4 : memref<632x128xf32, #tpu.memory_space<hbm>>) target(%dma_start3A_3 : memref<632x128xf32, #tpu.memory_space<vmem_shared>>) target_semaphore(%arg17 : memref<!tpu.dma_semaphore, #tpu.memory_space<semaphore_mem>>)
    %scan3A = arith.constant 0 : i32
    %scan3A_4 = arith.constant 5 : i32
    %scan3A_5 = arith.addi %scan3A, %scan3A_4 : i32
    %scan3A_6 = arith.constant 1 : i32
    scf.for %scan3A_12 = %scan3A to %scan3A_5 step %scan3A_6  : i32 {
      %mul3A_13 = arith.constant 1 : i32
      %mul3A_14 = arith.muli %scan3A_12, %mul3A_13 : i32
      %add3A_15 = arith.constant 0 : i32
      %add3A_16 = arith.addi %add3A_15, %mul3A_14 : i32
      %dma_start3A_17 = arith.constant 0 : i32
      %dma_start3A_18 = arith.constant 0 : i32
      %dma_start3A_19 = arith.constant 0 : i32
      %dma_start3A_20 = tpu.memref_slice %arg3[%dma_start3A_17, %add3A, %add3A_16, %dma_start3A_18, %dma_start3A_19] : memref<2x32x5x18x112xi32, #tpu.memory_space<hbm>> -> memref<1x1x1x18x112xi32, #tpu.memory_space<hbm>>
      %dma_start3A_21 = tpu.memref_squeeze %dma_start3A_20 : memref<1x1x1x18x112xi32, #tpu.memory_space<hbm>> -> memref<18x112xi32, #tpu.memory_space<hbm>>
      %dma_start3A_22 = arith.constant 0 : i32
      %dma_start3A_23 = arith.constant 0 : i32
      %dma_start3A_24 = tpu.memref_slice %arg3[%dma_start3A_17, %add3A, %add3A_16, %dma_start3A_22, %dma_start3A_23] : memref<2x32x5x18x112xi32, #tpu.memory_space<hbm>> -> memref<1x1x1x18x112xi32, #tpu.memory_space<hbm>>
      %dma_start3A_25 = tpu.memref_squeeze %dma_start3A_24 : memref<1x1x1x18x112xi32, #tpu.memory_space<hbm>> -> memref<18x112xi32, #tpu.memory_space<hbm>>
      tpu.enqueue_dma source(%dma_start3A_25 : memref<18x112xi32, #tpu.memory_space<hbm>>) target(%arg6 : memref<18x112xi32, #tpu.memory_space<vmem>>) target_semaphore(%arg11 : memref<!tpu.dma_semaphore, #tpu.memory_space<semaphore_mem>>)
      %dma_start3A_26 = arith.constant 1 : i32
      %dma_start3A_27 = arith.constant 0 : i32
      %dma_start3A_28 = arith.constant 0 : i32
      %dma_start3A_29 = tpu.memref_slice %arg3[%dma_start3A_26, %add3A, %add3A_16, %dma_start3A_27, %dma_start3A_28] : memref<2x32x5x18x112xi32, #tpu.memory_space<hbm>> -> memref<1x1x1x18x112xi32, #tpu.memory_space<hbm>>
      %dma_start3A_30 = tpu.memref_squeeze %dma_start3A_29 : memref<1x1x1x18x112xi32, #tpu.memory_space<hbm>> -> memref<18x112xi32, #tpu.memory_space<hbm>>
      %dma_start3A_31 = arith.constant 0 : i32
      %dma_start3A_32 = arith.constant 0 : i32
      %dma_start3A_33 = tpu.memref_slice %arg3[%dma_start3A_26, %add3A, %add3A_16, %dma_start3A_31, %dma_start3A_32] : memref<2x32x5x18x112xi32, #tpu.memory_space<hbm>> -> memref<1x1x1x18x112xi32, #tpu.memory_space<hbm>>
      %dma_start3A_34 = tpu.memref_squeeze %dma_start3A_33 : memref<1x1x1x18x112xi32, #tpu.memory_space<hbm>> -> memref<18x112xi32, #tpu.memory_space<hbm>>
      tpu.enqueue_dma source(%dma_start3A_34 : memref<18x112xi32, #tpu.memory_space<hbm>>) target(%arg7 : memref<18x112xi32, #tpu.memory_space<vmem>>) target_semaphore(%arg12 : memref<!tpu.dma_semaphore, #tpu.memory_space<semaphore_mem>>)
      %dma_wait3A = arith.constant 0 : i32
      %dma_wait3A_35 = arith.constant 0 : i32
      %dma_wait3A_36 = arith.constant 0 : i32
      %dma_wait3A_37 = tpu.memref_slice %arg3[%dma_wait3A, %add3A, %add3A_16, %dma_wait3A_35, %dma_wait3A_36] : memref<2x32x5x18x112xi32, #tpu.memory_space<hbm>> -> memref<1x1x1x18x112xi32, #tpu.memory_space<hbm>>
      %dma_wait3A_38 = tpu.memref_squeeze %dma_wait3A_37 : memref<1x1x1x18x112xi32, #tpu.memory_space<hbm>> -> memref<18x112xi32, #tpu.memory_space<hbm>>
      %dma_wait3A_39 = arith.constant 0 : i32
      %dma_wait3A_40 = arith.constant 0 : i32
      %dma_wait3A_41 = tpu.memref_slice %arg3[%dma_wait3A, %add3A, %add3A_16, %dma_wait3A_39, %dma_wait3A_40] : memref<2x32x5x18x112xi32, #tpu.memory_space<hbm>> -> memref<1x1x1x18x112xi32, #tpu.memory_space<hbm>>
      %dma_wait3A_42 = tpu.memref_squeeze %dma_wait3A_41 : memref<1x1x1x18x112xi32, #tpu.memory_space<hbm>> -> memref<18x112xi32, #tpu.memory_space<hbm>>
      tpu.wait_dma2 semaphore(%arg11 : memref<!tpu.dma_semaphore, #tpu.memory_space<semaphore_mem>>) src(%dma_wait3A_42 : memref<18x112xi32, #tpu.memory_space<hbm>>) dst(%arg6 : memref<18x112xi32, #tpu.memory_space<vmem>>)
      %dma_wait3A_43 = arith.constant 1 : i32
      %dma_wait3A_44 = arith.constant 0 : i32
      %dma_wait3A_45 = arith.constant 0 : i32
      %dma_wait3A_46 = tpu.memref_slice %arg3[%dma_wait3A_43, %add3A, %add3A_16, %dma_wait3A_44, %dma_wait3A_45] : memref<2x32x5x18x112xi32, #tpu.memory_space<hbm>> -> memref<1x1x1x18x112xi32, #tpu.memory_space<hbm>>
      %dma_wait3A_47 = tpu.memref_squeeze %dma_wait3A_46 : memref<1x1x1x18x112xi32, #tpu.memory_space<hbm>> -> memref<18x112xi32, #tpu.memory_space<hbm>>
      %dma_wait3A_48 = arith.constant 0 : i32
      %dma_wait3A_49 = arith.constant 0 : i32
      %dma_wait3A_50 = tpu.memref_slice %arg3[%dma_wait3A_43, %add3A, %add3A_16, %dma_wait3A_48, %dma_wait3A_49] : memref<2x32x5x18x112xi32, #tpu.memory_space<hbm>> -> memref<1x1x1x18x112xi32, #tpu.memory_space<hbm>>
      %dma_wait3A_51 = tpu.memref_squeeze %dma_wait3A_50 : memref<1x1x1x18x112xi32, #tpu.memory_space<hbm>> -> memref<18x112xi32, #tpu.memory_space<hbm>>
      tpu.wait_dma2 semaphore(%arg12 : memref<!tpu.dma_semaphore, #tpu.memory_space<semaphore_mem>>) src(%dma_wait3A_51 : memref<18x112xi32, #tpu.memory_space<hbm>>) dst(%arg7 : memref<18x112xi32, #tpu.memory_space<vmem>>)
      %dma_start3A_52 = arith.constant 0 : i32
      %dma_start3A_53 = arith.constant 0 : i32
      %dma_start3A_54 = tpu.memref_slice %arg6[%dma_start3A_52, %dma_start3A_53] : memref<18x112xi32, #tpu.memory_space<vmem>> -> memref<1x112xi32, #tpu.memory_space<vmem>>
      %dma_start3A_55 = tpu.memref_squeeze %dma_start3A_54 : memref<1x112xi32, #tpu.memory_space<vmem>> -> memref<112xi32, #tpu.memory_space<vmem>>
      %dma_start3A_56 = arith.constant 0 : i32
      %dma_start3A_57 = arith.constant 0 : i32
      %dma_start3A_58 = tpu.memref_slice %arg2[%dma_start3A_56, %dma_start3A_57] : memref<10000x128xf32, #tpu.memory_space<hbm>> -> memref<10000x128xf32, #tpu.memory_space<hbm>>
      tpu.enqueue_indirect_dma source(%dma_start3A_58 : memref<10000x128xf32, #tpu.memory_space<hbm>>) target(%arg8 : memref<112x128xf32, #tpu.memory_space<vmem>>) offsets(%dma_start3A_55 : memref<112xi32, #tpu.memory_space<vmem>>) semaphore(%arg11 : memref<!tpu.dma_semaphore, #tpu.memory_space<semaphore_mem>>)
      %dma_start3A_59 = arith.constant 1 : i32
      %dma_start3A_60 = arith.constant 0 : i32
      %dma_start3A_61 = tpu.memref_slice %arg6[%dma_start3A_59, %dma_start3A_60] : memref<18x112xi32, #tpu.memory_space<vmem>> -> memref<1x112xi32, #tpu.memory_space<vmem>>
      %dma_start3A_62 = tpu.memref_squeeze %dma_start3A_61 : memref<1x112xi32, #tpu.memory_space<vmem>> -> memref<112xi32, #tpu.memory_space<vmem>>
      %dma_start3A_63 = arith.constant 0 : i32
      %dma_start3A_64 = arith.constant 0 : i32
      %dma_start3A_65 = tpu.memref_slice %arg2[%dma_start3A_63, %dma_start3A_64] : memref<10000x128xf32, #tpu.memory_space<hbm>> -> memref<10000x128xf32, #tpu.memory_space<hbm>>
      tpu.enqueue_indirect_dma source(%dma_start3A_65 : memref<10000x128xf32, #tpu.memory_space<hbm>>) target(%arg9 : memref<112x128xf32, #tpu.memory_space<vmem>>) offsets(%dma_start3A_62 : memref<112xi32, #tpu.memory_space<vmem>>) semaphore(%arg12 : memref<!tpu.dma_semaphore, #tpu.memory_space<semaphore_mem>>)
      %dma_start3A_66 = arith.constant 2 : i32
      %dma_start3A_67 = arith.constant 0 : i32
      %dma_start3A_68 = tpu.memref_slice %arg6[%dma_start3A_66, %dma_start3A_67] : memref<18x112xi32, #tpu.memory_space<vmem>> -> memref<1x112xi32, #tpu.memory_space<vmem>>
      %dma_start3A_69 = tpu.memref_squeeze %dma_start3A_68 : memref<1x112xi32, #tpu.memory_space<vmem>> -> memref<112xi32, #tpu.memory_space<vmem>>
      %dma_start3A_70 = arith.constant 0 : i32
      %dma_start3A_71 = arith.constant 0 : i32
      %dma_start3A_72 = tpu.memref_slice %arg2[%dma_start3A_70, %dma_start3A_71] : memref<10000x128xf32, #tpu.memory_space<hbm>> -> memref<10000x128xf32, #tpu.memory_space<hbm>>
      tpu.enqueue_indirect_dma source(%dma_start3A_72 : memref<10000x128xf32, #tpu.memory_space<hbm>>) target(%arg10 : memref<112x128xf32, #tpu.memory_space<vmem>>) offsets(%dma_start3A_69 : memref<112xi32, #tpu.memory_space<vmem>>) semaphore(%arg13 : memref<!tpu.dma_semaphore, #tpu.memory_space<semaphore_mem>>)
      %eq3A = arith.constant 0 : i32
      %eq3A_73 = arith.cmpi eq, %add3A_16, %eq3A : i32
      %convert_element_type3A = arith.extui %eq3A_73 : i1 to i32
      %cond3A = arith.constant 0 : i32
      %cond3A_74 = arith.cmpi ne, %convert_element_type3A, %cond3A : i32
      scf.if %cond3A_74 {
        %dma_wait3A_143 = arith.constant 0 : i32
        %dma_wait3A_144 = tpu.memref_slice %arg18[%mul3A_2, %dma_wait3A_143] : memref<10112x128xf32, #tpu.memory_space<vmem_shared>> -> memref<632x128xf32, #tpu.memory_space<vmem_shared>>
        tpu.wait_dma2 semaphore(%arg17 : memref<!tpu.dma_semaphore, #tpu.memory_space<semaphore_mem>>) src(%arg4 : memref<632x128xf32, #tpu.memory_space<hbm>>) dst(%dma_wait3A_144 : memref<632x128xf32, #tpu.memory_space<vmem_shared>>)
        %barrier3A_145 = arith.constant 0 : index
        tpu.barrier barrier_id(%barrier3A_145)
      } else {
      }
      %dma_wait3A_75 = arith.constant 0 : i32
      %dma_wait3A_76 = arith.constant 0 : i32
      %dma_wait3A_77 = tpu.memref_slice %arg6[%dma_wait3A_75, %dma_wait3A_76] : memref<18x112xi32, #tpu.memory_space<vmem>> -> memref<1x112xi32, #tpu.memory_space<vmem>>
      %dma_wait3A_78 = tpu.memref_squeeze %dma_wait3A_77 : memref<1x112xi32, #tpu.memory_space<vmem>> -> memref<112xi32, #tpu.memory_space<vmem>>
      %dma_wait3A_79 = arith.constant 0 : i32
      %dma_wait3A_80 = arith.constant 0 : i32
      %dma_wait3A_81 = tpu.memref_slice %arg2[%dma_wait3A_79, %dma_wait3A_80] : memref<10000x128xf32, #tpu.memory_space<hbm>> -> memref<10000x128xf32, #tpu.memory_space<hbm>>
      tpu.wait_indirect_dma semaphore(%arg11 : memref<!tpu.dma_semaphore, #tpu.memory_space<semaphore_mem>>) src(%dma_wait3A_81 : memref<10000x128xf32, #tpu.memory_space<hbm>>) dst(%arg8 : memref<112x128xf32, #tpu.memory_space<vmem>>)
      %dma_start3A_82 = arith.constant 0 : i32
      %dma_start3A_83 = arith.constant 0 : i32
      %dma_start3A_84 = tpu.memref_slice %arg7[%dma_start3A_82, %dma_start3A_83] : memref<18x112xi32, #tpu.memory_space<vmem>> -> memref<1x112xi32, #tpu.memory_space<vmem>>
      %dma_start3A_85 = tpu.memref_squeeze %dma_start3A_84 : memref<1x112xi32, #tpu.memory_space<vmem>> -> memref<112xi32, #tpu.memory_space<vmem>>
      %dma_start3A_86 = arith.constant 0 : i32
      %dma_start3A_87 = arith.constant 0 : i32
      %dma_start3A_88 = tpu.memref_slice %arg18[%dma_start3A_86, %dma_start3A_87] : memref<10112x128xf32, #tpu.memory_space<vmem_shared>> -> memref<10112x128xf32, #tpu.memory_space<vmem_shared>>
      tpu.enqueue_indirect_dma source(%arg8 : memref<112x128xf32, #tpu.memory_space<vmem>>) target(%dma_start3A_88 : memref<10112x128xf32, #tpu.memory_space<vmem_shared>>) offsets(%dma_start3A_85 : memref<112xi32, #tpu.memory_space<vmem>>) semaphore(%arg14 : memref<!tpu.dma_semaphore, #tpu.memory_space<semaphore_mem>>) {add = true}
      %scan3A_89 = arith.constant 0 : i32
      %scan3A_90 = arith.constant 5 : i32
      %scan3A_91 = arith.addi %scan3A_89, %scan3A_90 : i32
      %scan3A_92 = arith.constant 1 : i32
      scf.for %scan3A_143 = %scan3A_89 to %scan3A_91 step %scan3A_92  : i32 {
        %mul3A_144 = arith.constant 1 : i32
        %mul3A_145 = arith.muli %scan3A_143, %mul3A_144 : i32
        %add3A_146 = arith.constant 1 : i32
        %add3A_147 = arith.addi %add3A_146, %mul3A_145 : i32
        %mul3A_148 = arith.constant 3 : i32
        %mul3A_149 = arith.muli %mul3A_148, %add3A_147 : i32
        %add3A_150 = arith.constant 0 : i32
        %add3A_151 = arith.addi %mul3A_149, %add3A_150 : i32
        %dma_wait3A_152 = arith.constant 0 : i32
        %dma_wait3A_153 = arith.constant 0 : i32
        %dma_wait3A_154 = tpu.memref_slice %arg7[%dma_wait3A_152, %dma_wait3A_153] : memref<18x112xi32, #tpu.memory_space<vmem>> -> memref<1x112xi32, #tpu.memory_space<vmem>>
        %dma_wait3A_155 = tpu.memref_squeeze %dma_wait3A_154 : memref<1x112xi32, #tpu.memory_space<vmem>> -> memref<112xi32, #tpu.memory_space<vmem>>
        %dma_wait3A_156 = arith.constant 0 : i32
        %dma_wait3A_157 = arith.constant 0 : i32
        %dma_wait3A_158 = tpu.memref_slice %arg18[%dma_wait3A_156, %dma_wait3A_157] : memref<10112x128xf32, #tpu.memory_space<vmem_shared>> -> memref<10112x128xf32, #tpu.memory_space<vmem_shared>>
        tpu.wait_indirect_dma semaphore(%arg14 : memref<!tpu.dma_semaphore, #tpu.memory_space<semaphore_mem>>) src(%arg8 : memref<112x128xf32, #tpu.memory_space<vmem>>) dst(%dma_wait3A_158 : memref<10112x128xf32, #tpu.memory_space<vmem_shared>>)
        %dma_start3A_159 = arith.constant 0 : i32
        %dma_start3A_160 = tpu.memref_slice %arg6[%add3A_151, %dma_start3A_159] : memref<18x112xi32, #tpu.memory_space<vmem>> -> memref<1x112xi32, #tpu.memory_space<vmem>>
        %dma_start3A_161 = tpu.memref_squeeze %dma_start3A_160 : memref<1x112xi32, #tpu.memory_space<vmem>> -> memref<112xi32, #tpu.memory_space<vmem>>
        %dma_start3A_162 = arith.constant 0 : i32
        %dma_start3A_163 = arith.constant 0 : i32
        %dma_start3A_164 = tpu.memref_slice %arg2[%dma_start3A_162, %dma_start3A_163] : memref<10000x128xf32, #tpu.memory_space<hbm>> -> memref<10000x128xf32, #tpu.memory_space<hbm>>
        tpu.enqueue_indirect_dma source(%dma_start3A_164 : memref<10000x128xf32, #tpu.memory_space<hbm>>) target(%arg8 : memref<112x128xf32, #tpu.memory_space<vmem>>) offsets(%dma_start3A_161 : memref<112xi32, #tpu.memory_space<vmem>>) semaphore(%arg11 : memref<!tpu.dma_semaphore, #tpu.memory_space<semaphore_mem>>)
        %dma_wait3A_165 = arith.constant 0 : i32
        %dma_wait3A_166 = arith.constant 0 : i32
        %dma_wait3A_167 = tpu.memref_slice %arg6[%dma_wait3A_165, %dma_wait3A_166] : memref<18x112xi32, #tpu.memory_space<vmem>> -> memref<1x112xi32, #tpu.memory_space<vmem>>
        %dma_wait3A_168 = tpu.memref_squeeze %dma_wait3A_167 : memref<1x112xi32, #tpu.memory_space<vmem>> -> memref<112xi32, #tpu.memory_space<vmem>>
        %dma_wait3A_169 = arith.constant 0 : i32
        %dma_wait3A_170 = arith.constant 0 : i32
        %dma_wait3A_171 = tpu.memref_slice %arg2[%dma_wait3A_169, %dma_wait3A_170] : memref<10000x128xf32, #tpu.memory_space<hbm>> -> memref<10000x128xf32, #tpu.memory_space<hbm>>
        tpu.wait_indirect_dma semaphore(%arg12 : memref<!tpu.dma_semaphore, #tpu.memory_space<semaphore_mem>>) src(%dma_wait3A_171 : memref<10000x128xf32, #tpu.memory_space<hbm>>) dst(%arg9 : memref<112x128xf32, #tpu.memory_space<vmem>>)
        %sub3A = arith.constant 2 : i32
        %sub3A_172 = arith.subi %add3A_151, %sub3A : i32
        %dma_start3A_173 = arith.constant 0 : i32
        %dma_start3A_174 = tpu.memref_slice %arg7[%sub3A_172, %dma_start3A_173] : memref<18x112xi32, #tpu.memory_space<vmem>> -> memref<1x112xi32, #tpu.memory_space<vmem>>
        %dma_start3A_175 = tpu.memref_squeeze %dma_start3A_174 : memref<1x112xi32, #tpu.memory_space<vmem>> -> memref<112xi32, #tpu.memory_space<vmem>>
        %dma_start3A_176 = arith.constant 0 : i32
        %dma_start3A_177 = arith.constant 0 : i32
        %dma_start3A_178 = tpu.memref_slice %arg18[%dma_start3A_176, %dma_start3A_177] : memref<10112x128xf32, #tpu.memory_space<vmem_shared>> -> memref<10112x128xf32, #tpu.memory_space<vmem_shared>>
        tpu.enqueue_indirect_dma source(%arg9 : memref<112x128xf32, #tpu.memory_space<vmem>>) target(%dma_start3A_178 : memref<10112x128xf32, #tpu.memory_space<vmem_shared>>) offsets(%dma_start3A_175 : memref<112xi32, #tpu.memory_space<vmem>>) semaphore(%arg15 : memref<!tpu.dma_semaphore, #tpu.memory_space<semaphore_mem>>) {add = true}
        %add3A_179 = arith.constant 1 : i32
        %add3A_180 = arith.addi %mul3A_149, %add3A_179 : i32
        %dma_wait3A_181 = arith.constant 0 : i32
        %dma_wait3A_182 = arith.constant 0 : i32
        %dma_wait3A_183 = tpu.memref_slice %arg7[%dma_wait3A_181, %dma_wait3A_182] : memref<18x112xi32, #tpu.memory_space<vmem>> -> memref<1x112xi32, #tpu.memory_space<vmem>>
        %dma_wait3A_184 = tpu.memref_squeeze %dma_wait3A_183 : memref<1x112xi32, #tpu.memory_space<vmem>> -> memref<112xi32, #tpu.memory_space<vmem>>
        %dma_wait3A_185 = arith.constant 0 : i32
        %dma_wait3A_186 = arith.constant 0 : i32
        %dma_wait3A_187 = tpu.memref_slice %arg18[%dma_wait3A_185, %dma_wait3A_186] : memref<10112x128xf32, #tpu.memory_space<vmem_shared>> -> memref<10112x128xf32, #tpu.memory_space<vmem_shared>>
        tpu.wait_indirect_dma semaphore(%arg15 : memref<!tpu.dma_semaphore, #tpu.memory_space<semaphore_mem>>) src(%arg9 : memref<112x128xf32, #tpu.memory_space<vmem>>) dst(%dma_wait3A_187 : memref<10112x128xf32, #tpu.memory_space<vmem_shared>>)
        %dma_start3A_188 = arith.constant 0 : i32
        %dma_start3A_189 = tpu.memref_slice %arg6[%add3A_180, %dma_start3A_188] : memref<18x112xi32, #tpu.memory_space<vmem>> -> memref<1x112xi32, #tpu.memory_space<vmem>>
        %dma_start3A_190 = tpu.memref_squeeze %dma_start3A_189 : memref<1x112xi32, #tpu.memory_space<vmem>> -> memref<112xi32, #tpu.memory_space<vmem>>
        %dma_start3A_191 = arith.constant 0 : i32
        %dma_start3A_192 = arith.constant 0 : i32
        %dma_start3A_193 = tpu.memref_slice %arg2[%dma_start3A_191, %dma_start3A_192] : memref<10000x128xf32, #tpu.memory_space<hbm>> -> memref<10000x128xf32, #tpu.memory_space<hbm>>
        tpu.enqueue_indirect_dma source(%dma_start3A_193 : memref<10000x128xf32, #tpu.memory_space<hbm>>) target(%arg9 : memref<112x128xf32, #tpu.memory_space<vmem>>) offsets(%dma_start3A_190 : memref<112xi32, #tpu.memory_space<vmem>>) semaphore(%arg12 : memref<!tpu.dma_semaphore, #tpu.memory_space<semaphore_mem>>)
        %dma_wait3A_194 = arith.constant 0 : i32
        %dma_wait3A_195 = arith.constant 0 : i32
        %dma_wait3A_196 = tpu.memref_slice %arg6[%dma_wait3A_194, %dma_wait3A_195] : memref<18x112xi32, #tpu.memory_space<vmem>> -> memref<1x112xi32, #tpu.memory_space<vmem>>
        %dma_wait3A_197 = tpu.memref_squeeze %dma_wait3A_196 : memref<1x112xi32, #tpu.memory_space<vmem>> -> memref<112xi32, #tpu.memory_space<vmem>>
        %dma_wait3A_198 = arith.constant 0 : i32
        %dma_wait3A_199 = arith.constant 0 : i32
        %dma_wait3A_200 = tpu.memref_slice %arg2[%dma_wait3A_198, %dma_wait3A_199] : memref<10000x128xf32, #tpu.memory_space<hbm>> -> memref<10000x128xf32, #tpu.memory_space<hbm>>
        tpu.wait_indirect_dma semaphore(%arg13 : memref<!tpu.dma_semaphore, #tpu.memory_space<semaphore_mem>>) src(%dma_wait3A_200 : memref<10000x128xf32, #tpu.memory_space<hbm>>) dst(%arg10 : memref<112x128xf32, #tpu.memory_space<vmem>>)
        %sub3A_201 = arith.constant 2 : i32
        %sub3A_202 = arith.subi %add3A_180, %sub3A_201 : i32
        %dma_start3A_203 = arith.constant 0 : i32
        %dma_start3A_204 = tpu.memref_slice %arg7[%sub3A_202, %dma_start3A_203] : memref<18x112xi32, #tpu.memory_space<vmem>> -> memref<1x112xi32, #tpu.memory_space<vmem>>
        %dma_start3A_205 = tpu.memref_squeeze %dma_start3A_204 : memref<1x112xi32, #tpu.memory_space<vmem>> -> memref<112xi32, #tpu.memory_space<vmem>>
        %dma_start3A_206 = arith.constant 0 : i32
        %dma_start3A_207 = arith.constant 0 : i32
        %dma_start3A_208 = tpu.memref_slice %arg18[%dma_start3A_206, %dma_start3A_207] : memref<10112x128xf32, #tpu.memory_space<vmem_shared>> -> memref<10112x128xf32, #tpu.memory_space<vmem_shared>>
        tpu.enqueue_indirect_dma source(%arg10 : memref<112x128xf32, #tpu.memory_space<vmem>>) target(%dma_start3A_208 : memref<10112x128xf32, #tpu.memory_space<vmem_shared>>) offsets(%dma_start3A_205 : memref<112xi32, #tpu.memory_space<vmem>>) semaphore(%arg16 : memref<!tpu.dma_semaphore, #tpu.memory_space<semaphore_mem>>) {add = true}
        %add3A_209 = arith.constant 2 : i32
        %add3A_210 = arith.addi %mul3A_149, %add3A_209 : i32
        %dma_wait3A_211 = arith.constant 0 : i32
        %dma_wait3A_212 = arith.constant 0 : i32
        %dma_wait3A_213 = tpu.memref_slice %arg7[%dma_wait3A_211, %dma_wait3A_212] : memref<18x112xi32, #tpu.memory_space<vmem>> -> memref<1x112xi32, #tpu.memory_space<vmem>>
        %dma_wait3A_214 = tpu.memref_squeeze %dma_wait3A_213 : memref<1x112xi32, #tpu.memory_space<vmem>> -> memref<112xi32, #tpu.memory_space<vmem>>
        %dma_wait3A_215 = arith.constant 0 : i32
        %dma_wait3A_216 = arith.constant 0 : i32
        %dma_wait3A_217 = tpu.memref_slice %arg18[%dma_wait3A_215, %dma_wait3A_216] : memref<10112x128xf32, #tpu.memory_space<vmem_shared>> -> memref<10112x128xf32, #tpu.memory_space<vmem_shared>>
        tpu.wait_indirect_dma semaphore(%arg16 : memref<!tpu.dma_semaphore, #tpu.memory_space<semaphore_mem>>) src(%arg10 : memref<112x128xf32, #tpu.memory_space<vmem>>) dst(%dma_wait3A_217 : memref<10112x128xf32, #tpu.memory_space<vmem_shared>>)
        %dma_start3A_218 = arith.constant 0 : i32
        %dma_start3A_219 = tpu.memref_slice %arg6[%add3A_210, %dma_start3A_218] : memref<18x112xi32, #tpu.memory_space<vmem>> -> memref<1x112xi32, #tpu.memory_space<vmem>>
        %dma_start3A_220 = tpu.memref_squeeze %dma_start3A_219 : memref<1x112xi32, #tpu.memory_space<vmem>> -> memref<112xi32, #tpu.memory_space<vmem>>
        %dma_start3A_221 = arith.constant 0 : i32
        %dma_start3A_222 = arith.constant 0 : i32
        %dma_start3A_223 = tpu.memref_slice %arg2[%dma_start3A_221, %dma_start3A_222] : memref<10000x128xf32, #tpu.memory_space<hbm>> -> memref<10000x128xf32, #tpu.memory_space<hbm>>
        tpu.enqueue_indirect_dma source(%dma_start3A_223 : memref<10000x128xf32, #tpu.memory_space<hbm>>) target(%arg10 : memref<112x128xf32, #tpu.memory_space<vmem>>) offsets(%dma_start3A_220 : memref<112xi32, #tpu.memory_space<vmem>>) semaphore(%arg13 : memref<!tpu.dma_semaphore, #tpu.memory_space<semaphore_mem>>)
        %dma_wait3A_224 = arith.constant 0 : i32
        %dma_wait3A_225 = arith.constant 0 : i32
        %dma_wait3A_226 = tpu.memref_slice %arg6[%dma_wait3A_224, %dma_wait3A_225] : memref<18x112xi32, #tpu.memory_space<vmem>> -> memref<1x112xi32, #tpu.memory_space<vmem>>
        %dma_wait3A_227 = tpu.memref_squeeze %dma_wait3A_226 : memref<1x112xi32, #tpu.memory_space<vmem>> -> memref<112xi32, #tpu.memory_space<vmem>>
        %dma_wait3A_228 = arith.constant 0 : i32
        %dma_wait3A_229 = arith.constant 0 : i32
        %dma_wait3A_230 = tpu.memref_slice %arg2[%dma_wait3A_228, %dma_wait3A_229] : memref<10000x128xf32, #tpu.memory_space<hbm>> -> memref<10000x128xf32, #tpu.memory_space<hbm>>
        tpu.wait_indirect_dma semaphore(%arg11 : memref<!tpu.dma_semaphore, #tpu.memory_space<semaphore_mem>>) src(%dma_wait3A_230 : memref<10000x128xf32, #tpu.memory_space<hbm>>) dst(%arg8 : memref<112x128xf32, #tpu.memory_space<vmem>>)
        %sub3A_231 = arith.constant 2 : i32
        %sub3A_232 = arith.subi %add3A_210, %sub3A_231 : i32
        %dma_start3A_233 = arith.constant 0 : i32
        %dma_start3A_234 = tpu.memref_slice %arg7[%sub3A_232, %dma_start3A_233] : memref<18x112xi32, #tpu.memory_space<vmem>> -> memref<1x112xi32, #tpu.memory_space<vmem>>
        %dma_start3A_235 = tpu.memref_squeeze %dma_start3A_234 : memref<1x112xi32, #tpu.memory_space<vmem>> -> memref<112xi32, #tpu.memory_space<vmem>>
        %dma_start3A_236 = arith.constant 0 : i32
        %dma_start3A_237 = arith.constant 0 : i32
        %dma_start3A_238 = tpu.memref_slice %arg18[%dma_start3A_236, %dma_start3A_237] : memref<10112x128xf32, #tpu.memory_space<vmem_shared>> -> memref<10112x128xf32, #tpu.memory_space<vmem_shared>>
        tpu.enqueue_indirect_dma source(%arg8 : memref<112x128xf32, #tpu.memory_space<vmem>>) target(%dma_start3A_238 : memref<10112x128xf32, #tpu.memory_space<vmem_shared>>) offsets(%dma_start3A_235 : memref<112xi32, #tpu.memory_space<vmem>>) semaphore(%arg14 : memref<!tpu.dma_semaphore, #tpu.memory_space<semaphore_mem>>) {add = true}
      }
      %scan3A_93 = arith.constant 5 : i32
      %dma_wait3A_94 = arith.constant 0 : i32
      %dma_wait3A_95 = arith.constant 0 : i32
      %dma_wait3A_96 = tpu.memref_slice %arg6[%dma_wait3A_94, %dma_wait3A_95] : memref<18x112xi32, #tpu.memory_space<vmem>> -> memref<1x112xi32, #tpu.memory_space<vmem>>
      %dma_wait3A_97 = tpu.memref_squeeze %dma_wait3A_96 : memref<1x112xi32, #tpu.memory_space<vmem>> -> memref<112xi32, #tpu.memory_space<vmem>>
      %dma_wait3A_98 = arith.constant 0 : i32
      %dma_wait3A_99 = arith.constant 0 : i32
      %dma_wait3A_100 = tpu.memref_slice %arg2[%dma_wait3A_98, %dma_wait3A_99] : memref<10000x128xf32, #tpu.memory_space<hbm>> -> memref<10000x128xf32, #tpu.memory_space<hbm>>
      tpu.wait_indirect_dma semaphore(%arg12 : memref<!tpu.dma_semaphore, #tpu.memory_space<semaphore_mem>>) src(%dma_wait3A_100 : memref<10000x128xf32, #tpu.memory_space<hbm>>) dst(%arg9 : memref<112x128xf32, #tpu.memory_space<vmem>>)
      %dma_start3A_101 = arith.constant 16 : i32
      %dma_start3A_102 = arith.constant 0 : i32
      %dma_start3A_103 = tpu.memref_slice %arg7[%dma_start3A_101, %dma_start3A_102] : memref<18x112xi32, #tpu.memory_space<vmem>> -> memref<1x112xi32, #tpu.memory_space<vmem>>
      %dma_start3A_104 = tpu.memref_squeeze %dma_start3A_103 : memref<1x112xi32, #tpu.memory_space<vmem>> -> memref<112xi32, #tpu.memory_space<vmem>>
      %dma_start3A_105 = arith.constant 0 : i32
      %dma_start3A_106 = arith.constant 0 : i32
      %dma_start3A_107 = tpu.memref_slice %arg18[%dma_start3A_105, %dma_start3A_106] : memref<10112x128xf32, #tpu.memory_space<vmem_shared>> -> memref<10112x128xf32, #tpu.memory_space<vmem_shared>>
      tpu.enqueue_indirect_dma source(%arg9 : memref<112x128xf32, #tpu.memory_space<vmem>>) target(%dma_start3A_107 : memref<10112x128xf32, #tpu.memory_space<vmem_shared>>) offsets(%dma_start3A_104 : memref<112xi32, #tpu.memory_space<vmem>>) semaphore(%arg15 : memref<!tpu.dma_semaphore, #tpu.memory_space<semaphore_mem>>) {add = true}
      %dma_wait3A_108 = arith.constant 0 : i32
      %dma_wait3A_109 = arith.constant 0 : i32
      %dma_wait3A_110 = tpu.memref_slice %arg6[%dma_wait3A_108, %dma_wait3A_109] : memref<18x112xi32, #tpu.memory_space<vmem>> -> memref<1x112xi32, #tpu.memory_space<vmem>>
      %dma_wait3A_111 = tpu.memref_squeeze %dma_wait3A_110 : memref<1x112xi32, #tpu.memory_space<vmem>> -> memref<112xi32, #tpu.memory_space<vmem>>
      %dma_wait3A_112 = arith.constant 0 : i32
      %dma_wait3A_113 = arith.constant 0 : i32
      %dma_wait3A_114 = tpu.memref_slice %arg2[%dma_wait3A_112, %dma_wait3A_113] : memref<10000x128xf32, #tpu.memory_space<hbm>> -> memref<10000x128xf32, #tpu.memory_space<hbm>>
      tpu.wait_indirect_dma semaphore(%arg13 : memref<!tpu.dma_semaphore, #tpu.memory_space<semaphore_mem>>) src(%dma_wait3A_114 : memref<10000x128xf32, #tpu.memory_space<hbm>>) dst(%arg10 : memref<112x128xf32, #tpu.memory_space<vmem>>)
      %dma_start3A_115 = arith.constant 17 : i32
      %dma_start3A_116 = arith.constant 0 : i32
      %dma_start3A_117 = tpu.memref_slice %arg7[%dma_start3A_115, %dma_start3A_116] : memref<18x112xi32, #tpu.memory_space<vmem>> -> memref<1x112xi32, #tpu.memory_space<vmem>>
      %dma_start3A_118 = tpu.memref_squeeze %dma_start3A_117 : memref<1x112xi32, #tpu.memory_space<vmem>> -> memref<112xi32, #tpu.memory_space<vmem>>
      %dma_start3A_119 = arith.constant 0 : i32
      %dma_start3A_120 = arith.constant 0 : i32
      %dma_start3A_121 = tpu.memref_slice %arg18[%dma_start3A_119, %dma_start3A_120] : memref<10112x128xf32, #tpu.memory_space<vmem_shared>> -> memref<10112x128xf32, #tpu.memory_space<vmem_shared>>
      tpu.enqueue_indirect_dma source(%arg10 : memref<112x128xf32, #tpu.memory_space<vmem>>) target(%dma_start3A_121 : memref<10112x128xf32, #tpu.memory_space<vmem_shared>>) offsets(%dma_start3A_118 : memref<112xi32, #tpu.memory_space<vmem>>) semaphore(%arg16 : memref<!tpu.dma_semaphore, #tpu.memory_space<semaphore_mem>>) {add = true}
      %dma_wait3A_122 = arith.constant 0 : i32
      %dma_wait3A_123 = arith.constant 0 : i32
      %dma_wait3A_124 = tpu.memref_slice %arg7[%dma_wait3A_122, %dma_wait3A_123] : memref<18x112xi32, #tpu.memory_space<vmem>> -> memref<1x112xi32, #tpu.memory_space<vmem>>
      %dma_wait3A_125 = tpu.memref_squeeze %dma_wait3A_124 : memref<1x112xi32, #tpu.memory_space<vmem>> -> memref<112xi32, #tpu.memory_space<vmem>>
      %dma_wait3A_126 = arith.constant 0 : i32
      %dma_wait3A_127 = arith.constant 0 : i32
      %dma_wait3A_128 = tpu.memref_slice %arg18[%dma_wait3A_126, %dma_wait3A_127] : memref<10112x128xf32, #tpu.memory_space<vmem_shared>> -> memref<10112x128xf32, #tpu.memory_space<vmem_shared>>
      tpu.wait_indirect_dma semaphore(%arg14 : memref<!tpu.dma_semaphore, #tpu.memory_space<semaphore_mem>>) src(%arg8 : memref<112x128xf32, #tpu.memory_space<vmem>>) dst(%dma_wait3A_128 : memref<10112x128xf32, #tpu.memory_space<vmem_shared>>)
      %dma_wait3A_129 = arith.constant 0 : i32
      %dma_wait3A_130 = arith.constant 0 : i32
      %dma_wait3A_131 = tpu.memref_slice %arg7[%dma_wait3A_129, %dma_wait3A_130] : memref<18x112xi32, #tpu.memory_space<vmem>> -> memref<1x112xi32, #tpu.memory_space<vmem>>
      %dma_wait3A_132 = tpu.memref_squeeze %dma_wait3A_131 : memref<1x112xi32, #tpu.memory_space<vmem>> -> memref<112xi32, #tpu.memory_space<vmem>>
      %dma_wait3A_133 = arith.constant 0 : i32
      %dma_wait3A_134 = arith.constant 0 : i32
      %dma_wait3A_135 = tpu.memref_slice %arg18[%dma_wait3A_133, %dma_wait3A_134] : memref<10112x128xf32, #tpu.memory_space<vmem_shared>> -> memref<10112x128xf32, #tpu.memory_space<vmem_shared>>
      tpu.wait_indirect_dma semaphore(%arg15 : memref<!tpu.dma_semaphore, #tpu.memory_space<semaphore_mem>>) src(%arg9 : memref<112x128xf32, #tpu.memory_space<vmem>>) dst(%dma_wait3A_135 : memref<10112x128xf32, #tpu.memory_space<vmem_shared>>)
      %dma_wait3A_136 = arith.constant 0 : i32
      %dma_wait3A_137 = arith.constant 0 : i32
      %dma_wait3A_138 = tpu.memref_slice %arg7[%dma_wait3A_136, %dma_wait3A_137] : memref<18x112xi32, #tpu.memory_space<vmem>> -> memref<1x112xi32, #tpu.memory_space<vmem>>
      %dma_wait3A_139 = tpu.memref_squeeze %dma_wait3A_138 : memref<1x112xi32, #tpu.memory_space<vmem>> -> memref<112xi32, #tpu.memory_space<vmem>>
      %dma_wait3A_140 = arith.constant 0 : i32
      %dma_wait3A_141 = arith.constant 0 : i32
      %dma_wait3A_142 = tpu.memref_slice %arg18[%dma_wait3A_140, %dma_wait3A_141] : memref<10112x128xf32, #tpu.memory_space<vmem_shared>> -> memref<10112x128xf32, #tpu.memory_space<vmem_shared>>
      tpu.wait_indirect_dma semaphore(%arg16 : memref<!tpu.dma_semaphore, #tpu.memory_space<semaphore_mem>>) src(%arg10 : memref<112x128xf32, #tpu.memory_space<vmem>>) dst(%dma_wait3A_142 : memref<10112x128xf32, #tpu.memory_space<vmem_shared>>)
    }
    %scan3A_7 = arith.constant 5 : i32
    %barrier3A = arith.constant 0 : index
    tpu.barrier barrier_id(%barrier3A)
    %mul3A_8 = arith.constant 632 : i32
    %mul3A_9 = arith.muli %arg1, %mul3A_8 : i32
    %mul3A_10 = arith.constant 632 : i32
    %mul3A_11 = arith.muli %arg1, %mul3A_10 : i32
    "tpu.region"() ({
      %run_scoped3A = tpu.sem_alloc : memref<!tpu.dma_semaphore, #tpu.memory_space<semaphore_mem>>
      %dma_start3A_12 = arith.constant 0 : i32
      %dma_start3A_13 = tpu.memref_slice %arg5[%arg0, %mul3A_11, %dma_start3A_12] : memref<2x10112x128xf32, #tpu.memory_space<hbm>> -> memref<1x632x128xf32, #tpu.memory_space<hbm>>
      %dma_start3A_14 = tpu.memref_squeeze %dma_start3A_13 : memref<1x632x128xf32, #tpu.memory_space<hbm>> -> memref<632x128xf32, #tpu.memory_space<hbm>>
      %dma_start3A_15 = arith.constant 0 : i32
      %dma_start3A_16 = tpu.memref_slice %arg18[%mul3A_9, %dma_start3A_15] : memref<10112x128xf32, #tpu.memory_space<vmem_shared>> -> memref<632x128xf32, #tpu.memory_space<vmem_shared>>
      tpu.enqueue_dma source(%dma_start3A_16 : memref<632x128xf32, #tpu.memory_space<vmem_shared>>) target(%dma_start3A_14 : memref<632x128xf32, #tpu.memory_space<hbm>>) target_semaphore(%run_scoped3A : memref<!tpu.dma_semaphore, #tpu.memory_space<semaphore_mem>>)
      %dma_wait3A = arith.constant 0 : i32
      %dma_wait3A_17 = tpu.memref_slice %arg5[%arg0, %mul3A_11, %dma_wait3A] : memref<2x10112x128xf32, #tpu.memory_space<hbm>> -> memref<1x632x128xf32, #tpu.memory_space<hbm>>
      %dma_wait3A_18 = tpu.memref_squeeze %dma_wait3A_17 : memref<1x632x128xf32, #tpu.memory_space<hbm>> -> memref<632x128xf32, #tpu.memory_space<hbm>>
      %dma_wait3A_19 = arith.constant 0 : i32
      %dma_wait3A_20 = tpu.memref_slice %arg18[%mul3A_9, %dma_wait3A_19] : memref<10112x128xf32, #tpu.memory_space<vmem_shared>> -> memref<632x128xf32, #tpu.memory_space<vmem_shared>>
      tpu.wait_dma2 semaphore(%run_scoped3A : memref<!tpu.dma_semaphore, #tpu.memory_space<semaphore_mem>>) src(%dma_wait3A_20 : memref<632x128xf32, #tpu.memory_space<vmem_shared>>) dst(%dma_wait3A_18 : memref<632x128xf32, #tpu.memory_space<hbm>>)
      tpu.yield
    }) : () -> ()
    return
  }
}

#map = affine_map<(d0, d1) -> (0, 0, 0, 0, 0)>
#map1 = affine_map<(d0, d1) -> (0)>
#map2 = affine_map<(d0, d1) -> (0, 0)>
module attributes {stable_mosaic.version = 14 : i64} {
  func.func @_deg_body(%arg0: i32, %arg1: i32, %arg2: memref<2x32x5x18x112xi32, #tpu.memory_space<hbm>>, %arg3: memref<112xf32, #tpu.memory_space<hbm>>, %arg4: memref<640xf32, #tpu.memory_space<hbm>>, %arg5: memref<2x10240xf32, #tpu.memory_space<hbm>>, %arg6: memref<5x18x112xi32, #tpu.memory_space<vmem>>, %arg7: memref<112xf32, #tpu.memory_space<vmem>>, %arg8: memref<!tpu.dma_semaphore, #tpu.memory_space<semaphore_mem>>, %arg9: memref<10240xf32, #tpu.memory_space<vmem_shared>>) attributes {dimension_semantics = [#tpu.dimension_semantics<core_parallel>, #tpu.dimension_semantics<subcore_parallel>], iteration_bounds = array<i64: 2, 16>, scalar_prefetch = 0 : i64, scratch_operands = 4 : i64, tpu.core_type = #tpu.core_type<sc_vector_subcore>, window_params = [{transform_indices = #map}, {transform_indices = #map1}, {transform_indices = #map1}, {transform_indices = #map2}]} {
    %mul3A = arith.constant 16 : i32
    %mul3A_0 = arith.muli %arg0, %mul3A : i32
    %add3A = arith.addi %mul3A_0, %arg1 : i32
    %mul3A_1 = arith.constant 640 : i32
    %mul3A_2 = arith.muli %arg1, %mul3A_1 : i32
    "tpu.region"() ({
      %run_scoped3A_17 = tpu.sem_alloc : memref<!tpu.dma_semaphore, #tpu.memory_space<semaphore_mem>>
      %dma_start3A = tpu.memref_slice %arg9[%mul3A_2] : memref<10240xf32, #tpu.memory_space<vmem_shared>> -> memref<640xf32, #tpu.memory_space<vmem_shared>>
      tpu.enqueue_dma source(%arg4 : memref<640xf32, #tpu.memory_space<hbm>>) target(%dma_start3A : memref<640xf32, #tpu.memory_space<vmem_shared>>) target_semaphore(%run_scoped3A_17 : memref<!tpu.dma_semaphore, #tpu.memory_space<semaphore_mem>>)
      %dma_wait3A = tpu.memref_slice %arg9[%mul3A_2] : memref<10240xf32, #tpu.memory_space<vmem_shared>> -> memref<640xf32, #tpu.memory_space<vmem_shared>>
      tpu.wait_dma2 semaphore(%run_scoped3A_17 : memref<!tpu.dma_semaphore, #tpu.memory_space<semaphore_mem>>) src(%arg4 : memref<640xf32, #tpu.memory_space<hbm>>) dst(%dma_wait3A : memref<640xf32, #tpu.memory_space<vmem_shared>>)
      tpu.yield
    }) : () -> ()
    "tpu.region"() ({
      %run_scoped3A_17 = tpu.sem_alloc : memref<!tpu.dma_semaphore, #tpu.memory_space<semaphore_mem>>
      tpu.enqueue_dma source(%arg3 : memref<112xf32, #tpu.memory_space<hbm>>) target(%arg7 : memref<112xf32, #tpu.memory_space<vmem>>) target_semaphore(%run_scoped3A_17 : memref<!tpu.dma_semaphore, #tpu.memory_space<semaphore_mem>>)
      tpu.wait_dma2 semaphore(%run_scoped3A_17 : memref<!tpu.dma_semaphore, #tpu.memory_space<semaphore_mem>>) src(%arg3 : memref<112xf32, #tpu.memory_space<hbm>>) dst(%arg7 : memref<112xf32, #tpu.memory_space<vmem>>)
      tpu.yield
    }) : () -> ()
    %run_scoped3A = arith.constant 1 : i32
    "tpu.region"() ({
      %run_scoped3A_17 = tpu.sem_alloc : memref<!tpu.dma_semaphore, #tpu.memory_space<semaphore_mem>>
      %dma_start3A = arith.constant 0 : i32
      %dma_start3A_18 = arith.constant 0 : i32
      %dma_start3A_19 = arith.constant 0 : i32
      %dma_start3A_20 = tpu.memref_slice %arg2[%run_scoped3A, %add3A, %dma_start3A, %dma_start3A_18, %dma_start3A_19] : memref<2x32x5x18x112xi32, #tpu.memory_space<hbm>> -> memref<1x1x5x18x112xi32, #tpu.memory_space<hbm>>
      %dma_start3A_21 = tpu.memref_squeeze %dma_start3A_20 : memref<1x1x5x18x112xi32, #tpu.memory_space<hbm>> -> memref<5x18x112xi32, #tpu.memory_space<hbm>>
      %dma_start3A_22 = arith.constant 0 : i32
      %dma_start3A_23 = arith.constant 0 : i32
      %dma_start3A_24 = arith.constant 0 : i32
      %dma_start3A_25 = tpu.memref_slice %arg2[%run_scoped3A, %add3A, %dma_start3A_22, %dma_start3A_23, %dma_start3A_24] : memref<2x32x5x18x112xi32, #tpu.memory_space<hbm>> -> memref<1x1x5x18x112xi32, #tpu.memory_space<hbm>>
      %dma_start3A_26 = tpu.memref_squeeze %dma_start3A_25 : memref<1x1x5x18x112xi32, #tpu.memory_space<hbm>> -> memref<5x18x112xi32, #tpu.memory_space<hbm>>
      tpu.enqueue_dma source(%dma_start3A_26 : memref<5x18x112xi32, #tpu.memory_space<hbm>>) target(%arg6 : memref<5x18x112xi32, #tpu.memory_space<vmem>>) target_semaphore(%run_scoped3A_17 : memref<!tpu.dma_semaphore, #tpu.memory_space<semaphore_mem>>)
      %dma_wait3A = arith.constant 0 : i32
      %dma_wait3A_27 = arith.constant 0 : i32
      %dma_wait3A_28 = arith.constant 0 : i32
      %dma_wait3A_29 = tpu.memref_slice %arg2[%run_scoped3A, %add3A, %dma_wait3A, %dma_wait3A_27, %dma_wait3A_28] : memref<2x32x5x18x112xi32, #tpu.memory_space<hbm>> -> memref<1x1x5x18x112xi32, #tpu.memory_space<hbm>>
      %dma_wait3A_30 = tpu.memref_squeeze %dma_wait3A_29 : memref<1x1x5x18x112xi32, #tpu.memory_space<hbm>> -> memref<5x18x112xi32, #tpu.memory_space<hbm>>
      %dma_wait3A_31 = arith.constant 0 : i32
      %dma_wait3A_32 = arith.constant 0 : i32
      %dma_wait3A_33 = arith.constant 0 : i32
      %dma_wait3A_34 = tpu.memref_slice %arg2[%run_scoped3A, %add3A, %dma_wait3A_31, %dma_wait3A_32, %dma_wait3A_33] : memref<2x32x5x18x112xi32, #tpu.memory_space<hbm>> -> memref<1x1x5x18x112xi32, #tpu.memory_space<hbm>>
      %dma_wait3A_35 = tpu.memref_squeeze %dma_wait3A_34 : memref<1x1x5x18x112xi32, #tpu.memory_space<hbm>> -> memref<5x18x112xi32, #tpu.memory_space<hbm>>
      tpu.wait_dma2 semaphore(%run_scoped3A_17 : memref<!tpu.dma_semaphore, #tpu.memory_space<semaphore_mem>>) src(%dma_wait3A_35 : memref<5x18x112xi32, #tpu.memory_space<hbm>>) dst(%arg6 : memref<5x18x112xi32, #tpu.memory_space<vmem>>)
      tpu.yield
    }) : () -> ()
    %barrier3A = arith.constant 0 : index
    tpu.barrier barrier_id(%barrier3A)
    %scan3A = arith.constant 0 : i32
    %scan3A_3 = arith.constant 5 : i32
    %scan3A_4 = arith.addi %scan3A, %scan3A_3 : i32
    %scan3A_5 = arith.constant 1 : i32
    scf.for %scan3A_17 = %scan3A to %scan3A_4 step %scan3A_5  : i32 {
      %mul3A_18 = arith.constant 1 : i32
      %mul3A_19 = arith.muli %scan3A_17, %mul3A_18 : i32
      %add3A_20 = arith.constant 0 : i32
      %add3A_21 = arith.addi %add3A_20, %mul3A_19 : i32
      %scan3A_22 = arith.constant 0 : i32
      %scan3A_23 = arith.constant 18 : i32
      %scan3A_24 = arith.addi %scan3A_22, %scan3A_23 : i32
      %scan3A_25 = arith.constant 1 : i32
      scf.for %scan3A_27 = %scan3A_22 to %scan3A_24 step %scan3A_25  : i32 {
        %mul3A_28 = arith.constant 1 : i32
        %mul3A_29 = arith.muli %scan3A_27, %mul3A_28 : i32
        %add3A_30 = arith.constant 0 : i32
        %add3A_31 = arith.addi %add3A_30, %mul3A_29 : i32
        %dma_start3A = arith.constant 0 : i32
        %dma_start3A_32 = tpu.memref_slice %arg6[%add3A_21, %add3A_31, %dma_start3A] : memref<5x18x112xi32, #tpu.memory_space<vmem>> -> memref<1x1x112xi32, #tpu.memory_space<vmem>>
        %dma_start3A_33 = tpu.memref_squeeze %dma_start3A_32 : memref<1x1x112xi32, #tpu.memory_space<vmem>> -> memref<112xi32, #tpu.memory_space<vmem>>
        %dma_start3A_34 = arith.constant 0 : i32
        %dma_start3A_35 = tpu.memref_slice %arg9[%dma_start3A_34] : memref<10240xf32, #tpu.memory_space<vmem_shared>> -> memref<10240xf32, #tpu.memory_space<vmem_shared>>
        tpu.enqueue_indirect_dma source(%arg7 : memref<112xf32, #tpu.memory_space<vmem>>) target(%dma_start3A_35 : memref<10240xf32, #tpu.memory_space<vmem_shared>>) offsets(%dma_start3A_33 : memref<112xi32, #tpu.memory_space<vmem>>) semaphore(%arg8 : memref<!tpu.dma_semaphore, #tpu.memory_space<semaphore_mem>>) {add = true}
      }
      %scan3A_26 = arith.constant 18 : i32
    }
    %scan3A_6 = arith.constant 5 : i32
    %scan3A_7 = arith.constant 0 : i32
    %scan3A_8 = arith.constant 90 : i32
    %scan3A_9 = arith.addi %scan3A_7, %scan3A_8 : i32
    %scan3A_10 = arith.constant 1 : i32
    scf.for %scan3A_17 = %scan3A_7 to %scan3A_9 step %scan3A_10  : i32 {
      %mul3A_18 = arith.constant 1 : i32
      %mul3A_19 = arith.muli %scan3A_17, %mul3A_18 : i32
      %add3A_20 = arith.constant 0 : i32
      %add3A_21 = arith.addi %add3A_20, %mul3A_19 : i32
      %dma_wait3A = arith.constant 0 : i32
      %dma_wait3A_22 = arith.constant 0 : i32
      %dma_wait3A_23 = arith.constant 0 : i32
      %dma_wait3A_24 = tpu.memref_slice %arg6[%dma_wait3A, %dma_wait3A_22, %dma_wait3A_23] : memref<5x18x112xi32, #tpu.memory_space<vmem>> -> memref<1x1x112xi32, #tpu.memory_space<vmem>>
      %dma_wait3A_25 = tpu.memref_squeeze %dma_wait3A_24 : memref<1x1x112xi32, #tpu.memory_space<vmem>> -> memref<112xi32, #tpu.memory_space<vmem>>
      %dma_wait3A_26 = arith.constant 0 : i32
      %dma_wait3A_27 = tpu.memref_slice %arg9[%dma_wait3A_26] : memref<10240xf32, #tpu.memory_space<vmem_shared>> -> memref<10240xf32, #tpu.memory_space<vmem_shared>>
      tpu.wait_indirect_dma semaphore(%arg8 : memref<!tpu.dma_semaphore, #tpu.memory_space<semaphore_mem>>) src(%arg7 : memref<112xf32, #tpu.memory_space<vmem>>) dst(%dma_wait3A_27 : memref<10240xf32, #tpu.memory_space<vmem_shared>>)
    }
    %scan3A_11 = arith.constant 90 : i32
    %barrier3A_12 = arith.constant 0 : index
    tpu.barrier barrier_id(%barrier3A_12)
    %mul3A_13 = arith.constant 640 : i32
    %mul3A_14 = arith.muli %arg1, %mul3A_13 : i32
    %mul3A_15 = arith.constant 640 : i32
    %mul3A_16 = arith.muli %arg1, %mul3A_15 : i32
    "tpu.region"() ({
      %run_scoped3A_17 = tpu.sem_alloc : memref<!tpu.dma_semaphore, #tpu.memory_space<semaphore_mem>>
      %dma_start3A = tpu.memref_slice %arg5[%arg0, %mul3A_16] : memref<2x10240xf32, #tpu.memory_space<hbm>> -> memref<1x640xf32, #tpu.memory_space<hbm>>
      %dma_start3A_18 = tpu.memref_squeeze %dma_start3A : memref<1x640xf32, #tpu.memory_space<hbm>> -> memref<640xf32, #tpu.memory_space<hbm>>
      %dma_start3A_19 = tpu.memref_slice %arg9[%mul3A_14] : memref<10240xf32, #tpu.memory_space<vmem_shared>> -> memref<640xf32, #tpu.memory_space<vmem_shared>>
      tpu.enqueue_dma source(%dma_start3A_19 : memref<640xf32, #tpu.memory_space<vmem_shared>>) target(%dma_start3A_18 : memref<640xf32, #tpu.memory_space<hbm>>) target_semaphore(%run_scoped3A_17 : memref<!tpu.dma_semaphore, #tpu.memory_space<semaphore_mem>>)
      %dma_wait3A = tpu.memref_slice %arg5[%arg0, %mul3A_16] : memref<2x10240xf32, #tpu.memory_space<hbm>> -> memref<1x640xf32, #tpu.memory_space<hbm>>
      %dma_wait3A_20 = tpu.memref_squeeze %dma_wait3A : memref<1x640xf32, #tpu.memory_space<hbm>> -> memref<640xf32, #tpu.memory_space<hbm>>
      %dma_wait3A_21 = tpu.memref_slice %arg9[%mul3A_14] : memref<10240xf32, #tpu.memory_space<vmem_shared>> -> memref<640xf32, #tpu.memory_space<vmem_shared>>
      tpu.wait_dma2 semaphore(%run_scoped3A_17 : memref<!tpu.dma_semaphore, #tpu.memory_space<semaphore_mem>>) src(%dma_wait3A_21 : memref<640xf32, #tpu.memory_space<vmem_shared>>) dst(%dma_wait3A_20 : memref<640xf32, #tpu.memory_space<hbm>>)
      tpu.yield
    }) : () -> ()
    return
  }
}

module attributes {stable_mosaic.version = 14 : i64} {
  func.func @_mm1_body(%arg0: i32, %arg1: memref<2000x1xf32, #tpu.memory_space<vmem>>, %arg2: memref<2000x1xf32, #tpu.memory_space<vmem>>, %arg3: memref<2000x128xf32, #tpu.memory_space<vmem>>, %arg4: memref<128x128xf32, #tpu.memory_space<vmem>>, %arg5: memref<2000x128xf32, #tpu.memory_space<vmem>>, %arg6: memref<2000x1xf32, #tpu.memory_space<vmem>>) attributes {dimension_semantics = [#tpu.dimension_semantics<arbitrary>], iteration_bounds = array<i64: 5>, scalar_prefetch = 0 : i64, scratch_operands = 0 : i64, tpu.core_type = #tpu.core_type<tc>, window_params = [{transform_indices = @transform_0, window_bounds = array<i64: 2000, 1>}, {transform_indices = @transform_1, window_bounds = array<i64: 2000, 1>}, {transform_indices = @transform_2, window_bounds = array<i64: 2000, 128>}, {pipeline_mode = #tpu.pipeline_mode<synchronous>, transform_indices = @transform_3, window_bounds = array<i64: 128, 128>}, {transform_indices = @transform_4, window_bounds = array<i64: 2000, 128>}, {transform_indices = @transform_5, window_bounds = array<i64: 2000, 1>}]} {
    %get3A = arith.constant 0 : index
    %get3A_0 = arith.constant 0 : index
    %get3A_1 = vector.load %arg1[%get3A, %get3A_0] : memref<2000x1xf32, #tpu.memory_space<vmem>>, vector<2000x1xf32>
    %get3A_2 = arith.constant 0 : index
    %get3A_3 = arith.constant 0 : index
    %get3A_4 = vector.load %arg2[%get3A_2, %get3A_3] : memref<2000x1xf32, #tpu.memory_space<vmem>>, vector<2000x1xf32>
    %add3A = arith.addf %get3A_1, %get3A_4 : vector<2000x1xf32>
    %add3A_5 = arith.constant 1.000000e+00 : f32
    %add3A_6 = vector.broadcast %add3A_5 : f32 to vector<2000x1xf32>
    %add3A_7 = arith.addf %add3A, %add3A_6 : vector<2000x1xf32>
    %rsqrt3A = math.rsqrt %add3A_7 : vector<2000x1xf32>
    %get3A_8 = arith.constant 0 : index
    %get3A_9 = arith.constant 0 : index
    %get3A_10 = vector.load %arg3[%get3A_8, %get3A_9] : memref<2000x128xf32, #tpu.memory_space<vmem>>, vector<2000x128xf32>
    %get3A_11 = arith.constant 0 : index
    %get3A_12 = arith.constant 0 : index
    %get3A_13 = vector.load %arg4[%get3A_11, %get3A_12] : memref<128x128xf32, #tpu.memory_space<vmem>>, vector<128x128xf32>
    %dot_general3A = arith.constant dense<0.000000e+00> : vector<2000x128xf32>
    %dot_general3A_14 = tpu.matmul %get3A_10, %get3A_13, %dot_general3A {dimension_numbers = #tpu.dot_dimension_numbers<[1], [0], [0], [1], [0, 0, 1, 1], [], []>, transpose_lhs_hint = false} : vector<2000x128xf32>, vector<128x128xf32>, vector<2000x128xf32> -> vector<2000x128xf32>
    %mul3A = vector.broadcast %rsqrt3A : vector<2000x1xf32> to vector<2000x128xf32>
    %mul3A_15 = arith.mulf %dot_general3A_14, %mul3A : vector<2000x128xf32>
    %swap3A = arith.constant 0 : index
    %swap3A_16 = arith.constant 0 : index
    %swap3A_17 = vector.load %arg5[%swap3A, %swap3A_16] : memref<2000x128xf32, #tpu.memory_space<vmem>>, vector<2000x128xf32>
    tpu.vector_store %arg5[%swap3A, %swap3A_16], %mul3A_15 {strides = array<i32>} : memref<2000x128xf32, #tpu.memory_space<vmem>>, vector<2000x128xf32>,
    %swap3A_18 = arith.constant 0 : index
    %swap3A_19 = arith.constant 0 : index
    %swap3A_20 = vector.load %arg6[%swap3A_18, %swap3A_19] : memref<2000x1xf32, #tpu.memory_space<vmem>>, vector<2000x1xf32>
    tpu.vector_store %arg6[%swap3A_18, %swap3A_19], %rsqrt3A {strides = array<i32>} : memref<2000x1xf32, #tpu.memory_space<vmem>>, vector<2000x1xf32>,
    return
  }
  func.func @transform_0(%arg0: i32) -> (i32, i32) {
    %c0_i32 = arith.constant 0 : i32
    %c0_i32_0 = arith.constant 0 : i32
    return %arg0, %c0_i32 : i32, i32
  }
  func.func @transform_1(%arg0: i32) -> (i32, i32) {
    %c0_i32 = arith.constant 0 : i32
    %c0_i32_0 = arith.constant 0 : i32
    return %arg0, %c0_i32 : i32, i32
  }
  func.func @transform_2(%arg0: i32) -> (i32, i32) {
    %c0_i32 = arith.constant 0 : i32
    %c0_i32_0 = arith.constant 0 : i32
    return %arg0, %c0_i32 : i32, i32
  }
  func.func @transform_3(%arg0: i32) -> (i32, i32) {
    %c0_i32 = arith.constant 0 : i32
    %c0_i32_0 = arith.constant 0 : i32
    %c0_i32_1 = arith.constant 0 : i32
    return %c0_i32, %c0_i32_0 : i32, i32
  }
  func.func @transform_4(%arg0: i32) -> (i32, i32) {
    %c0_i32 = arith.constant 0 : i32
    %c0_i32_0 = arith.constant 0 : i32
    return %arg0, %c0_i32 : i32, i32
  }
  func.func @transform_5(%arg0: i32) -> (i32, i32) {
    %c0_i32 = arith.constant 0 : i32
    %c0_i32_0 = arith.constant 0 : i32
    return %arg0, %c0_i32 : i32, i32
  }
}

module attributes {stable_mosaic.version = 14 : i64} {
  func.func @_mid_body(%arg0: i32, %arg1: memref<2x2000x128xf32, #tpu.memory_space<vmem>>, %arg2: memref<2000x128xf32, #tpu.memory_space<vmem>>, %arg3: memref<2000x1xf32, #tpu.memory_space<vmem>>, %arg4: memref<1x128xf32, #tpu.memory_space<vmem>>, %arg5: memref<128x128xf32, #tpu.memory_space<vmem>>, %arg6: memref<2000x128xf32, #tpu.memory_space<vmem>>) attributes {dimension_semantics = [#tpu.dimension_semantics<arbitrary>], iteration_bounds = array<i64: 5>, scalar_prefetch = 0 : i64, scratch_operands = 0 : i64, tpu.core_type = #tpu.core_type<tc>, window_params = [{transform_indices = @transform_0, window_bounds = array<i64: 2, 2000, 128>}, {transform_indices = @transform_1, window_bounds = array<i64: 2000, 128>}, {transform_indices = @transform_2, window_bounds = array<i64: 2000, 1>}, {pipeline_mode = #tpu.pipeline_mode<synchronous>, transform_indices = @transform_3, window_bounds = array<i64: 1, 128>}, {pipeline_mode = #tpu.pipeline_mode<synchronous>, transform_indices = @transform_4, window_bounds = array<i64: 128, 128>}, {transform_indices = @transform_5, window_bounds = array<i64: 2000, 128>}]} {
    %get3A = arith.constant 0 : index
    %get3A_0 = arith.constant 0 : index
    %get3A_1 = vector.load %arg3[%get3A, %get3A_0] : memref<2000x1xf32, #tpu.memory_space<vmem>>, vector<2000x1xf32>
    %get3A_2 = arith.constant 0 : index
    %get3A_3 = arith.constant 0 : index
    %get3A_4 = arith.constant 0 : index
    %get3A_5 = vector.load %arg1[%get3A_2, %get3A_3, %get3A_4] : memref<2x2000x128xf32, #tpu.memory_space<vmem>>, vector<1x2000x128xf32>
    %get3A_6 = vector.shape_cast %get3A_5 : vector<1x2000x128xf32> to vector<2000x128xf32>
    %get3A_7 = arith.constant 1 : index
    %get3A_8 = arith.constant 0 : index
    %get3A_9 = arith.constant 0 : index
    %get3A_10 = vector.load %arg1[%get3A_7, %get3A_8, %get3A_9] : memref<2x2000x128xf32, #tpu.memory_space<vmem>>, vector<1x2000x128xf32>
    %get3A_11 = vector.shape_cast %get3A_10 : vector<1x2000x128xf32> to vector<2000x128xf32>
    %add3A = arith.addf %get3A_6, %get3A_11 : vector<2000x128xf32>
    %get3A_12 = arith.constant 0 : index
    %get3A_13 = arith.constant 0 : index
    %get3A_14 = vector.load %arg2[%get3A_12, %get3A_13] : memref<2000x128xf32, #tpu.memory_space<vmem>>, vector<2000x128xf32>
    %add3A_15 = arith.addf %add3A, %get3A_14 : vector<2000x128xf32>
    %mul3A = vector.broadcast %get3A_1 : vector<2000x1xf32> to vector<2000x128xf32>
    %mul3A_16 = arith.mulf %add3A_15, %mul3A : vector<2000x128xf32>
    %get3A_17 = arith.constant 0 : index
    %get3A_18 = arith.constant 0 : index
    %get3A_19 = vector.load %arg4[%get3A_17, %get3A_18] : memref<1x128xf32, #tpu.memory_space<vmem>>, vector<1x128xf32>
    %add3A_20 = vector.broadcast %get3A_19 : vector<1x128xf32> to vector<2000x128xf32>
    %add3A_21 = arith.addf %mul3A_16, %add3A_20 : vector<2000x128xf32>
    %max3A = arith.constant 0.000000e+00 : f32
    %max3A_22 = vector.broadcast %max3A : f32 to vector<2000x128xf32>
    %max3A_23 = arith.maximumf %add3A_21, %max3A_22 : vector<2000x128xf32>
    %get3A_24 = arith.constant 0 : index
    %get3A_25 = arith.constant 0 : index
    %get3A_26 = vector.load %arg5[%get3A_24, %get3A_25] : memref<128x128xf32, #tpu.memory_space<vmem>>, vector<128x128xf32>
    %dot_general3A = arith.constant dense<0.000000e+00> : vector<2000x128xf32>
    %dot_general3A_27 = tpu.matmul %max3A_23, %get3A_26, %dot_general3A {dimension_numbers = #tpu.dot_dimension_numbers<[1], [0], [0], [1], [0, 0, 1, 1], [], []>, transpose_lhs_hint = false} : vector<2000x128xf32>, vector<128x128xf32>, vector<2000x128xf32> -> vector<2000x128xf32>
    %mul3A_28 = vector.broadcast %get3A_1 : vector<2000x1xf32> to vector<2000x128xf32>
    %mul3A_29 = arith.mulf %dot_general3A_27, %mul3A_28 : vector<2000x128xf32>
    %swap3A = arith.constant 0 : index
    %swap3A_30 = arith.constant 0 : index
    %swap3A_31 = vector.load %arg6[%swap3A, %swap3A_30] : memref<2000x128xf32, #tpu.memory_space<vmem>>, vector<2000x128xf32>
    tpu.vector_store %arg6[%swap3A, %swap3A_30], %mul3A_29 {strides = array<i32>} : memref<2000x128xf32, #tpu.memory_space<vmem>>, vector<2000x128xf32>,
    return
  }
  func.func @transform_0(%arg0: i32) -> (i32, i32, i32) {
    %c0_i32 = arith.constant 0 : i32
    %c0_i32_0 = arith.constant 0 : i32
    %c0_i32_1 = arith.constant 0 : i32
    return %c0_i32, %arg0, %c0_i32_0 : i32, i32, i32
  }
  func.func @transform_1(%arg0: i32) -> (i32, i32) {
    %c0_i32 = arith.constant 0 : i32
    %c0_i32_0 = arith.constant 0 : i32
    return %arg0, %c0_i32 : i32, i32
  }
  func.func @transform_2(%arg0: i32) -> (i32, i32) {
    %c0_i32 = arith.constant 0 : i32
    %c0_i32_0 = arith.constant 0 : i32
    return %arg0, %c0_i32 : i32, i32
  }
  func.func @transform_3(%arg0: i32) -> (i32, i32) {
    %c0_i32 = arith.constant 0 : i32
    %c0_i32_0 = arith.constant 0 : i32
    %c0_i32_1 = arith.constant 0 : i32
    return %c0_i32, %c0_i32_0 : i32, i32
  }
  func.func @transform_4(%arg0: i32) -> (i32, i32) {
    %c0_i32 = arith.constant 0 : i32
    %c0_i32_0 = arith.constant 0 : i32
    %c0_i32_1 = arith.constant 0 : i32
    return %c0_i32, %c0_i32_0 : i32, i32
  }
  func.func @transform_5(%arg0: i32) -> (i32, i32) {
    %c0_i32 = arith.constant 0 : i32
    %c0_i32_0 = arith.constant 0 : i32
    return %arg0, %c0_i32 : i32, i32
  }
}

module attributes {stable_mosaic.version = 14 : i64} {
  func.func @_fin_body(%arg0: i32, %arg1: memref<2x2000x128xf32, #tpu.memory_space<vmem>>, %arg2: memref<2000x128xf32, #tpu.memory_space<vmem>>, %arg3: memref<2000x1xf32, #tpu.memory_space<vmem>>, %arg4: memref<1x128xf32, #tpu.memory_space<vmem>>, %arg5: memref<2000x128xf32, #tpu.memory_space<vmem>>) attributes {dimension_semantics = [#tpu.dimension_semantics<arbitrary>], iteration_bounds = array<i64: 5>, scalar_prefetch = 0 : i64, scratch_operands = 0 : i64, tpu.core_type = #tpu.core_type<tc>, window_params = [{transform_indices = @transform_0, window_bounds = array<i64: 2, 2000, 128>}, {transform_indices = @transform_1, window_bounds = array<i64: 2000, 128>}, {transform_indices = @transform_2, window_bounds = array<i64: 2000, 1>}, {pipeline_mode = #tpu.pipeline_mode<synchronous>, transform_indices = @transform_3, window_bounds = array<i64: 1, 128>}, {transform_indices = @transform_4, window_bounds = array<i64: 2000, 128>}]} {
    %get3A = arith.constant 0 : index
    %get3A_0 = arith.constant 0 : index
    %get3A_1 = arith.constant 0 : index
    %get3A_2 = vector.load %arg1[%get3A, %get3A_0, %get3A_1] : memref<2x2000x128xf32, #tpu.memory_space<vmem>>, vector<1x2000x128xf32>
    %get3A_3 = vector.shape_cast %get3A_2 : vector<1x2000x128xf32> to vector<2000x128xf32>
    %get3A_4 = arith.constant 1 : index
    %get3A_5 = arith.constant 0 : index
    %get3A_6 = arith.constant 0 : index
    %get3A_7 = vector.load %arg1[%get3A_4, %get3A_5, %get3A_6] : memref<2x2000x128xf32, #tpu.memory_space<vmem>>, vector<1x2000x128xf32>
    %get3A_8 = vector.shape_cast %get3A_7 : vector<1x2000x128xf32> to vector<2000x128xf32>
    %add3A = arith.addf %get3A_3, %get3A_8 : vector<2000x128xf32>
    %get3A_9 = arith.constant 0 : index
    %get3A_10 = arith.constant 0 : index
    %get3A_11 = vector.load %arg2[%get3A_9, %get3A_10] : memref<2000x128xf32, #tpu.memory_space<vmem>>, vector<2000x128xf32>
    %add3A_12 = arith.addf %add3A, %get3A_11 : vector<2000x128xf32>
    %get3A_13 = arith.constant 0 : index
    %get3A_14 = arith.constant 0 : index
    %get3A_15 = vector.load %arg3[%get3A_13, %get3A_14] : memref<2000x1xf32, #tpu.memory_space<vmem>>, vector<2000x1xf32>
    %mul3A = vector.broadcast %get3A_15 : vector<2000x1xf32> to vector<2000x128xf32>
    %mul3A_16 = arith.mulf %add3A_12, %mul3A : vector<2000x128xf32>
    %get3A_17 = arith.constant 0 : index
    %get3A_18 = arith.constant 0 : index
    %get3A_19 = vector.load %arg4[%get3A_17, %get3A_18] : memref<1x128xf32, #tpu.memory_space<vmem>>, vector<1x128xf32>
    %add3A_20 = vector.broadcast %get3A_19 : vector<1x128xf32> to vector<2000x128xf32>
    %add3A_21 = arith.addf %mul3A_16, %add3A_20 : vector<2000x128xf32>
    %swap3A = arith.constant 0 : index
    %swap3A_22 = arith.constant 0 : index
    %swap3A_23 = vector.load %arg5[%swap3A, %swap3A_22] : memref<2000x128xf32, #tpu.memory_space<vmem>>, vector<2000x128xf32>
    tpu.vector_store %arg5[%swap3A, %swap3A_22], %add3A_21 {strides = array<i32>} : memref<2000x128xf32, #tpu.memory_space<vmem>>, vector<2000x128xf32>,
    return
  }
  func.func @transform_0(%arg0: i32) -> (i32, i32, i32) {
    %c0_i32 = arith.constant 0 : i32
    %c0_i32_0 = arith.constant 0 : i32
    %c0_i32_1 = arith.constant 0 : i32
    return %c0_i32, %arg0, %c0_i32_0 : i32, i32, i32
  }
  func.func @transform_1(%arg0: i32) -> (i32, i32) {
    %c0_i32 = arith.constant 0 : i32
    %c0_i32_0 = arith.constant 0 : i32
    return %arg0, %c0_i32 : i32, i32
  }
  func.func @transform_2(%arg0: i32) -> (i32, i32) {
    %c0_i32 = arith.constant 0 : i32
    %c0_i32_0 = arith.constant 0 : i32
    return %arg0, %c0_i32 : i32, i32
  }
  func.func @transform_3(%arg0: i32) -> (i32, i32) {
    %c0_i32 = arith.constant 0 : i32
    %c0_i32_0 = arith.constant 0 : i32
    %c0_i32_1 = arith.constant 0 : i32
    return %c0_i32, %c0_i32_0 : i32, i32
  }
  func.func @transform_4(%arg0: i32) -> (i32, i32) {
    %c0_i32 = arith.constant 0 : i32
    %c0_i32_0 = arith.constant 0 : i32
    return %arg0, %c0_i32 : i32, i32
  }
}

</mosaic_0001>

<sc_bundles>
// kernel: kernel.11.cloned.1.call-start
scs
__scs_entry_jumppad:
0x0: {  	(pc) =	sbr.rel $0x88, $3  }
0x1: {  	(tag) =	ssettag $0x0;
	lr =	simm.s32 $0x1  }
0x2: {  	[smem:$0x3F9B] =	sst lr;
	_ =	strace $0xD0000000  }
0x3: {  	_ = 	snop  }
0x4: {  	_ = 	snop  }
0x5: {  	_ = 	snop  }
0x6: {  	_ = 	snop  }
0x7: {  	_ = 	snop  }
__scs_overlays_trampoline_lowered:
0x8: {  	[smem:$0x3FAA] =	sst s0  }
0x9: {  	[smem:$0x3FAB] =	sst s1  }
0xa: {  	[smem:$0x3FAC] =	sst s2  }
0xb: {  	[smem:$0x3FAD] =	sst s3  }
0xc: {  	[smem:$0x3FAE] =	sst s4  }
0xd: {  	[smem:$0x3FAF] =	sst s5  }
0xe: {  	[smem:$0x3FB0] =	sst s6  }
0xf: {  	[smem:$0x3FB1] =	sst s7  }
0x10: {  	[smem:$0x3FB2] =	sst s8  }
0x11: {  	[smem:$0x3FB3] =	sst s9;
	s0 =	simm.s32 @!p0 $0x0  }
0x12: {  	s1 =	sld [smem:$0x3F99];
	s0 =	simm.s32 @p0 $0x1  }
0x13: {  	[smem:$0x3FB4] =	sst s0;
	s0 =	simm.s32 @!p1 $0x0  }
0x14: {  	s2 =	sld [smem:$0x3F98];
	s0 =	simm.s32 @p1 $0x1  }
0x15: {  	[smem:$0x3FB5] =	sst s0;
	s0 =	simm.s32 @!p2 $0x0  }
0x16: {  	s3 =	sld [smem:$0x3FDB];
	s0 =	simm.s32 @p2 $0x1  }
0x17: {  	s4 =	simm.s32 $0x1BF5;
	[smem:$0x3FB7] =	sst s0  }
0x18: {  	s0 =	sld [smem:$0x3F9A];
	_ =	swait.ge [sflag:s4], $0x0  }
0x19: {  	s7 =	sld [smem:$0x3F9B]  }
0x1a: {  	s8 =	sadd.s32 $0xFFFFE003, lr  }
0x1b: {  	s9 =	sadd.s32 $0xFFFFFEF7, lr;
	s5 =	simm.s32 $0xFFFFFFFF;
	p2 =	slt.u32 s8, $0xFFFFF086  }
0x1c: {  	p1 =	slt.u32 s9, $0xF7A;
	s5 =	simm.s32 @!p2 $0x0  }
0x1d: {  	s5 =	simm.s32 @p1 $0x1;
	p0 =	seq.s32 s7, s2  }
0x1e: {  	s7 =	smul.u32 @!p0 $0xF7A, s2;
	p2 =	seq.s32 @!p0 s5, $0x0  }
0x1f: {  	s9 =	smul.u32 $0xF7A, s1;
	s8 =	simm.s32 @!p0 $0x1BF5;
	p2 =	por !p2, p0  }
0x20: {  	[sflag:s8] =	ssyncset.s32 @!p0 $0xFFFFF086;
	s6 =	sadd.s32 @!p0 s3, s7;
	s7 =	simm.s32 @!p0 $0x108  }
0x21: {  	s3 =	sadd.s32 s3, s9;
	s6 =	sadd.s32 @!p0 $0x88, s6;
	s7 =	simm.s32 @p2 $0x1082  }
0x22: {  	[simem:s7], [sflag:s8] =	dma.local @!p0 [hbm:s6], $0xF7A  }
0x23: {  	s9 =	sor.u32 $0xD0000000, s2;
	s6 =	simm.s32 $0x108;
	_ =	swait.ge @!p0 [sflag:s8], $0x0  }
0x24: {  	s3 =	sadd.s32 $0x88, s3;
	s6 =	simm.s32 @!p1 $0x1082;
	[sflag:s4] =	ssyncset.s32 $0xFFFFF086  }
0x25: {  	[simem:s6], [sflag:s4] =	dma.local [hbm:s3], $0xF7A  }
0x26: {  	[smem:$0x3F9B] =	sst s1;
	(tag) =	ssettag s2;
	_ =	strace s9  }
0x27: {  	s1 =	sld [smem:$0x3FAB]  }
0x28: {  	s2 =	sld [smem:$0x3FAC]  }
0x29: {  	s4 =	sld [smem:$0x3FAE]  }
0x2a: {  	p0 =	seq.s32 s5, $0x0;
	s5 =	sld [smem:$0x3FAF]  }
0x2b: {  	s6 =	sld [smem:$0x3FB0]  }
0x2c: {  	s7 =	sld [smem:$0x3FB1]  }
0x2d: {  	s3 =	simm.s32 $0x108;
	s8 =	sld [smem:$0x3FB2]  }
0x2e: {  	s3 =	simm.s32 @!p0 $0x1082;
	s9 =	sld [smem:$0x3FB3]  }
0x2f: {  	lr =	sadd.s32 s0, s3;
	s0 =	sld [smem:$0x3FAA]  }
0x30: {  	s3 =	sld [smem:$0x3FAD]  }
0x31: {  	[smem:$0x3FB6] =	sst s10  }
0x32: {  	s10 =	sld [smem:$0x3FB4];
	_ =	sdelay $0x3  }
0x33: {  	p0 =	seq.s32 s10, $0x1;
	s10 =	sld [smem:$0x3FB6];
	_ =	sdelay $0x3  }
0x34: {  	[smem:$0x3FB6] =	sst s10  }
0x35: {  	s10 =	sld [smem:$0x3FB5];
	_ =	sdelay $0x3  }
0x36: {  	p1 =	seq.s32 s10, $0x1;
	s10 =	sld [smem:$0x3FB6];
	_ =	sdelay $0x3  }
0x37: {  	[smem:$0x3FB6] =	sst s10  }
0x38: {  	s10 =	sld [smem:$0x3FB7]  }
0x39: {  	_ = 	snop;
	(pc) =	sbr.ind lr, $3  }
0x3a: {  	_ = 	snop  }
0x3b: {  	_ = 	snop  }
0x3c: {  	p2 =	seq.s32 s10, $0x1;
	s10 =	sld [smem:$0x3FB6]  }
0x3d: {  	_ =	shalt  }
0x3e: {  	_ =	shalt  }
0x3f: {  	_ =	shalt  }
0x40: {  	_ =	shalt  }
0x41: {  	_ =	shalt  }
0x42: {  	_ =	shalt  }
0x43: {  	_ =	shalt  }
0x44: {  	_ =	shalt  }
0x45: {  	_ =	shalt  }
0x46: {  	_ =	shalt  }
0x47: {  	_ =	shalt  }
0x48: {  	_ =	shalt  }
0x49: {  	_ =	shalt  }
0x4a: {  	_ =	shalt  }
0x4b: {  	_ =	shalt  }
0x4c: {  	_ =	shalt  }
0x4d: {  	_ =	shalt  }
0x4e: {  	_ =	shalt  }
0x4f: {  	_ =	shalt  }
0x50: {  	_ =	shalt  }
0x51: {  	_ =	shalt  }
0x52: {  	_ =	shalt  }
0x53: {  	_ =	shalt  }
0x54: {  	_ =	shalt  }
0x55: {  	_ =	shalt  }
0x56: {  	_ =	shalt  }
0x57: {  	_ =	shalt  }
0x58: {  	_ =	shalt  }
0x59: {  	_ =	shalt  }
0x5a: {  	_ =	shalt  }
0x5b: {  	_ =	shalt  }
0x5c: {  	_ =	shalt  }
0x5d: {  	_ =	shalt  }
0x5e: {  	_ =	shalt  }
0x5f: {  	_ =	shalt  }
0x60: {  	_ =	shalt  }
0x61: {  	_ =	shalt  }
0x62: {  	_ =	shalt  }
0x63: {  	_ =	shalt  }
0x64: {  	_ =	shalt  }
0x65: {  	_ =	shalt  }
0x66: {  	_ =	shalt  }
0x67: {  	_ =	shalt  }
0x68: {  	_ =	shalt  }
0x69: {  	_ =	shalt  }
0x6a: {  	_ =	shalt  }
0x6b: {  	_ =	shalt  }
0x6c: {  	_ =	shalt  }
0x6d: {  	_ =	shalt  }
0x6e: {  	_ =	shalt  }
0x6f: {  	_ =	shalt  }
0x70: {  	_ =	shalt  }
0x71: {  	_ =	shalt  }
0x72: {  	_ =	shalt  }
0x73: {  	_ =	shalt  }
0x74: {  	_ =	shalt  }
0x75: {  	_ =	shalt  }
0x76: {  	_ =	shalt  }
0x77: {  	_ =	shalt  }
0x78: {  	_ =	shalt  }
0x79: {  	_ =	shalt  }
0x7a: {  	_ =	shalt  }
0x7b: {  	_ =	shalt  }
0x7c: {  	_ =	shalt  }
0x7d: {  	_ =	shalt  }
0x7e: {  	_ =	shalt  }
0x7f: {  	_ =	shalt  }
0x80: {  	_ =	shalt  }
0x81: {  	_ =	shalt  }
0x82: {  	_ =	shalt  }
0x83: {  	_ =	shalt  }
0x84: {  	_ =	shalt  }
0x85: {  	_ =	shalt  }
0x86: {  	_ =	shalt  }
0x87: {  	_ =	shalt  }
.Lfunc_end0:
.L_simem_size_0:
called_computation.1_lowered:
.L_overlay_start_0:
0x88: {  	s2 =	sld [smem:$0x3FD9]  }
0x89: {  	s3 =	sld [smem:$0x3FFE];
	_ =	sdelay $0x1  }
0x8a: {  	s1 =	srdreg.scid  }
0x8b: {  	s0 =	sand.u32 $0x1, s1  }
0x8c: {  	s17 =	sshll.u32 s0, $0xA;
	s2 =	sadd.s32 s3, s2  }
0x8d: {  	s2 =	sadd.s32 s2, s17  }
0x8e: {  	[smem:$0x3FC2] =	sst s2  }
0x8f: {  	_ = 	snop  }
0x90: {  	s2 =	sld [smem:$0x3FD0];
	(tm) =	ssettm $0x1  }
0x91: {  	s18 =	sld [smem:$0x3FFB];
	_ =	sdelay $0x3  }
0x92: {  	_ =	strace s18  }
0x93: {  	s3 =	sld [smem:$0x3FFC];
	_ =	sdelay $0x3  }
0x94: {  	_ =	strace s3  }
0x95: {  	s3 =	sld [smem:$0x3FFD];
	_ =	sdelay $0x3  }
0x96: {  	_ =	strace s3  }
0x97: {  	_ =	strace $0x8FFFFFFF  }
0x98: {  	s19 =	sld [smem:$0x3FDB];
	_ =	sdelay $0x1  }
0x99: {  	s4 =	simm.s32 $_scs_section_size  }
0x9a: {  	s5 =	simm.s32 $_size__tile_overlayer_lowered;
	s6 =	simm.s32 $_tile_overlayer_lowered  }
0x9b: {  	s22 =	simm.s32 $0x1BFF;
	s21 =	sshll.u32 s6, $0x1;
	s3 =	sadd.s32 s4, s19  }
0x9c: {  	s7 =	simm.s32 $0x0;
	s20 =	sshll.u32 s5, $0x1;
	s5 =	sadd.s32 s21, s3  }
0x9d: {  	[timem:s7], [sflag:s22] =	dma.local [hbm:s5], s20  }
0x9e: {  	_ =	swait.ge [sflag:s22], s20  }
0x9f: {  	s4 =	ssub.s32 $0x0, s20;
	[sflag:s22] =	ssyncset.done $0x0  }
0xa0: {  	[sflag:s22] =	ssyncadd.s32 s4;
	_ =	sdelay $0x1  }
0xa1: {  	s23 =	simm.s32 $0x1B8B  }
0xa2: {  	_ =	swait.ge [sflag:s23], $0x1  }
0xa3: {  	[sflag:s23] =	ssyncset.done $0x0  }
0xa4: {  	s25 =	simm.s32 $0x1B8E;
	s24 =	sld [smem:$0x3FFE];
	[sflag:s23] =	ssyncadd.s32 $0xFFFFFFFF  }
0xa5: {  	s26 =	simm.s32 $execute0_lowered;
	[smem:$0x3FD2] =	sst s25  }
0xa6: {  	s5 =	sshll.u32 s26, $0x1;
	_ =	strace $0x80000049;
	[dreg:$0x1] =	wrdreg $0xFFFFFFFF  }
0xa7: {  	s28 =	simm.s32 $_size_execute0_lowered;
	s3 =	sadd.s32 s3, s5;
	[dreg:$0x0] =	wrdreg $0x0  }
0xa8: {  	s5 =	sshll.u32 s28, $0x1;
	[dreg:$0x2] =	wrdreg s3  }
0xa9: {  	[dreg:$0x3] =	wrdreg s5  }
0xaa: {  	[dreg:$0x4] =	wrdreg $0xC0  }
0xab: {  	_ =	task [dreg:s7], $0x5FFFF  }
0xac: {  	[dreg:$0x1] =	wrdreg $0xFFFFFFFF  }
0xad: {  	[dreg:$0x0] =	wrdreg $0x60  }
0xae: {  	[dreg:$0x2] =	wrdreg s2  }
0xaf: {  	[dreg:$0x3] =	wrdreg s24  }
0xb0: {  	[dreg:$0x4] =	wrdreg $0xC0000  }
0xb1: {  	[dreg:$0x5] =	wrdreg $0x9  }
0xb2: {  	_ =	task.clear_ibuf [dreg:s7], $0x6FFFF;
	_ =	strace $0x90000049  }
0xb3: {  	s29 =	simm.s32 $0x9;
	_ =	strace $0x8000004B  }
0xb4: {  	_ =	swait.ge [sflag:s29], $0x1  }
0xb5: {  	[sflag:s29] =	ssyncadd.s32 $0xFFFFFFFF  }
0xb6: {  	_ =	strace $0x9000004B  }
0xb7: {  	_ =	sfence  }
0xb8: {  	s30 =	sld [smem:$0x0];
	_ =	sdelay $0x2  }
0xb9: {  	s31 =	sshll.u32 s1, $0xD;
	s1 =	sshrl.u32 s1, $0x2  }
0xba: {  	s3 =	sand.u32 $0x4000, s31;
	s1 =	sadd.s32 s1, s30  }
0xbb: {  	s0 =	sor.u32 s3, s0;
	s1 =	sshll.u32 s1, $0x11  }
0xbc: {  	s0 =	sor.u32 s1, s0  }
0xbd: {  	s0 =	sadd.s32 $0x8F2B, s0  }
0xbe: {  	[sflag:s0] =	ssyncadd.remote.s32 $0x1  }
0xbf: {  	_ =	sfence.sel $0xFFFF  }
0xc0: {  	[dreg:$0x0] =	wrdreg $0xFFFFFFFF;
	(pc) =	sbr.abs _section_cstart, $3  }
0xc1: {  	[dreg:$0x1] =	wrdreg $0xFFFFFFFF  }
0xc2: {  	_ =	task.clear_ibuf [dreg:s7], $0x2FFFF;
	_ =	strace $0x9FFFFFFF  }
0xc3: {  	(tm) =	ssettm $0x7FFFFFFF  }
tec
execute0_lowered:
.L_overlay_start_1:
0x0: {  	(tag) =	ssettag $0x1  }
0x1: {  	s1 =	rddreg [dreg:$0x0]  }
0x2: {  	s0 =	srdreg.scid;
	s2 =	rddreg [dreg:$0x1]  }
0x3: {  	s10 =	stileid.u32;
	s3 =	rddreg [dreg:$0x2];
	s4 =	simm.s32 $0x0  }
0x4: {  	s22 =	simm.s32 $0x80;
	s24 =	simm.s32 $0x100;
	s26 =	simm.s32 $0x180  }
0x5: {  	s12 =	simm.s32 $0xD80;
	[smem:$0x7FF] =	sst s4;
	s11 =	sadd.s32 $0x20400, s2  }
0x6: {  	s13 =	simm.s32 $0x300;
	_ =	strace $0x8000004A;
	[dreg:$0x1c] =	wrdreg s11  }
0x7: {  	s14 =	simm.s32 $0xE00;
	s6 =	smul.u32 $0x3C00, s10;
	[dreg:$0x6] =	wrdreg s22  }
0x8: {  	s15 =	simm.s32 $0x380;
	s8 =	smul.u32 $0x13C00, s10;
	[dreg:$0x7] =	wrdreg s24  }
0x9: {  	s25 =	smul.u32 $0x4F000, s10;
	s10 =	sshll.u32 s10, $0x6;
	[dreg:$0x8] =	wrdreg s26  }
0xa: {  	s16 =	simm.s32 $0xE80;
	s17 =	simm.s32 $0x400;
	[dreg:$0x1d] =	wrdreg s10  }
0xb: {  	s18 =	simm.s32 $0xF00;
	s19 =	simm.s32 $0x480;
	[dreg:$0xd] =	wrdreg s12  }
0xc: {  	s28 =	simm.s32 $0x1280;
	s29 =	simm.s32 $0x800;
	[dreg:$0xe] =	wrdreg s13  }
0xd: {  	s30 =	simm.s32 $0x1300;
	s0 =	sand.u32 $0x1, s0;
	[dreg:$0xf] =	wrdreg s14  }
0xe: {  	s31 =	simm.s32 $0x880;
	s5 =	smul.u32 $0x3C000, s0;
	[dreg:$0x10] =	wrdreg s15  }
0xf: {  	s20 =	sadd.s32 $0x2400, s2;
	s7 =	smul.u32 $0x13C000, s0;
	[dreg:$0x11] =	wrdreg s16  }
0x10: {  	s0 =	ssub.s32 $0x2, s0;
	s11 =	simm.s32 $0x280;
	[dreg:$0x12] =	wrdreg s17  }
0x11: {  	s12 =	simm.s32 $0x1;
	s13 =	simm.s32 $0x2;
	[dreg:$0x13] =	wrdreg s18  }
0x12: {  	s14 =	simm.s32 $0x70;
	s15 =	simm.s32 $0x1800;
	[dreg:$0x14] =	wrdreg s19  }
0x13: {  	s16 =	simm.s32 $0x5000;
	s17 =	simm.s32 $0x8800;
	s22 =	simm.s32 $0x1000  }
0x14: {  	s18 =	simm.s32 $0x4;
	s19 =	simm.s32 $0x5;
	[dreg:$0xc] =	wrdreg s11  }
0x15: {  	s24 =	simm.s32 $0x1080;
	s26 =	simm.s32 $0x1100;
	[dreg:$0x17] =	wrdreg s22  }
0x16: {  	s23 =	sshrl.u32 s0, $0x1;
	s11 =	simm.s32 $0xC00;
	[dreg:$0x19] =	wrdreg s24  }
0x17: {  	[dreg:$0x1b] =	wrdreg s26;
	s22 =	simm.s32 $0x680;
	s24 =	simm.s32 $0x700  }
0x18: {  	s26 =	simm.s32 $0x780;
	s5 =	sadd.s32 s6, s5;
	s7 =	sadd.s32 s8, s7  }
0x19: {  	s0 =	ssub.s32 s0, s23;
	s6 =	simm.s32 $0xC80;
	s23 =	simm.s32 $0x580  }
0x1a: {  	s9 =	sadd.s32 $0x78000, s5;
	s7 =	sshrl.u32 s7, $0x3;
	[dreg:$0x9] =	wrdreg s6  }
0x1b: {  	s5 =	sshrl.u32 s5, $0x3;
	s0 =	smax.u32 s0, $0x1;
	[dreg:$0x18] =	wrdreg s23  }
0x1c: {  	s21 =	sshrl.u32 s9, $0x3;
	s5 =	sadd.s32 s5, s20;
	[smem:$0x7FC] =	sst s0  }
0x1d: {  	s2 =	sadd.s32 s7, s2;
	s9 =	simm.s32 $0xD00;
	[dreg:$0x5] =	wrdreg s5  }
0x1e: {  	s7 =	sshrl.u32 s25, $0x2;
	s25 =	simm.s32 $0x600;
	[dreg:$0xb] =	wrdreg s9  }
0x1f: {  	s23 =	simm.s32 $0x1180;
	s8 =	sadd.s32 s21, s20;
	[dreg:$0x1a] =	wrdreg s25  }
0x20: {  	s6 =	sadd.s32 s7, s3;
	s7 =	sor.u32 $0x1C07, s10;
	[dreg:$0x4] =	wrdreg s8  }
0x21: {  	s0 =	simm.s32 $0x1400;
	s2 =	sadd.s32 $0x22C00, s2;
	[dreg:$0x1e] =	wrdreg s7  }
0x22: {  	s20 =	simm.s32 $0xF80;
	s21 =	simm.s32 $0x500;
	[dreg:$0x1f] =	wrdreg s2  }
0x23: {  	s25 =	simm.s32 $0x1200;
	s5 =	simm.s32 $0x1480;
	[dreg:$0x15] =	wrdreg s20  }
0x24: {  	s9 =	simm.s32 $0x0;
	s8 =	simm.s32 $0x200;
	[dreg:$0x16] =	wrdreg s21  }
0x25: {  	s20 =	simm.s32 $0x3;
	[dreg:$0xa] =	wrdreg s8;
	s8 =	sshrl.u32 s6, $0x3  }
0x26: {  	s21 =	simm.s32 $0x6;
	s2 =	simm.s32 $0x1380;
	[smem:$0x7FD] =	sst s8  }
.LBB2_1:
0x27: {  	[smem:$0x7FB] =	sst s9  }
0x28: {  	s6 =	rddreg [dreg:$0x1c]  }
0x29: {  	s7 =	rddreg [dreg:$0x1e]  }
0x2a: {  	[spmem:s8], [sflag:s7] =	dma.local [hbm:s6], $0x2780  }
0x2b: {  	s6 =	rddreg [dreg:$0x5]  }
0x2c: {  	s7 =	rddreg [dreg:$0x4];
	s6 =	sadd.s32 $0x0, s6  }
0x2d: {  	[tilespmem:s4], [sflag:$0x1] =	stream.linear.gather [hbm4b:s6+s4], $0x900, $0x38;
	[tilespmem:$0x1FC00] =	vst v63  }
0x2e: {  	s8 =	sadd.s32 $0x0, s7  }
0x2f: {  	[tilespmem:s11], [sflag:$0x2] =	stream.linear.gather [hbm4b:s8+s4], $0x900, $0x38;
	[tilespmem:$0x1FC00] =	vst v63  }
0x30: {  	_ =	swait.ge [sflag:s12], $0x900  }
0x31: {  	[sflag:s12] =	ssyncset.done $0x0  }
0x32: {  	[sflag:s12] =	ssyncadd.s32 $0xFFFFF700  }
0x33: {  	_ =	swait.ge [sflag:s13], $0x900  }
0x34: {  	[sflag:s13] =	ssyncset.done $0x0  }
0x35: {  	[sflag:s13] =	ssyncadd.s32 $0xFFFFF700  }
0x36: {  	[tilespmem:s15], [sflag:$0x1] =	stream.indirect.gather [hbm4b:s1+s14], $0x80, s4, s14, $0xb8;
	[tilespmem:$0x1FC00] =	vst v63  }
0x37: {  	p0 =	por $0x0, $0x0;
	s9 =	rddreg [dreg:$0x6]  }
0x38: {  	[tilespmem:s16], [sflag:$0x2] =	stream.indirect.gather [hbm4b:s1+s14], $0x80, s9, s14, $0xb8;
	[tilespmem:$0x1FC00] =	vst v63  }
0x39: {  	s6 =	simm.s32 @!p0 $0x7;
	s10 =	rddreg [dreg:$0x7]  }
0x3a: {  	[tilespmem:s17], [sflag:$0x3] =	stream.indirect.gather [hbm4b:s1+s14], $0x80, s10, s14, $0xb8;
	[tilespmem:$0x1FC00] =	vst v63  }
0x3b: {  	_ =	swait.ge @!p0 [sflag:s6], $0x2780  }
0x3c: {  	[sflag:s6] =	ssyncset.done @!p0 $0x0  }
0x3d: {  	[sflag:s6] =	ssyncadd.s32 @!p0 $0xFFFFD880  }
0x3e: {  	[bflag:$0x0] =	sbarrier.arrive @!p0 $0xFFFF  }
0x3f: {  	_ =	swait.ge [sflag:s12], $0x3800  }
0x40: {  	[sflag:s12] =	ssyncset.done $0x0  }
0x41: {  	[sflag:s12] =	ssyncadd.s32 $0xFFFFC800  }
0x42: {  	[spmem:s3] =	stream.indirect.scatter.add.f32 [tilespmem:s15], [sflag:$0x4], $0x80, s11, s14, $0xb8;
	[tilespmem:$0x1FC00] =	vst v63  }
0x43: {  	_ =	swait.ge [sflag:s18], $0x3800  }
0x44: {  	[sflag:s18] =	ssyncset.done $0x0  }
0x45: {  	s7 =	rddreg [dreg:$0x8];
	[sflag:s18] =	ssyncadd.s32 $0xFFFFC800  }
0x46: {  	[tilespmem:s15], [sflag:$0x1] =	stream.indirect.gather [hbm4b:s1+s14], $0x80, s7, s14, $0xb8;
	[tilespmem:$0x1FC00] =	vst v63  }
0x47: {  	_ =	swait.ge [sflag:s13], $0x3800  }
0x48: {  	[sflag:s13] =	ssyncset.done $0x0  }
0x49: {  	s8 =	rddreg [dreg:$0x9];
	[sflag:s13] =	ssyncadd.s32 $0xFFFFC800  }
0x4a: {  	[spmem:s3] =	stream.indirect.scatter.add.f32 [tilespmem:s16], [sflag:$0x5], $0x80, s8, s14, $0xb8;
	[tilespmem:$0x1FC00] =	vst v63  }
0x4b: {  	_ =	swait.ge [sflag:s19], $0x3800  }
0x4c: {  	[sflag:s19] =	ssyncset.done $0x0  }
0x4d: {  	s9 =	rddreg [dreg:$0xa];
	[sflag:s19] =	ssyncadd.s32 $0xFFFFC800  }
0x4e: {  	[tilespmem:s16], [sflag:$0x2] =	stream.indirect.gather [hbm4b:s1+s14], $0x80, s9, s14, $0xb8;
	[tilespmem:$0x1FC00] =	vst v63  }
0x4f: {  	_ =	swait.ge [sflag:s20], $0x3800  }
0x50: {  	[sflag:s20] =	ssyncset.done $0x0  }
0x51: {  	s10 =	rddreg [dreg:$0xb];
	[sflag:s20] =	ssyncadd.s32 $0xFFFFC800  }
0x52: {  	[spmem:s3] =	stream.indirect.scatter.add.f32 [tilespmem:s17], [sflag:$0x6], $0x80, s10, s14, $0xb8;
	[tilespmem:$0x1FC00] =	vst v63  }
0x53: {  	_ =	swait.ge [sflag:s21], $0x3800  }
0x54: {  	[sflag:s21] =	ssyncset.done $0x0  }
0x55: {  	s7 =	rddreg [dreg:$0xc];
	[sflag:s21] =	ssyncadd.s32 $0xFFFFC800  }
0x56: {  	[tilespmem:s17], [sflag:$0x3] =	stream.indirect.gather [hbm4b:s1+s14], $0x80, s7, s14, $0xb8;
	[tilespmem:$0x1FC00] =	vst v63  }
0x57: {  	_ =	swait.ge [sflag:s12], $0x3800  }
0x58: {  	[sflag:s12] =	ssyncset.done $0x0  }
0x59: {  	s8 =	rddreg [dreg:$0xd];
	[sflag:s12] =	ssyncadd.s32 $0xFFFFC800  }
0x5a: {  	[spmem:s3] =	stream.indirect.scatter.add.f32 [tilespmem:s15], [sflag:$0x4], $0x80, s8, s14, $0xb8;
	[tilespmem:$0x1FC00] =	vst v63  }
0x5b: {  	_ =	swait.ge [sflag:s18], $0x3800  }
0x5c: {  	[sflag:s18] =	ssyncset.done $0x0  }
0x5d: {  	s9 =	rddreg [dreg:$0xe];
	[sflag:s18] =	ssyncadd.s32 $0xFFFFC800  }
0x5e: {  	[tilespmem:s15], [sflag:$0x1] =	stream.indirect.gather [hbm4b:s1+s14], $0x80, s9, s14, $0xb8;
	[tilespmem:$0x1FC00] =	vst v63  }
0x5f: {  	_ =	swait.ge [sflag:s13], $0x3800  }
0x60: {  	[sflag:s13] =	ssyncset.done $0x0  }
0x61: {  	s10 =	rddreg [dreg:$0xf];
	[sflag:s13] =	ssyncadd.s32 $0xFFFFC800  }
0x62: {  	[spmem:s3] =	stream.indirect.scatter.add.f32 [tilespmem:s16], [sflag:$0x5], $0x80, s10, s14, $0xb8;
	[tilespmem:$0x1FC00] =	vst v63  }
0x63: {  	_ =	swait.ge [sflag:s19], $0x3800  }
0x64: {  	[sflag:s19] =	ssyncset.done $0x0  }
0x65: {  	s7 =	rddreg [dreg:$0x10];
	[sflag:s19] =	ssyncadd.s32 $0xFFFFC800  }
0x66: {  	[tilespmem:s16], [sflag:$0x2] =	stream.indirect.gather [hbm4b:s1+s14], $0x80, s7, s14, $0xb8;
	[tilespmem:$0x1FC00] =	vst v63  }
0x67: {  	_ =	swait.ge [sflag:s20], $0x3800  }
0x68: {  	[sflag:s20] =	ssyncset.done $0x0  }
0x69: {  	s8 =	rddreg [dreg:$0x11];
	[sflag:s20] =	ssyncadd.s32 $0xFFFFC800  }
0x6a: {  	[spmem:s3] =	stream.indirect.scatter.add.f32 [tilespmem:s17], [sflag:$0x6], $0x80, s8, s14, $0xb8;
	[tilespmem:$0x1FC00] =	vst v63  }
0x6b: {  	_ =	swait.ge [sflag:s21], $0x3800  }
0x6c: {  	[sflag:s21] =	ssyncset.done $0x0  }
0x6d: {  	s9 =	rddreg [dreg:$0x12];
	[sflag:s21] =	ssyncadd.s32 $0xFFFFC800  }
0x6e: {  	[tilespmem:s17], [sflag:$0x3] =	stream.indirect.gather [hbm4b:s1+s14], $0x80, s9, s14, $0xb8;
	[tilespmem:$0x1FC00] =	vst v63  }
0x6f: {  	_ =	swait.ge [sflag:s12], $0x3800  }
0x70: {  	[sflag:s12] =	ssyncset.done $0x0  }
0x71: {  	s10 =	rddreg [dreg:$0x13];
	[sflag:s12] =	ssyncadd.s32 $0xFFFFC800  }
0x72: {  	[spmem:s3] =	stream.indirect.scatter.add.f32 [tilespmem:s15], [sflag:$0x4], $0x80, s10, s14, $0xb8;
	[tilespmem:$0x1FC00] =	vst v63  }
0x73: {  	_ =	swait.ge [sflag:s18], $0x3800  }
0x74: {  	[sflag:s18] =	ssyncset.done $0x0  }
0x75: {  	s7 =	rddreg [dreg:$0x14];
	[sflag:s18] =	ssyncadd.s32 $0xFFFFC800  }
0x76: {  	[tilespmem:s15], [sflag:$0x1] =	stream.indirect.gather [hbm4b:s1+s14], $0x80, s7, s14, $0xb8;
	[tilespmem:$0x1FC00] =	vst v63  }
0x77: {  	_ =	swait.ge [sflag:s13], $0x3800  }
0x78: {  	[sflag:s13] =	ssyncset.done $0x0  }
0x79: {  	s8 =	rddreg [dreg:$0x15];
	[sflag:s13] =	ssyncadd.s32 $0xFFFFC800  }
0x7a: {  	[spmem:s3] =	stream.indirect.scatter.add.f32 [tilespmem:s16], [sflag:$0x5], $0x80, s8, s14, $0xb8;
	[tilespmem:$0x1FC00] =	vst v63  }
0x7b: {  	_ =	swait.ge [sflag:s19], $0x3800  }
0x7c: {  	[sflag:s19] =	ssyncset.done $0x0  }
0x7d: {  	s9 =	rddreg [dreg:$0x16];
	[sflag:s19] =	ssyncadd.s32 $0xFFFFC800  }
0x7e: {  	[tilespmem:s16], [sflag:$0x2] =	stream.indirect.gather [hbm4b:s1+s14], $0x80, s9, s14, $0xb8;
	[tilespmem:$0x1FC00] =	vst v63  }
0x7f: {  	_ =	swait.ge [sflag:s20], $0x3800  }
0x80: {  	[sflag:s20] =	ssyncset.done $0x0  }
0x81: {  	s10 =	rddreg [dreg:$0x17];
	[sflag:s20] =	ssyncadd.s32 $0xFFFFC800  }
0x82: {  	[spmem:s3] =	stream.indirect.scatter.add.f32 [tilespmem:s17], [sflag:$0x6], $0x80, s10, s14, $0xb8;
	[tilespmem:$0x1FC00] =	vst v63  }
0x83: {  	_ =	swait.ge [sflag:s21], $0x3800  }
0x84: {  	[sflag:s21] =	ssyncset.done $0x0  }
0x85: {  	s7 =	rddreg [dreg:$0x18];
	[sflag:s21] =	ssyncadd.s32 $0xFFFFC800  }
0x86: {  	[tilespmem:s17], [sflag:$0x3] =	stream.indirect.gather [hbm4b:s1+s14], $0x80, s7, s14, $0xb8;
	[tilespmem:$0x1FC00] =	vst v63  }
0x87: {  	_ =	swait.ge [sflag:s12], $0x3800  }
0x88: {  	[sflag:s12] =	ssyncset.done $0x0  }
0x89: {  	s8 =	rddreg [dreg:$0x19];
	[sflag:s12] =	ssyncadd.s32 $0xFFFFC800  }
0x8a: {  	[spmem:s3] =	stream.indirect.scatter.add.f32 [tilespmem:s15], [sflag:$0x4], $0x80, s8, s14, $0xb8;
	[tilespmem:$0x1FC00] =	vst v63  }
0x8b: {  	_ =	swait.ge [sflag:s18], $0x3800  }
0x8c: {  	[sflag:s18] =	ssyncset.done $0x0  }
0x8d: {  	s9 =	rddreg [dreg:$0x1a];
	[sflag:s18] =	ssyncadd.s32 $0xFFFFC800  }
0x8e: {  	[tilespmem:s15], [sflag:$0x1] =	stream.indirect.gather [hbm4b:s1+s14], $0x80, s9, s14, $0xb8;
	[tilespmem:$0x1FC00] =	vst v63  }
0x8f: {  	_ =	swait.ge [sflag:s13], $0x3800  }
0x90: {  	[sflag:s13] =	ssyncset.done $0x0  }
0x91: {  	s10 =	rddreg [dreg:$0x1b];
	[sflag:s13] =	ssyncadd.s32 $0xFFFFC800  }
0x92: {  	[spmem:s3] =	stream.indirect.scatter.add.f32 [tilespmem:s16], [sflag:$0x5], $0x80, s10, s14, $0xb8;
	[tilespmem:$0x1FC00] =	vst v63  }
0x93: {  	_ =	swait.ge [sflag:s19], $0x3800  }
0x94: {  	[sflag:s19] =	ssyncset.done $0x0  }
0x95: {  	[sflag:s19] =	ssyncadd.s32 $0xFFFFC800  }
0x96: {  	[tilespmem:s16], [sflag:$0x2] =	stream.indirect.gather [hbm4b:s1+s14], $0x80, s22, s14, $0xb8;
	[tilespmem:$0x1FC00] =	vst v63  }
0x97: {  	_ =	swait.ge [sflag:s20], $0x3800  }
0x98: {  	[sflag:s20] =	ssyncset.done $0x0  }
0x99: {  	[sflag:s20] =	ssyncadd.s32 $0xFFFFC800  }
0x9a: {  	[spmem:s3] =	stream.indirect.scatter.add.f32 [tilespmem:s17], [sflag:$0x6], $0x80, s23, s14, $0xb8;
	[tilespmem:$0x1FC00] =	vst v63  }
0x9b: {  	_ =	swait.ge [sflag:s21], $0x3800  }
0x9c: {  	[sflag:s21] =	ssyncset.done $0x0  }
0x9d: {  	[sflag:s21] =	ssyncadd.s32 $0xFFFFC800  }
0x9e: {  	[tilespmem:s17], [sflag:$0x3] =	stream.indirect.gather [hbm4b:s1+s14], $0x80, s24, s14, $0xb8;
	[tilespmem:$0x1FC00] =	vst v63  }
0x9f: {  	_ =	swait.ge [sflag:s12], $0x3800  }
0xa0: {  	[sflag:s12] =	ssyncset.done $0x0  }
0xa1: {  	[sflag:s12] =	ssyncadd.s32 $0xFFFFC800  }
0xa2: {  	[spmem:s3] =	stream.indirect.scatter.add.f32 [tilespmem:s15], [sflag:$0x4], $0x80, s25, s14, $0xb8;
	[tilespmem:$0x1FC00] =	vst v63  }
0xa3: {  	_ =	swait.ge [sflag:s18], $0x3800  }
0xa4: {  	[sflag:s18] =	ssyncset.done $0x0  }
0xa5: {  	[sflag:s18] =	ssyncadd.s32 $0xFFFFC800  }
0xa6: {  	[tilespmem:s15], [sflag:$0x1] =	stream.indirect.gather [hbm4b:s1+s14], $0x80, s26, s14, $0xb8;
	[tilespmem:$0x1FC00] =	vst v63  }
0xa7: {  	_ =	swait.ge [sflag:s13], $0x3800  }
0xa8: {  	[sflag:s13] =	ssyncset.done $0x0  }
0xa9: {  	[sflag:s13] =	ssyncadd.s32 $0xFFFFC800  }
0xaa: {  	[spmem:s3] =	stream.indirect.scatter.add.f32 [tilespmem:s16], [sflag:$0x5], $0x80, s28, s14, $0xb8;
	[tilespmem:$0x1FC00] =	vst v63  }
0xab: {  	_ =	swait.ge [sflag:s19], $0x3800  }
0xac: {  	[sflag:s19] =	ssyncset.done $0x0  }
0xad: {  	[sflag:s19] =	ssyncadd.s32 $0xFFFFC800  }
0xae: {  	[tilespmem:s16], [sflag:$0x2] =	stream.indirect.gather [hbm4b:s1+s14], $0x80, s29, s14, $0xb8;
	[tilespmem:$0x1FC00] =	vst v63  }
0xaf: {  	_ =	swait.ge [sflag:s20], $0x3800  }
0xb0: {  	[sflag:s20] =	ssyncset.done $0x0  }
0xb1: {  	[sflag:s20] =	ssyncadd.s32 $0xFFFFC800  }
0xb2: {  	[spmem:s3] =	stream.indirect.scatter.add.f32 [tilespmem:s17], [sflag:$0x6], $0x80, s30, s14, $0xb8;
	[tilespmem:$0x1FC00] =	vst v63  }
0xb3: {  	_ =	swait.ge [sflag:s21], $0x3800  }
0xb4: {  	[sflag:s21] =	ssyncset.done $0x0  }
0xb5: {  	[sflag:s21] =	ssyncadd.s32 $0xFFFFC800  }
0xb6: {  	[tilespmem:s17], [sflag:$0x3] =	stream.indirect.gather [hbm4b:s1+s14], $0x80, s31, s14, $0xb8;
	[tilespmem:$0x1FC00] =	vst v63  }
0xb7: {  	_ =	swait.ge [sflag:s12], $0x3800  }
0xb8: {  	[sflag:s12] =	ssyncset.done $0x0  }
0xb9: {  	[sflag:s12] =	ssyncadd.s32 $0xFFFFC800  }
0xba: {  	[spmem:s3] =	stream.indirect.scatter.add.f32 [tilespmem:s15], [sflag:$0x4], $0x80, s2, s14, $0xb8;
	[tilespmem:$0x1FC00] =	vst v63  }
0xbb: {  	_ =	swait.ge [sflag:s13], $0x3800  }
0xbc: {  	[sflag:s13] =	ssyncset.done $0x0  }
0xbd: {  	[sflag:s13] =	ssyncadd.s32 $0xFFFFC800  }
0xbe: {  	[spmem:s3] =	stream.indirect.scatter.add.f32 [tilespmem:s16], [sflag:$0x5], $0x80, s0, s14, $0xb8;
	[tilespmem:$0x1FC00] =	vst v63  }
0xbf: {  	_ =	swait.ge [sflag:s20], $0x3800  }
0xc0: {  	[sflag:s20] =	ssyncset.done $0x0  }
0xc1: {  	[sflag:s20] =	ssyncadd.s32 $0xFFFFC800  }
0xc2: {  	[spmem:s3] =	stream.indirect.scatter.add.f32 [tilespmem:s17], [sflag:$0x6], $0x80, s5, s14, $0xb8;
	[tilespmem:$0x1FC00] =	vst v63  }
0xc3: {  	_ =	swait.ge [sflag:s18], $0x3800  }
0xc4: {  	[sflag:s18] =	ssyncset.done $0x0  }
0xc5: {  	[sflag:s18] =	ssyncadd.s32 $0xFFFFC800  }
0xc6: {  	_ =	swait.ge [sflag:s19], $0x3800  }
0xc7: {  	[sflag:s19] =	ssyncset.done $0x0  }
0xc8: {  	[sflag:s19] =	ssyncadd.s32 $0xFFFFC800  }
0xc9: {  	s6 =	simm.s32 $0x300;
	s9 =	simm.s32 $0x180;
	_ =	swait.ge [sflag:s21], $0x3800  }
.LBB2_2:
0xca: {  	s7 =	rddreg [dreg:$0x5];
	[sflag:s21] =	ssyncset.done $0x0  }
0xcb: {  	s8 =	rddreg [dreg:$0x4];
	[sflag:s21] =	ssyncadd.s32 $0xFFFFC800;
	s7 =	sadd.s32 s9, s7  }
0xcc: {  	[tilespmem:s4], [sflag:$0x1] =	stream.linear.gather [hbm4b:s7+s4], $0x900, $0x38;
	[tilespmem:$0x1FC00] =	vst v63  }
0xcd: {  	s8 =	sadd.s32 s9, s8  }
0xce: {  	[tilespmem:s11], [sflag:$0x2] =	stream.linear.gather [hbm4b:s8+s4], $0x900, $0x38;
	[tilespmem:$0x1FC00] =	vst v63  }
0xcf: {  	_ =	swait.ge [sflag:s12], $0x900  }
0xd0: {  	[sflag:s12] =	ssyncset.done $0x0  }
0xd1: {  	[sflag:s12] =	ssyncadd.s32 $0xFFFFF700  }
0xd2: {  	_ =	swait.ge [sflag:s13], $0x900  }
0xd3: {  	[sflag:s13] =	ssyncset.done $0x0  }
0xd4: {  	[sflag:s13] =	ssyncadd.s32 $0xFFFFF700  }
0xd5: {  	[tilespmem:s15], [sflag:$0x1] =	stream.indirect.gather [hbm4b:s1+s14], $0x80, s4, s14, $0xb8;
	[tilespmem:$0x1FC00] =	vst v63  }
0xd6: {  	p1 =	sne.s32 s9, $0x0;
	s7 =	rddreg [dreg:$0x6]  }
0xd7: {  	[tilespmem:s16], [sflag:$0x2] =	stream.indirect.gather [hbm4b:s1+s14], $0x80, s7, s14, $0xb8;
	[tilespmem:$0x1FC00] =	vst v63  }
0xd8: {  	s8 =	rddreg [dreg:$0x7];
	s7 =	simm.s32 @!p1 $0x7  }
0xd9: {  	[tilespmem:s17], [sflag:$0x3] =	stream.indirect.gather [hbm4b:s1+s14], $0x80, s8, s14, $0xb8;
	[tilespmem:$0x1FC00] =	vst v63  }
0xda: {  	_ =	swait.ge @!p1 [sflag:s7], $0x2780  }
0xdb: {  	[sflag:s7] =	ssyncset.done @!p1 $0x0  }
0xdc: {  	[sflag:s7] =	ssyncadd.s32 @!p1 $0xFFFFD880  }
0xdd: {  	[bflag:$0x0] =	sbarrier.arrive @!p1 $0xFFFF  }
0xde: {  	_ =	swait.ge [sflag:s12], $0x3800  }
0xdf: {  	[sflag:s12] =	ssyncset.done $0x0  }
0xe0: {  	[sflag:s12] =	ssyncadd.s32 $0xFFFFC800  }
0xe1: {  	[spmem:s3] =	stream.indirect.scatter.add.f32 [tilespmem:s15], [sflag:$0x4], $0x80, s11, s14, $0xb8;
	[tilespmem:$0x1FC00] =	vst v63  }
0xe2: {  	_ =	swait.ge [sflag:s18], $0x3800  }
0xe3: {  	[sflag:s18] =	ssyncset.done $0x0  }
0xe4: {  	s8 =	rddreg [dreg:$0x8];
	[sflag:s18] =	ssyncadd.s32 $0xFFFFC800  }
0xe5: {  	[tilespmem:s15], [sflag:$0x1] =	stream.indirect.gather [hbm4b:s1+s14], $0x80, s8, s14, $0xb8;
	[tilespmem:$0x1FC00] =	vst v63  }
0xe6: {  	_ =	swait.ge [sflag:s13], $0x3800  }
0xe7: {  	s10 =	smov.u32 s6;
	[sflag:s13] =	ssyncset.done $0x0  }
0xe8: {  	s9 =	smov.u32 s10;
	s10 =	rddreg [dreg:$0x9];
	[sflag:s13] =	ssyncadd.s32 $0xFFFFC800  }
0xe9: {  	[spmem:s3] =	stream.indirect.scatter.add.f32 [tilespmem:s16], [sflag:$0x5], $0x80, s10, s14, $0xb8;
	[tilespmem:$0x1FC00] =	vst v63  }
0xea: {  	_ =	swait.ge [sflag:s19], $0x3800  }
0xeb: {  	[sflag:s19] =	ssyncset.done $0x0  }
0xec: {  	s8 =	rddreg [dreg:$0xa];
	[sflag:s19] =	ssyncadd.s32 $0xFFFFC800  }
0xed: {  	[tilespmem:s16], [sflag:$0x2] =	stream.indirect.gather [hbm4b:s1+s14], $0x80, s8, s14, $0xb8;
	[tilespmem:$0x1FC00] =	vst v63  }
0xee: {  	_ =	swait.ge [sflag:s20], $0x3800  }
0xef: {  	[sflag:s20] =	ssyncset.done $0x0  }
0xf0: {  	s10 =	rddreg [dreg:$0xb];
	[sflag:s20] =	ssyncadd.s32 $0xFFFFC800  }
0xf1: {  	[spmem:s3] =	stream.indirect.scatter.add.f32 [tilespmem:s17], [sflag:$0x6], $0x80, s10, s14, $0xb8;
	[tilespmem:$0x1FC00] =	vst v63  }
0xf2: {  	_ =	swait.ge [sflag:s21], $0x3800  }
0xf3: {  	[sflag:s21] =	ssyncset.done $0x0  }
0xf4: {  	s8 =	rddreg [dreg:$0xc];
	[sflag:s21] =	ssyncadd.s32 $0xFFFFC800  }
0xf5: {  	[tilespmem:s17], [sflag:$0x3] =	stream.indirect.gather [hbm4b:s1+s14], $0x80, s8, s14, $0xb8;
	[tilespmem:$0x1FC00] =	vst v63  }
0xf6: {  	_ =	swait.ge [sflag:s12], $0x3800  }
0xf7: {  	[sflag:s12] =	ssyncset.done $0x0  }
0xf8: {  	s10 =	rddreg [dreg:$0xd];
	[sflag:s12] =	ssyncadd.s32 $0xFFFFC800  }
0xf9: {  	[spmem:s3] =	stream.indirect.scatter.add.f32 [tilespmem:s15], [sflag:$0x4], $0x80, s10, s14, $0xb8;
	[tilespmem:$0x1FC00] =	vst v63  }
0xfa: {  	_ =	swait.ge [sflag:s18], $0x3800  }
0xfb: {  	[sflag:s18] =	ssyncset.done $0x0  }
0xfc: {  	s8 =	rddreg [dreg:$0xe];
	[sflag:s18] =	ssyncadd.s32 $0xFFFFC800  }
0xfd: {  	[tilespmem:s15], [sflag:$0x1] =	stream.indirect.gather [hbm4b:s1+s14], $0x80, s8, s14, $0xb8;
	[tilespmem:$0x1FC00] =	vst v63  }
0xfe: {  	_ =	swait.ge [sflag:s13], $0x3800  }
0xff: {  	[sflag:s13] =	ssyncset.done $0x0  }
0x100: {  	s10 =	rddreg [dreg:$0xf];
	[sflag:s13] =	ssyncadd.s32 $0xFFFFC800  }
0x101: {  	[spmem:s3] =	stream.indirect.scatter.add.f32 [tilespmem:s16], [sflag:$0x5], $0x80, s10, s14, $0xb8;
	[tilespmem:$0x1FC00] =	vst v63  }
0x102: {  	_ =	swait.ge [sflag:s19], $0x3800  }
0x103: {  	[sflag:s19] =	ssyncset.done $0x0  }
0x104: {  	s8 =	rddreg [dreg:$0x10];
	[sflag:s19] =	ssyncadd.s32 $0xFFFFC800  }
0x105: {  	[tilespmem:s16], [sflag:$0x2] =	stream.indirect.gather [hbm4b:s1+s14], $0x80, s8, s14, $0xb8;
	[tilespmem:$0x1FC00] =	vst v63  }
0x106: {  	_ =	swait.ge [sflag:s20], $0x3800  }
0x107: {  	[sflag:s20] =	ssyncset.done $0x0  }
0x108: {  	s10 =	rddreg [dreg:$0x11];
	[sflag:s20] =	ssyncadd.s32 $0xFFFFC800  }
0x109: {  	[spmem:s3] =	stream.indirect.scatter.add.f32 [tilespmem:s17], [sflag:$0x6], $0x80, s10, s14, $0xb8;
	[tilespmem:$0x1FC00] =	vst v63  }
0x10a: {  	_ =	swait.ge [sflag:s21], $0x3800  }
0x10b: {  	[sflag:s21] =	ssyncset.done $0x0  }
0x10c: {  	s8 =	rddreg [dreg:$0x12];
	[sflag:s21] =	ssyncadd.s32 $0xFFFFC800  }
0x10d: {  	[tilespmem:s17], [sflag:$0x3] =	stream.indirect.gather [hbm4b:s1+s14], $0x80, s8, s14, $0xb8;
	[tilespmem:$0x1FC00] =	vst v63  }
0x10e: {  	_ =	swait.ge [sflag:s12], $0x3800  }
0x10f: {  	[sflag:s12] =	ssyncset.done $0x0  }
0x110: {  	s10 =	rddreg [dreg:$0x13];
	[sflag:s12] =	ssyncadd.s32 $0xFFFFC800  }
0x111: {  	[spmem:s3] =	stream.indirect.scatter.add.f32 [tilespmem:s15], [sflag:$0x4], $0x80, s10, s14, $0xb8;
	[tilespmem:$0x1FC00] =	vst v63  }
0x112: {  	_ =	swait.ge [sflag:s18], $0x3800  }
0x113: {  	[sflag:s18] =	ssyncset.done $0x0  }
0x114: {  	s8 =	rddreg [dreg:$0x14];
	[sflag:s18] =	ssyncadd.s32 $0xFFFFC800  }
0x115: {  	[tilespmem:s15], [sflag:$0x1] =	stream.indirect.gather [hbm4b:s1+s14], $0x80, s8, s14, $0xb8;
	[tilespmem:$0x1FC00] =	vst v63  }
0x116: {  	_ =	swait.ge [sflag:s13], $0x3800  }
0x117: {  	[sflag:s13] =	ssyncset.done $0x0  }
0x118: {  	s10 =	rddreg [dreg:$0x15];
	[sflag:s13] =	ssyncadd.s32 $0xFFFFC800  }
0x119: {  	[spmem:s3] =	stream.indirect.scatter.add.f32 [tilespmem:s16], [sflag:$0x5], $0x80, s10, s14, $0xb8;
	[tilespmem:$0x1FC00] =	vst v63  }
0x11a: {  	_ =	swait.ge [sflag:s19], $0x3800  }
0x11b: {  	[sflag:s19] =	ssyncset.done $0x0  }
0x11c: {  	s8 =	rddreg [dreg:$0x16];
	[sflag:s19] =	ssyncadd.s32 $0xFFFFC800  }
0x11d: {  	[tilespmem:s16], [sflag:$0x2] =	stream.indirect.gather [hbm4b:s1+s14], $0x80, s8, s14, $0xb8;
	[tilespmem:$0x1FC00] =	vst v63  }
0x11e: {  	_ =	swait.ge [sflag:s20], $0x3800  }
0x11f: {  	[sflag:s20] =	ssyncset.done $0x0  }
0x120: {  	s10 =	rddreg [dreg:$0x17];
	[sflag:s20] =	ssyncadd.s32 $0xFFFFC800  }
0x121: {  	[spmem:s3] =	stream.indirect.scatter.add.f32 [tilespmem:s17], [sflag:$0x6], $0x80, s10, s14, $0xb8;
	[tilespmem:$0x1FC00] =	vst v63  }
0x122: {  	_ =	swait.ge [sflag:s21], $0x3800  }
0x123: {  	[sflag:s21] =	ssyncset.done $0x0  }
0x124: {  	s8 =	rddreg [dreg:$0x18];
	[sflag:s21] =	ssyncadd.s32 $0xFFFFC800  }
0x125: {  	[tilespmem:s17], [sflag:$0x3] =	stream.indirect.gather [hbm4b:s1+s14], $0x80, s8, s14, $0xb8;
	[tilespmem:$0x1FC00] =	vst v63  }
0x126: {  	_ =	swait.ge [sflag:s12], $0x3800  }
0x127: {  	[sflag:s12] =	ssyncset.done $0x0  }
0x128: {  	s10 =	rddreg [dreg:$0x19];
	[sflag:s12] =	ssyncadd.s32 $0xFFFFC800  }
0x129: {  	[spmem:s3] =	stream.indirect.scatter.add.f32 [tilespmem:s15], [sflag:$0x4], $0x80, s10, s14, $0xb8;
	[tilespmem:$0x1FC00] =	vst v63  }
0x12a: {  	_ =	swait.ge [sflag:s18], $0x3800  }
0x12b: {  	[sflag:s18] =	ssyncset.done $0x0  }
0x12c: {  	s8 =	rddreg [dreg:$0x1a];
	[sflag:s18] =	ssyncadd.s32 $0xFFFFC800  }
0x12d: {  	[tilespmem:s15], [sflag:$0x1] =	stream.indirect.gather [hbm4b:s1+s14], $0x80, s8, s14, $0xb8;
	[tilespmem:$0x1FC00] =	vst v63  }
0x12e: {  	_ =	swait.ge [sflag:s13], $0x3800  }
0x12f: {  	[sflag:s13] =	ssyncset.done $0x0  }
0x130: {  	s10 =	rddreg [dreg:$0x1b];
	[sflag:s13] =	ssyncadd.s32 $0xFFFFC800  }
0x131: {  	[spmem:s3] =	stream.indirect.scatter.add.f32 [tilespmem:s16], [sflag:$0x5], $0x80, s10, s14, $0xb8;
	[tilespmem:$0x1FC00] =	vst v63  }
0x132: {  	_ =	swait.ge [sflag:s19], $0x3800  }
0x133: {  	[sflag:s19] =	ssyncset.done $0x0  }
0x134: {  	[sflag:s19] =	ssyncadd.s32 $0xFFFFC800  }
0x135: {  	[tilespmem:s16], [sflag:$0x2] =	stream.indirect.gather [hbm4b:s1+s14], $0x80, s22, s14, $0xb8;
	[tilespmem:$0x1FC00] =	vst v63  }
0x136: {  	_ =	swait.ge [sflag:s20], $0x3800  }
0x137: {  	[sflag:s20] =	ssyncset.done $0x0  }
0x138: {  	[sflag:s20] =	ssyncadd.s32 $0xFFFFC800  }
0x139: {  	[spmem:s3] =	stream.indirect.scatter.add.f32 [tilespmem:s17], [sflag:$0x6], $0x80, s23, s14, $0xb8;
	[tilespmem:$0x1FC00] =	vst v63  }
0x13a: {  	_ =	swait.ge [sflag:s21], $0x3800  }
0x13b: {  	[sflag:s21] =	ssyncset.done $0x0  }
0x13c: {  	[sflag:s21] =	ssyncadd.s32 $0xFFFFC800  }
0x13d: {  	[tilespmem:s17], [sflag:$0x3] =	stream.indirect.gather [hbm4b:s1+s14], $0x80, s24, s14, $0xb8;
	[tilespmem:$0x1FC00] =	vst v63  }
0x13e: {  	_ =	swait.ge [sflag:s12], $0x3800  }
0x13f: {  	[sflag:s12] =	ssyncset.done $0x0  }
0x140: {  	[sflag:s12] =	ssyncadd.s32 $0xFFFFC800  }
0x141: {  	[spmem:s3] =	stream.indirect.scatter.add.f32 [tilespmem:s15], [sflag:$0x4], $0x80, s25, s14, $0xb8;
	[tilespmem:$0x1FC00] =	vst v63  }
0x142: {  	_ =	swait.ge [sflag:s18], $0x3800  }
0x143: {  	[sflag:s18] =	ssyncset.done $0x0  }
0x144: {  	[sflag:s18] =	ssyncadd.s32 $0xFFFFC800  }
0x145: {  	[tilespmem:s15], [sflag:$0x1] =	stream.indirect.gather [hbm4b:s1+s14], $0x80, s26, s14, $0xb8;
	[tilespmem:$0x1FC00] =	vst v63  }
0x146: {  	_ =	swait.ge [sflag:s13], $0x3800  }
0x147: {  	[sflag:s13] =	ssyncset.done $0x0  }
0x148: {  	[sflag:s13] =	ssyncadd.s32 $0xFFFFC800  }
0x149: {  	[spmem:s3] =	stream.indirect.scatter.add.f32 [tilespmem:s16], [sflag:$0x5], $0x80, s28, s14, $0xb8;
	[tilespmem:$0x1FC00] =	vst v63  }
0x14a: {  	_ =	swait.ge [sflag:s19], $0x3800  }
0x14b: {  	[sflag:s19] =	ssyncset.done $0x0  }
0x14c: {  	[sflag:s19] =	ssyncadd.s32 $0xFFFFC800  }
0x14d: {  	[tilespmem:s16], [sflag:$0x2] =	stream.indirect.gather [hbm4b:s1+s14], $0x80, s29, s14, $0xb8;
	[tilespmem:$0x1FC00] =	vst v63  }
0x14e: {  	_ =	swait.ge [sflag:s20], $0x3800  }
0x14f: {  	[sflag:s20] =	ssyncset.done $0x0  }
0x150: {  	[sflag:s20] =	ssyncadd.s32 $0xFFFFC800  }
0x151: {  	[spmem:s3] =	stream.indirect.scatter.add.f32 [tilespmem:s17], [sflag:$0x6], $0x80, s30, s14, $0xb8;
	[tilespmem:$0x1FC00] =	vst v63  }
0x152: {  	_ =	swait.ge [sflag:s21], $0x3800  }
0x153: {  	[sflag:s21] =	ssyncset.done $0x0  }
0x154: {  	[sflag:s21] =	ssyncadd.s32 $0xFFFFC800  }
0x155: {  	[tilespmem:s17], [sflag:$0x3] =	stream.indirect.gather [hbm4b:s1+s14], $0x80, s31, s14, $0xb8;
	[tilespmem:$0x1FC00] =	vst v63  }
0x156: {  	_ =	swait.ge [sflag:s12], $0x3800  }
0x157: {  	[sflag:s12] =	ssyncset.done $0x0  }
0x158: {  	[sflag:s12] =	ssyncadd.s32 $0xFFFFC800  }
0x159: {  	[spmem:s3] =	stream.indirect.scatter.add.f32 [tilespmem:s15], [sflag:$0x4], $0x80, s2, s14, $0xb8;
	[tilespmem:$0x1FC00] =	vst v63  }
0x15a: {  	_ =	swait.ge [sflag:s13], $0x3800  }
0x15b: {  	[sflag:s13] =	ssyncset.done $0x0  }
0x15c: {  	[sflag:s13] =	ssyncadd.s32 $0xFFFFC800  }
0x15d: {  	[spmem:s3] =	stream.indirect.scatter.add.f32 [tilespmem:s16], [sflag:$0x5], $0x80, s0, s14, $0xb8;
	[tilespmem:$0x1FC00] =	vst v63  }
0x15e: {  	_ =	swait.ge [sflag:s20], $0x3800  }
0x15f: {  	[sflag:s20] =	ssyncset.done $0x0  }
0x160: {  	[sflag:s20] =	ssyncadd.s32 $0xFFFFC800  }
0x161: {  	[spmem:s3] =	stream.indirect.scatter.add.f32 [tilespmem:s17], [sflag:$0x6], $0x80, s5, s14, $0xb8;
	[tilespmem:$0x1FC00] =	vst v63  }
0x162: {  	s6 =	sadd.s32 $0x180, s6;
	_ =	swait.ge [sflag:s18], $0x3800  }
0x163: {  	p0 =	sne.s32 s6, $0x780;
	[sflag:s18] =	ssyncset.done $0x0  }
.Ltmp0:
0x164: {  	[sflag:s18] =	ssyncadd.s32 $0xFFFFC800;
	(pc) =	sbr.rel @p0 .LBB2_2-.Ltmp0, $4  }
0x165: {  	_ =	swait.ge [sflag:s19], $0x3800  }
0x166: {  	[sflag:s19] =	ssyncset.done $0x0  }
0x167: {  	[sflag:s19] =	ssyncadd.s32 $0xFFFFC800  }
0x168: {  	_ =	swait.ge [sflag:s21], $0x3800  }
0x169: {  	s6 =	rddreg [dreg:$0x5];
	[sflag:s21] =	ssyncset.done $0x0  }
0x16a: {  	s7 =	rddreg [dreg:$0x4];
	[sflag:s21] =	ssyncadd.s32 $0xFFFFC800;
	s6 =	sadd.s32 s9, s6  }
0x16b: {  	[tilespmem:s4], [sflag:$0x1] =	stream.linear.gather [hbm4b:s6+s4], $0x900, $0x38;
	[tilespmem:$0x1FC00] =	vst v63  }
0x16c: {  	s10 =	sadd.s32 s9, s7  }
0x16d: {  	[tilespmem:s11], [sflag:$0x2] =	stream.linear.gather [hbm4b:s10+s4], $0x900, $0x38;
	[tilespmem:$0x1FC00] =	vst v63  }
0x16e: {  	_ =	swait.ge [sflag:s12], $0x900  }
0x16f: {  	[sflag:s12] =	ssyncset.done $0x0  }
0x170: {  	[sflag:s12] =	ssyncadd.s32 $0xFFFFF700  }
0x171: {  	_ =	swait.ge [sflag:s13], $0x900  }
0x172: {  	[sflag:s13] =	ssyncset.done $0x0  }
0x173: {  	[sflag:s13] =	ssyncadd.s32 $0xFFFFF700  }
0x174: {  	[tilespmem:s15], [sflag:$0x1] =	stream.indirect.gather [hbm4b:s1+s14], $0x80, s4, s14, $0xb8;
	[tilespmem:$0x1FC00] =	vst v63  }
0x175: {  	p0 =	sne.s32 s9, $0x0;
	s7 =	rddreg [dreg:$0x6]  }
0x176: {  	[tilespmem:s16], [sflag:$0x2] =	stream.indirect.gather [hbm4b:s1+s14], $0x80, s7, s14, $0xb8;
	[tilespmem:$0x1FC00] =	vst v63  }
0x177: {  	s6 =	simm.s32 @!p0 $0x7;
	s8 =	rddreg [dreg:$0x7]  }
0x178: {  	[tilespmem:s17], [sflag:$0x3] =	stream.indirect.gather [hbm4b:s1+s14], $0x80, s8, s14, $0xb8;
	[tilespmem:$0x1FC00] =	vst v63  }
0x179: {  	_ =	swait.ge @!p0 [sflag:s6], $0x2780  }
0x17a: {  	[sflag:s6] =	ssyncset.done @!p0 $0x0  }
0x17b: {  	[sflag:s6] =	ssyncadd.s32 @!p0 $0xFFFFD880  }
0x17c: {  	[bflag:$0x0] =	sbarrier.arrive @!p0 $0xFFFF  }
0x17d: {  	_ =	swait.ge [sflag:s12], $0x3800  }
0x17e: {  	[sflag:s12] =	ssyncset.done $0x0  }
0x17f: {  	[sflag:s12] =	ssyncadd.s32 $0xFFFFC800  }
0x180: {  	[spmem:s3] =	stream.indirect.scatter.add.f32 [tilespmem:s15], [sflag:$0x4], $0x80, s11, s14, $0xb8;
	[tilespmem:$0x1FC00] =	vst v63  }
0x181: {  	_ =	swait.ge [sflag:s18], $0x3800  }
0x182: {  	[sflag:s18] =	ssyncset.done $0x0  }
0x183: {  	s9 =	rddreg [dreg:$0x8];
	[sflag:s18] =	ssyncadd.s32 $0xFFFFC800  }
0x184: {  	[tilespmem:s15], [sflag:$0x1] =	stream.indirect.gather [hbm4b:s1+s14], $0x80, s9, s14, $0xb8;
	[tilespmem:$0x1FC00] =	vst v63  }
0x185: {  	_ =	swait.ge [sflag:s13], $0x3800  }
0x186: {  	[sflag:s13] =	ssyncset.done $0x0  }
0x187: {  	s10 =	rddreg [dreg:$0x9];
	[sflag:s13] =	ssyncadd.s32 $0xFFFFC800  }
0x188: {  	[spmem:s3] =	stream.indirect.scatter.add.f32 [tilespmem:s16], [sflag:$0x5], $0x80, s10, s14, $0xb8;
	[tilespmem:$0x1FC00] =	vst v63  }
0x189: {  	_ =	swait.ge [sflag:s19], $0x3800  }
0x18a: {  	[sflag:s19] =	ssyncset.done $0x0  }
0x18b: {  	s7 =	rddreg [dreg:$0xa];
	[sflag:s19] =	ssyncadd.s32 $0xFFFFC800  }
0x18c: {  	[tilespmem:s16], [sflag:$0x2] =	stream.indirect.gather [hbm4b:s1+s14], $0x80, s7, s14, $0xb8;
	[tilespmem:$0x1FC00] =	vst v63  }
0x18d: {  	_ =	swait.ge [sflag:s20], $0x3800  }
0x18e: {  	[sflag:s20] =	ssyncset.done $0x0  }
0x18f: {  	s8 =	rddreg [dreg:$0xb];
	[sflag:s20] =	ssyncadd.s32 $0xFFFFC800  }
0x190: {  	[spmem:s3] =	stream.indirect.scatter.add.f32 [tilespmem:s17], [sflag:$0x6], $0x80, s8, s14, $0xb8;
	[tilespmem:$0x1FC00] =	vst v63  }
0x191: {  	_ =	swait.ge [sflag:s21], $0x3800  }
0x192: {  	[sflag:s21] =	ssyncset.done $0x0  }
0x193: {  	s9 =	rddreg [dreg:$0xc];
	[sflag:s21] =	ssyncadd.s32 $0xFFFFC800  }
0x194: {  	[tilespmem:s17], [sflag:$0x3] =	stream.indirect.gather [hbm4b:s1+s14], $0x80, s9, s14, $0xb8;
	[tilespmem:$0x1FC00] =	vst v63  }
0x195: {  	_ =	swait.ge [sflag:s12], $0x3800  }
0x196: {  	[sflag:s12] =	ssyncset.done $0x0  }
0x197: {  	s10 =	rddreg [dreg:$0xd];
	[sflag:s12] =	ssyncadd.s32 $0xFFFFC800  }
0x198: {  	[spmem:s3] =	stream.indirect.scatter.add.f32 [tilespmem:s15], [sflag:$0x4], $0x80, s10, s14, $0xb8;
	[tilespmem:$0x1FC00] =	vst v63  }
0x199: {  	_ =	swait.ge [sflag:s18], $0x3800  }
0x19a: {  	[sflag:s18] =	ssyncset.done $0x0  }
0x19b: {  	s7 =	rddreg [dreg:$0xe];
	[sflag:s18] =	ssyncadd.s32 $0xFFFFC800  }
0x19c: {  	[tilespmem:s15], [sflag:$0x1] =	stream.indirect.gather [hbm4b:s1+s14], $0x80, s7, s14, $0xb8;
	[tilespmem:$0x1FC00] =	vst v63  }
0x19d: {  	_ =	swait.ge [sflag:s13], $0x3800  }
0x19e: {  	[sflag:s13] =	ssyncset.done $0x0  }
0x19f: {  	s8 =	rddreg [dreg:$0xf];
	[sflag:s13] =	ssyncadd.s32 $0xFFFFC800  }
0x1a0: {  	[spmem:s3] =	stream.indirect.scatter.add.f32 [tilespmem:s16], [sflag:$0x5], $0x80, s8, s14, $0xb8;
	[tilespmem:$0x1FC00] =	vst v63  }
0x1a1: {  	_ =	swait.ge [sflag:s19], $0x3800  }
0x1a2: {  	[sflag:s19] =	ssyncset.done $0x0  }
0x1a3: {  	s9 =	rddreg [dreg:$0x10];
	[sflag:s19] =	ssyncadd.s32 $0xFFFFC800  }
0x1a4: {  	[tilespmem:s16], [sflag:$0x2] =	stream.indirect.gather [hbm4b:s1+s14], $0x80, s9, s14, $0xb8;
	[tilespmem:$0x1FC00] =	vst v63  }
0x1a5: {  	_ =	swait.ge [sflag:s20], $0x3800  }
0x1a6: {  	[sflag:s20] =	ssyncset.done $0x0  }
0x1a7: {  	s10 =	rddreg [dreg:$0x11];
	[sflag:s20] =	ssyncadd.s32 $0xFFFFC800  }
0x1a8: {  	[spmem:s3] =	stream.indirect.scatter.add.f32 [tilespmem:s17], [sflag:$0x6], $0x80, s10, s14, $0xb8;
	[tilespmem:$0x1FC00] =	vst v63  }
0x1a9: {  	_ =	swait.ge [sflag:s21], $0x3800  }
0x1aa: {  	[sflag:s21] =	ssyncset.done $0x0  }
0x1ab: {  	s7 =	rddreg [dreg:$0x12];
	[sflag:s21] =	ssyncadd.s32 $0xFFFFC800  }
0x1ac: {  	[tilespmem:s17], [sflag:$0x3] =	stream.indirect.gather [hbm4b:s1+s14], $0x80, s7, s14, $0xb8;
	[tilespmem:$0x1FC00] =	vst v63  }
0x1ad: {  	_ =	swait.ge [sflag:s12], $0x3800  }
0x1ae: {  	[sflag:s12] =	ssyncset.done $0x0  }
0x1af: {  	s8 =	rddreg [dreg:$0x13];
	[sflag:s12] =	ssyncadd.s32 $0xFFFFC800  }
0x1b0: {  	[spmem:s3] =	stream.indirect.scatter.add.f32 [tilespmem:s15], [sflag:$0x4], $0x80, s8, s14, $0xb8;
	[tilespmem:$0x1FC00] =	vst v63  }
0x1b1: {  	_ =	swait.ge [sflag:s18], $0x3800  }
0x1b2: {  	[sflag:s18] =	ssyncset.done $0x0  }
0x1b3: {  	s9 =	rddreg [dreg:$0x14];
	[sflag:s18] =	ssyncadd.s32 $0xFFFFC800  }
0x1b4: {  	[tilespmem:s15], [sflag:$0x1] =	stream.indirect.gather [hbm4b:s1+s14], $0x80, s9, s14, $0xb8;
	[tilespmem:$0x1FC00] =	vst v63  }
0x1b5: {  	_ =	swait.ge [sflag:s13], $0x3800  }
0x1b6: {  	[sflag:s13] =	ssyncset.done $0x0  }
0x1b7: {  	s10 =	rddreg [dreg:$0x15];
	[sflag:s13] =	ssyncadd.s32 $0xFFFFC800  }
0x1b8: {  	[spmem:s3] =	stream.indirect.scatter.add.f32 [tilespmem:s16], [sflag:$0x5], $0x80, s10, s14, $0xb8;
	[tilespmem:$0x1FC00] =	vst v63  }
0x1b9: {  	_ =	swait.ge [sflag:s19], $0x3800  }
0x1ba: {  	[sflag:s19] =	ssyncset.done $0x0  }
0x1bb: {  	s7 =	rddreg [dreg:$0x16];
	[sflag:s19] =	ssyncadd.s32 $0xFFFFC800  }
0x1bc: {  	[tilespmem:s16], [sflag:$0x2] =	stream.indirect.gather [hbm4b:s1+s14], $0x80, s7, s14, $0xb8;
	[tilespmem:$0x1FC00] =	vst v63  }
0x1bd: {  	_ =	swait.ge [sflag:s20], $0x3800  }
0x1be: {  	[sflag:s20] =	ssyncset.done $0x0  }
0x1bf: {  	s8 =	rddreg [dreg:$0x17];
	[sflag:s20] =	ssyncadd.s32 $0xFFFFC800  }
0x1c0: {  	[spmem:s3] =	stream.indirect.scatter.add.f32 [tilespmem:s17], [sflag:$0x6], $0x80, s8, s14, $0xb8;
	[tilespmem:$0x1FC00] =	vst v63  }
0x1c1: {  	_ =	swait.ge [sflag:s21], $0x3800  }
0x1c2: {  	[sflag:s21] =	ssyncset.done $0x0  }
0x1c3: {  	s9 =	rddreg [dreg:$0x18];
	[sflag:s21] =	ssyncadd.s32 $0xFFFFC800  }
0x1c4: {  	[tilespmem:s17], [sflag:$0x3] =	stream.indirect.gather [hbm4b:s1+s14], $0x80, s9, s14, $0xb8;
	[tilespmem:$0x1FC00] =	vst v63  }
0x1c5: {  	_ =	swait.ge [sflag:s12], $0x3800  }
0x1c6: {  	[sflag:s12] =	ssyncset.done $0x0  }
0x1c7: {  	s10 =	rddreg [dreg:$0x19];
	[sflag:s12] =	ssyncadd.s32 $0xFFFFC800  }
0x1c8: {  	[spmem:s3] =	stream.indirect.scatter.add.f32 [tilespmem:s15], [sflag:$0x4], $0x80, s10, s14, $0xb8;
	[tilespmem:$0x1FC00] =	vst v63  }
0x1c9: {  	_ =	swait.ge [sflag:s18], $0x3800  }
0x1ca: {  	[sflag:s18] =	ssyncset.done $0x0  }
0x1cb: {  	s7 =	rddreg [dreg:$0x1a];
	[sflag:s18] =	ssyncadd.s32 $0xFFFFC800  }
0x1cc: {  	[tilespmem:s15], [sflag:$0x1] =	stream.indirect.gather [hbm4b:s1+s14], $0x80, s7, s14, $0xb8;
	[tilespmem:$0x1FC00] =	vst v63  }
0x1cd: {  	_ =	swait.ge [sflag:s13], $0x3800  }
0x1ce: {  	[sflag:s13] =	ssyncset.done $0x0  }
0x1cf: {  	s8 =	rddreg [dreg:$0x1b];
	[sflag:s13] =	ssyncadd.s32 $0xFFFFC800  }
0x1d0: {  	[spmem:s3] =	stream.indirect.scatter.add.f32 [tilespmem:s16], [sflag:$0x5], $0x80, s8, s14, $0xb8;
	[tilespmem:$0x1FC00] =	vst v63  }
0x1d1: {  	_ =	swait.ge [sflag:s19], $0x3800  }
0x1d2: {  	[sflag:s19] =	ssyncset.done $0x0  }
0x1d3: {  	[sflag:s19] =	ssyncadd.s32 $0xFFFFC800  }
0x1d4: {  	[tilespmem:s16], [sflag:$0x2] =	stream.indirect.gather [hbm4b:s1+s14], $0x80, s22, s14, $0xb8;
	[tilespmem:$0x1FC00] =	vst v63  }
0x1d5: {  	_ =	swait.ge [sflag:s20], $0x3800  }
0x1d6: {  	[sflag:s20] =	ssyncset.done $0x0  }
0x1d7: {  	[sflag:s20] =	ssyncadd.s32 $0xFFFFC800  }
0x1d8: {  	[spmem:s3] =	stream.indirect.scatter.add.f32 [tilespmem:s17], [sflag:$0x6], $0x80, s23, s14, $0xb8;
	[tilespmem:$0x1FC00] =	vst v63  }
0x1d9: {  	_ =	swait.ge [sflag:s21], $0x3800  }
0x1da: {  	[sflag:s21] =	ssyncset.done $0x0  }
0x1db: {  	[sflag:s21] =	ssyncadd.s32 $0xFFFFC800  }
0x1dc: {  	[tilespmem:s17], [sflag:$0x3] =	stream.indirect.gather [hbm4b:s1+s14], $0x80, s24, s14, $0xb8;
	[tilespmem:$0x1FC00] =	vst v63  }
0x1dd: {  	_ =	swait.ge [sflag:s12], $0x3800  }
0x1de: {  	[sflag:s12] =	ssyncset.done $0x0  }
0x1df: {  	[sflag:s12] =	ssyncadd.s32 $0xFFFFC800  }
0x1e0: {  	[spmem:s3] =	stream.indirect.scatter.add.f32 [tilespmem:s15], [sflag:$0x4], $0x80, s25, s14, $0xb8;
	[tilespmem:$0x1FC00] =	vst v63  }
0x1e1: {  	_ =	swait.ge [sflag:s18], $0x3800  }
0x1e2: {  	[sflag:s18] =	ssyncset.done $0x0  }
0x1e3: {  	[sflag:s18] =	ssyncadd.s32 $0xFFFFC800  }
0x1e4: {  	[tilespmem:s15], [sflag:$0x1] =	stream.indirect.gather [hbm4b:s1+s14], $0x80, s26, s14, $0xb8;
	[tilespmem:$0x1FC00] =	vst v63  }
0x1e5: {  	_ =	swait.ge [sflag:s13], $0x3800  }
0x1e6: {  	[sflag:s13] =	ssyncset.done $0x0  }
0x1e7: {  	[sflag:s13] =	ssyncadd.s32 $0xFFFFC800  }
0x1e8: {  	[spmem:s3] =	stream.indirect.scatter.add.f32 [tilespmem:s16], [sflag:$0x5], $0x80, s28, s14, $0xb8;
	[tilespmem:$0x1FC00] =	vst v63  }
0x1e9: {  	_ =	swait.ge [sflag:s19], $0x3800  }
0x1ea: {  	[sflag:s19] =	ssyncset.done $0x0  }
0x1eb: {  	[sflag:s19] =	ssyncadd.s32 $0xFFFFC800  }
0x1ec: {  	[tilespmem:s16], [sflag:$0x2] =	stream.indirect.gather [hbm4b:s1+s14], $0x80, s29, s14, $0xb8;
	[tilespmem:$0x1FC00] =	vst v63  }
0x1ed: {  	_ =	swait.ge [sflag:s20], $0x3800  }
0x1ee: {  	[sflag:s20] =	ssyncset.done $0x0  }
0x1ef: {  	[sflag:s20] =	ssyncadd.s32 $0xFFFFC800  }
0x1f0: {  	[spmem:s3] =	stream.indirect.scatter.add.f32 [tilespmem:s17], [sflag:$0x6], $0x80, s30, s14, $0xb8;
	[tilespmem:$0x1FC00] =	vst v63  }
0x1f1: {  	_ =	swait.ge [sflag:s21], $0x3800  }
0x1f2: {  	[sflag:s21] =	ssyncset.done $0x0  }
0x1f3: {  	[sflag:s21] =	ssyncadd.s32 $0xFFFFC800  }
0x1f4: {  	[tilespmem:s17], [sflag:$0x3] =	stream.indirect.gather [hbm4b:s1+s14], $0x80, s31, s14, $0xb8;
	[tilespmem:$0x1FC00] =	vst v63  }
0x1f5: {  	_ =	swait.ge [sflag:s12], $0x3800  }
0x1f6: {  	[sflag:s12] =	ssyncset.done $0x0  }
0x1f7: {  	[sflag:s12] =	ssyncadd.s32 $0xFFFFC800  }
0x1f8: {  	[spmem:s3] =	stream.indirect.scatter.add.f32 [tilespmem:s15], [sflag:$0x4], $0x80, s2, s14, $0xb8;
	[tilespmem:$0x1FC00] =	vst v63  }
0x1f9: {  	_ =	swait.ge [sflag:s13], $0x3800  }
0x1fa: {  	[sflag:s13] =	ssyncset.done $0x0  }
0x1fb: {  	[sflag:s13] =	ssyncadd.s32 $0xFFFFC800  }
0x1fc: {  	[spmem:s3] =	stream.indirect.scatter.add.f32 [tilespmem:s16], [sflag:$0x5], $0x80, s0, s14, $0xb8;
	[tilespmem:$0x1FC00] =	vst v63  }
0x1fd: {  	_ =	swait.ge [sflag:s20], $0x3800  }
0x1fe: {  	[sflag:s20] =	ssyncset.done $0x0  }
0x1ff: {  	[sflag:s20] =	ssyncadd.s32 $0xFFFFC800  }
0x200: {  	[spmem:s3] =	stream.indirect.scatter.add.f32 [tilespmem:s17], [sflag:$0x6], $0x80, s5, s14, $0xb8;
	[tilespmem:$0x1FC00] =	vst v63  }
0x201: {  	_ =	swait.ge [sflag:s18], $0x3800  }
0x202: {  	[sflag:s18] =	ssyncset.done $0x0  }
0x203: {  	[sflag:s18] =	ssyncadd.s32 $0xFFFFC800  }
0x204: {  	_ =	swait.ge [sflag:s19], $0x3800  }
0x205: {  	[sflag:s19] =	ssyncset.done $0x0  }
0x206: {  	[sflag:s19] =	ssyncadd.s32 $0xFFFFC800  }
0x207: {  	_ =	swait.ge [sflag:s21], $0x3800  }
0x208: {  	[sflag:s21] =	ssyncset.done $0x0  }
0x209: {  	[sflag:s21] =	ssyncadd.s32 $0xFFFFC800  }
0x20a: {  	[bflag:$0x0] =	sbarrier.arrive $0xFFFF  }
0x20b: {  	s8 =	sld [smem:$0x7FD]  }
0x20c: {  	s9 =	rddreg [dreg:$0x1d]  }
0x20d: {  	s7 =	simm.s32 $0x8;
	s10 =	rddreg [dreg:$0x1f];
	s6 =	sor.u32 $0x1C08, s9  }
0x20e: {  	[hbm:s10], [sflag:s6] =	dma.local [spmem:s8], $0x2780  }
0x20f: {  	_ =	swait.ge [sflag:s7], $0x2780  }
0x210: {  	s6 =	sld [smem:$0x7FB]  }
0x211: {  	s10 =	sld [smem:$0x7FC];
	_ =	sdelay $0x1  }
0x212: {  	s9 =	sadd.s32 $0x1, s6  }
0x213: {  	p0 =	sne.s32 s9, s10  }
.Ltmp1:
0x214: {  	_ = 	snop;
	(pc) =	sbr.rel @p0 .LBB2_1-.Ltmp1, $3  }
0x215: {  	_ =	sdelay $0x1  }
0x216: {  	[sflag:s7] =	ssyncset.done $0x0  }
0x217: {  	[sflag:s7] =	ssyncadd.s32 $0xFFFFD880  }
0x218: {  	_ =	sfence.sel $0x180000  }
0x219: {  	[bflag:$0x0] =	sbarrier.arrive $0xFFFF  }
0x21a: {  	_ =	strace $0x9000004A  }
0x21b: {  	s0 =	stileid.u32;
	[bflag:$0x2] =	sbarrier.arrive $0xFFFF  }
0x21c: {  	p0 =	sne.s32 s0, $0x0;
	s0 =	rddreg [dreg:$0x3]  }
0x21d: {  	s0 =	sadd.s32 @!p0 $0x100000, s0  }
0x21e: {  	[sflag:s0] =	ssyncadd.tile.s32 @!p0 $0x1;
	_ =	shalt  }
.Lfunc_end2:
_tile_overlayer_lowered:
.L_overlay_start_2:
0x21f: {  	(tag) =	ssettag $0x2  }
0x220: {  	s0 =	rddreg [dreg:$0x0];
	s2 =	stileid.u32  }
0x221: {  	s1 =	rddreg [dreg:$0x1];
	p0 =	sne.s32 s2, $0x0  }
0x222: {  	s3 =	rddreg [dreg:$0x2];
	[bflag:$0x3] =	sbarrier.arrive $0xFFFF;
	s2 =	simm.s32 @!p0 $0x1C08  }
0x223: {  	[timem:s3], [sflag:s2] =	dma.local @!p0 [hbm:s0], s1  }
0x224: {  	s0 =	simm.s32 @!p0 $0x8  }
0x225: {  	_ =	swait.ge @!p0 [sflag:s0], s1  }
0x226: {  	s1 =	ssub.s32 @!p0 $0x0, s1;
	[sflag:s0] =	ssyncset.done @!p0 $0x0  }
0x227: {  	[sflag:s0] =	ssyncadd.s32 @!p0 s1  }
0x228: {  	[bflag:$0x3] =	sbarrier.arrive $0xFFFF  }
0x229: {  	_ =	shalt  }

// kernel: kernel.14.cloned.1.call-start
scs
__scs_entry_jumppad:
0x0: {  	(pc) =	sbr.rel $0x88, $3  }
0x1: {  	(tag) =	ssettag $0x0;
	lr =	simm.s32 $0x1  }
0x2: {  	[smem:$0x3F9B] =	sst lr;
	_ =	strace $0xD0000000  }
0x3: {  	_ = 	snop  }
0x4: {  	_ = 	snop  }
0x5: {  	_ = 	snop  }
0x6: {  	_ = 	snop  }
0x7: {  	_ = 	snop  }
__scs_overlays_trampoline_lowered:
0x8: {  	[smem:$0x3FAA] =	sst s0  }
0x9: {  	[smem:$0x3FAB] =	sst s1  }
0xa: {  	[smem:$0x3FAC] =	sst s2  }
0xb: {  	[smem:$0x3FAD] =	sst s3  }
0xc: {  	[smem:$0x3FAE] =	sst s4  }
0xd: {  	[smem:$0x3FAF] =	sst s5  }
0xe: {  	[smem:$0x3FB0] =	sst s6  }
0xf: {  	[smem:$0x3FB1] =	sst s7  }
0x10: {  	[smem:$0x3FB2] =	sst s8  }
0x11: {  	[smem:$0x3FB3] =	sst s9;
	s0 =	simm.s32 @!p0 $0x0  }
0x12: {  	s1 =	sld [smem:$0x3F99];
	s0 =	simm.s32 @p0 $0x1  }
0x13: {  	[smem:$0x3FB4] =	sst s0;
	s0 =	simm.s32 @!p1 $0x0  }
0x14: {  	s2 =	sld [smem:$0x3F98];
	s0 =	simm.s32 @p1 $0x1  }
0x15: {  	[smem:$0x3FB5] =	sst s0;
	s0 =	simm.s32 @!p2 $0x0  }
0x16: {  	s3 =	sld [smem:$0x3FDB];
	s0 =	simm.s32 @p2 $0x1  }
0x17: {  	s4 =	simm.s32 $0x1BF5;
	[smem:$0x3FB7] =	sst s0  }
0x18: {  	s0 =	sld [smem:$0x3F9A];
	_ =	swait.ge [sflag:s4], $0x0  }
0x19: {  	s7 =	sld [smem:$0x3F9B]  }
0x1a: {  	s8 =	sadd.s32 $0xFFFFE003, lr  }
0x1b: {  	s9 =	sadd.s32 $0xFFFFFEF7, lr;
	s5 =	simm.s32 $0xFFFFFFFF;
	p2 =	slt.u32 s8, $0xFFFFF086  }
0x1c: {  	p1 =	slt.u32 s9, $0xF7A;
	s5 =	simm.s32 @!p2 $0x0  }
0x1d: {  	s5 =	simm.s32 @p1 $0x1;
	p0 =	seq.s32 s7, s2  }
0x1e: {  	s7 =	smul.u32 @!p0 $0xF7A, s2;
	p2 =	seq.s32 @!p0 s5, $0x0  }
0x1f: {  	s9 =	smul.u32 $0xF7A, s1;
	s8 =	simm.s32 @!p0 $0x1BF5;
	p2 =	por !p2, p0  }
0x20: {  	[sflag:s8] =	ssyncset.s32 @!p0 $0xFFFFF086;
	s6 =	sadd.s32 @!p0 s3, s7;
	s7 =	simm.s32 @!p0 $0x108  }
0x21: {  	s3 =	sadd.s32 s3, s9;
	s6 =	sadd.s32 @!p0 $0x88, s6;
	s7 =	simm.s32 @p2 $0x1082  }
0x22: {  	[simem:s7], [sflag:s8] =	dma.local @!p0 [hbm:s6], $0xF7A  }
0x23: {  	s9 =	sor.u32 $0xD0000000, s2;
	s6 =	simm.s32 $0x108;
	_ =	swait.ge @!p0 [sflag:s8], $0x0  }
0x24: {  	s3 =	sadd.s32 $0x88, s3;
	s6 =	simm.s32 @!p1 $0x1082;
	[sflag:s4] =	ssyncset.s32 $0xFFFFF086  }
0x25: {  	[simem:s6], [sflag:s4] =	dma.local [hbm:s3], $0xF7A  }
0x26: {  	[smem:$0x3F9B] =	sst s1;
	(tag) =	ssettag s2;
	_ =	strace s9  }
0x27: {  	s1 =	sld [smem:$0x3FAB]  }
0x28: {  	s2 =	sld [smem:$0x3FAC]  }
0x29: {  	s4 =	sld [smem:$0x3FAE]  }
0x2a: {  	p0 =	seq.s32 s5, $0x0;
	s5 =	sld [smem:$0x3FAF]  }
0x2b: {  	s6 =	sld [smem:$0x3FB0]  }
0x2c: {  	s7 =	sld [smem:$0x3FB1]  }
0x2d: {  	s3 =	simm.s32 $0x108;
	s8 =	sld [smem:$0x3FB2]  }
0x2e: {  	s3 =	simm.s32 @!p0 $0x1082;
	s9 =	sld [smem:$0x3FB3]  }
0x2f: {  	lr =	sadd.s32 s0, s3;
	s0 =	sld [smem:$0x3FAA]  }
0x30: {  	s3 =	sld [smem:$0x3FAD]  }
0x31: {  	[smem:$0x3FB6] =	sst s10  }
0x32: {  	s10 =	sld [smem:$0x3FB4];
	_ =	sdelay $0x3  }
0x33: {  	p0 =	seq.s32 s10, $0x1;
	s10 =	sld [smem:$0x3FB6];
	_ =	sdelay $0x3  }
0x34: {  	[smem:$0x3FB6] =	sst s10  }
0x35: {  	s10 =	sld [smem:$0x3FB5];
	_ =	sdelay $0x3  }
0x36: {  	p1 =	seq.s32 s10, $0x1;
	s10 =	sld [smem:$0x3FB6];
	_ =	sdelay $0x3  }
0x37: {  	[smem:$0x3FB6] =	sst s10  }
0x38: {  	s10 =	sld [smem:$0x3FB7]  }
0x39: {  	_ = 	snop;
	(pc) =	sbr.ind lr, $3  }
0x3a: {  	_ = 	snop  }
0x3b: {  	_ = 	snop  }
0x3c: {  	p2 =	seq.s32 s10, $0x1;
	s10 =	sld [smem:$0x3FB6]  }
0x3d: {  	_ =	shalt  }
0x3e: {  	_ =	shalt  }
0x3f: {  	_ =	shalt  }
0x40: {  	_ =	shalt  }
0x41: {  	_ =	shalt  }
0x42: {  	_ =	shalt  }
0x43: {  	_ =	shalt  }
0x44: {  	_ =	shalt  }
0x45: {  	_ =	shalt  }
0x46: {  	_ =	shalt  }
0x47: {  	_ =	shalt  }
0x48: {  	_ =	shalt  }
0x49: {  	_ =	shalt  }
0x4a: {  	_ =	shalt  }
0x4b: {  	_ =	shalt  }
0x4c: {  	_ =	shalt  }
0x4d: {  	_ =	shalt  }
0x4e: {  	_ =	shalt  }
0x4f: {  	_ =	shalt  }
0x50: {  	_ =	shalt  }
0x51: {  	_ =	shalt  }
0x52: {  	_ =	shalt  }
0x53: {  	_ =	shalt  }
0x54: {  	_ =	shalt  }
0x55: {  	_ =	shalt  }
0x56: {  	_ =	shalt  }
0x57: {  	_ =	shalt  }
0x58: {  	_ =	shalt  }
0x59: {  	_ =	shalt  }
0x5a: {  	_ =	shalt  }
0x5b: {  	_ =	shalt  }
0x5c: {  	_ =	shalt  }
0x5d: {  	_ =	shalt  }
0x5e: {  	_ =	shalt  }
0x5f: {  	_ =	shalt  }
0x60: {  	_ =	shalt  }
0x61: {  	_ =	shalt  }
0x62: {  	_ =	shalt  }
0x63: {  	_ =	shalt  }
0x64: {  	_ =	shalt  }
0x65: {  	_ =	shalt  }
0x66: {  	_ =	shalt  }
0x67: {  	_ =	shalt  }
0x68: {  	_ =	shalt  }
0x69: {  	_ =	shalt  }
0x6a: {  	_ =	shalt  }
0x6b: {  	_ =	shalt  }
0x6c: {  	_ =	shalt  }
0x6d: {  	_ =	shalt  }
0x6e: {  	_ =	shalt  }
0x6f: {  	_ =	shalt  }
0x70: {  	_ =	shalt  }
0x71: {  	_ =	shalt  }
0x72: {  	_ =	shalt  }
0x73: {  	_ =	shalt  }
0x74: {  	_ =	shalt  }
0x75: {  	_ =	shalt  }
0x76: {  	_ =	shalt  }
0x77: {  	_ =	shalt  }
0x78: {  	_ =	shalt  }
0x79: {  	_ =	shalt  }
0x7a: {  	_ =	shalt  }
0x7b: {  	_ =	shalt  }
0x7c: {  	_ =	shalt  }
0x7d: {  	_ =	shalt  }
0x7e: {  	_ =	shalt  }
0x7f: {  	_ =	shalt  }
0x80: {  	_ =	shalt  }
0x81: {  	_ =	shalt  }
0x82: {  	_ =	shalt  }
0x83: {  	_ =	shalt  }
0x84: {  	_ =	shalt  }
0x85: {  	_ =	shalt  }
0x86: {  	_ =	shalt  }
0x87: {  	_ =	shalt  }
.Lfunc_end0:
.L_simem_size_0:
called_computation.2_lowered:
.L_overlay_start_0:
0x88: {  	s2 =	sld [smem:$0x3FD9]  }
0x89: {  	s3 =	sld [smem:$0x3FFE];
	_ =	sdelay $0x1  }
0x8a: {  	s1 =	srdreg.scid  }
0x8b: {  	s0 =	sand.u32 $0x1, s1  }
0x8c: {  	s17 =	sshll.u32 s0, $0xA;
	s2 =	sadd.s32 s3, s2  }
0x8d: {  	s2 =	sadd.s32 s2, s17  }
0x8e: {  	[smem:$0x3FC2] =	sst s2  }
0x8f: {  	_ = 	snop  }
0x90: {  	s2 =	sld [smem:$0x3FD0];
	(tm) =	ssettm $0x1  }
0x91: {  	s18 =	sld [smem:$0x3FFB];
	_ =	sdelay $0x3  }
0x92: {  	_ =	strace s18  }
0x93: {  	s3 =	sld [smem:$0x3FFC];
	_ =	sdelay $0x3  }
0x94: {  	_ =	strace s3  }
0x95: {  	s3 =	sld [smem:$0x3FFD];
	_ =	sdelay $0x3  }
0x96: {  	_ =	strace s3  }
0x97: {  	_ =	strace $0x8FFFFFFF  }
0x98: {  	s19 =	sld [smem:$0x3FDB];
	_ =	sdelay $0x1  }
0x99: {  	s4 =	simm.s32 $_scs_section_size  }
0x9a: {  	s5 =	simm.s32 $_size__tile_overlayer_lowered;
	s6 =	simm.s32 $_tile_overlayer_lowered  }
0x9b: {  	s22 =	simm.s32 $0x1BFF;
	s21 =	sshll.u32 s6, $0x1;
	s3 =	sadd.s32 s4, s19  }
0x9c: {  	s7 =	simm.s32 $0x0;
	s20 =	sshll.u32 s5, $0x1;
	s5 =	sadd.s32 s21, s3  }
0x9d: {  	[timem:s7], [sflag:s22] =	dma.local [hbm:s5], s20  }
0x9e: {  	_ =	swait.ge [sflag:s22], s20  }
0x9f: {  	s4 =	ssub.s32 $0x0, s20;
	[sflag:s22] =	ssyncset.done $0x0  }
0xa0: {  	[sflag:s22] =	ssyncadd.s32 s4;
	_ =	sdelay $0x1  }
0xa1: {  	s23 =	simm.s32 $0x1B8B  }
0xa2: {  	_ =	swait.ge [sflag:s23], $0x1  }
0xa3: {  	[sflag:s23] =	ssyncset.done $0x0  }
0xa4: {  	s25 =	simm.s32 $0x1B8E;
	s24 =	sld [smem:$0x3FFE];
	[sflag:s23] =	ssyncadd.s32 $0xFFFFFFFF  }
0xa5: {  	s26 =	simm.s32 $execute0_lowered;
	[smem:$0x3FD2] =	sst s25  }
0xa6: {  	s5 =	sshll.u32 s26, $0x1;
	_ =	strace $0x8000004C;
	[dreg:$0x1] =	wrdreg $0xFFFFFFFF  }
0xa7: {  	s28 =	simm.s32 $_size_execute0_lowered;
	s3 =	sadd.s32 s3, s5;
	[dreg:$0x0] =	wrdreg $0x0  }
0xa8: {  	s5 =	sshll.u32 s28, $0x1;
	[dreg:$0x2] =	wrdreg s3  }
0xa9: {  	[dreg:$0x3] =	wrdreg s5  }
0xaa: {  	[dreg:$0x4] =	wrdreg $0xC0  }
0xab: {  	_ =	task [dreg:s7], $0x5FFFF  }
0xac: {  	[dreg:$0x1] =	wrdreg $0xFFFFFFFF  }
0xad: {  	[dreg:$0x0] =	wrdreg $0x60  }
0xae: {  	[dreg:$0x2] =	wrdreg s2  }
0xaf: {  	[dreg:$0x3] =	wrdreg s24  }
0xb0: {  	[dreg:$0x4] =	wrdreg $0xC0000  }
0xb1: {  	[dreg:$0x5] =	wrdreg $0x9  }
0xb2: {  	_ =	task.clear_ibuf [dreg:s7], $0x6FFFF;
	_ =	strace $0x9000004C  }
0xb3: {  	s29 =	simm.s32 $0x9;
	_ =	strace $0x8000004E  }
0xb4: {  	_ =	swait.ge [sflag:s29], $0x1  }
0xb5: {  	[sflag:s29] =	ssyncadd.s32 $0xFFFFFFFF  }
0xb6: {  	_ =	strace $0x9000004E  }
0xb7: {  	_ =	sfence  }
0xb8: {  	s30 =	sld [smem:$0x0];
	_ =	sdelay $0x2  }
0xb9: {  	s31 =	sshll.u32 s1, $0xD;
	s1 =	sshrl.u32 s1, $0x2  }
0xba: {  	s3 =	sand.u32 $0x4000, s31;
	s1 =	sadd.s32 s1, s30  }
0xbb: {  	s0 =	sor.u32 s3, s0;
	s1 =	sshll.u32 s1, $0x11  }
0xbc: {  	s0 =	sor.u32 s1, s0  }
0xbd: {  	s0 =	sadd.s32 $0x8F2B, s0  }
0xbe: {  	[sflag:s0] =	ssyncadd.remote.s32 $0x1  }
0xbf: {  	_ =	sfence.sel $0xFFFF  }
0xc0: {  	[dreg:$0x0] =	wrdreg $0xFFFFFFFF;
	(pc) =	sbr.abs _section_cstart, $3  }
0xc1: {  	[dreg:$0x1] =	wrdreg $0xFFFFFFFF  }
0xc2: {  	_ =	task.clear_ibuf [dreg:s7], $0x2FFFF;
	_ =	strace $0x9FFFFFFF  }
0xc3: {  	(tm) =	ssettm $0x7FFFFFFF  }
tec
execute0_lowered:
.L_overlay_start_1:
0x0: {  	(tag) =	ssettag $0x1  }
0x1: {  	s1 =	rddreg [dreg:$0x0]  }
0x2: {  	s0 =	srdreg.scid;
	s2 =	rddreg [dreg:$0x1]  }
0x3: {  	s10 =	stileid.u32;
	s3 =	rddreg [dreg:$0x2];
	s4 =	simm.s32 $0x0  }
0x4: {  	s22 =	simm.s32 $0x80;
	s24 =	simm.s32 $0x100;
	s26 =	simm.s32 $0x180  }
0x5: {  	s12 =	simm.s32 $0xD80;
	[smem:$0x7FF] =	sst s4;
	s11 =	sadd.s32 $0x20400, s2  }
0x6: {  	s13 =	simm.s32 $0x300;
	_ =	strace $0x8000004D;
	[dreg:$0x1c] =	wrdreg s11  }
0x7: {  	s14 =	simm.s32 $0xE00;
	s6 =	smul.u32 $0x3C00, s10;
	[dreg:$0x6] =	wrdreg s22  }
0x8: {  	s15 =	simm.s32 $0x380;
	s8 =	smul.u32 $0x13C00, s10;
	[dreg:$0x7] =	wrdreg s24  }
0x9: {  	s25 =	smul.u32 $0x4F000, s10;
	s10 =	sshll.u32 s10, $0x6;
	[dreg:$0x8] =	wrdreg s26  }
0xa: {  	s16 =	simm.s32 $0xE80;
	s17 =	simm.s32 $0x400;
	[dreg:$0x1d] =	wrdreg s10  }
0xb: {  	s18 =	simm.s32 $0xF00;
	s19 =	simm.s32 $0x480;
	[dreg:$0xd] =	wrdreg s12  }
0xc: {  	s28 =	simm.s32 $0x1280;
	s29 =	simm.s32 $0x800;
	[dreg:$0xe] =	wrdreg s13  }
0xd: {  	s30 =	simm.s32 $0x1300;
	s0 =	sand.u32 $0x1, s0;
	[dreg:$0xf] =	wrdreg s14  }
0xe: {  	s31 =	simm.s32 $0x880;
	s5 =	smul.u32 $0x3C000, s0;
	[dreg:$0x10] =	wrdreg s15  }
0xf: {  	s20 =	sadd.s32 $0x2400, s2;
	s7 =	smul.u32 $0x13C000, s0;
	[dreg:$0x11] =	wrdreg s16  }
0x10: {  	s0 =	ssub.s32 $0x2, s0;
	s11 =	simm.s32 $0x280;
	[dreg:$0x12] =	wrdreg s17  }
0x11: {  	s12 =	simm.s32 $0x1;
	s13 =	simm.s32 $0x2;
	[dreg:$0x13] =	wrdreg s18  }
0x12: {  	s14 =	simm.s32 $0x70;
	s15 =	simm.s32 $0x1800;
	[dreg:$0x14] =	wrdreg s19  }
0x13: {  	s16 =	simm.s32 $0x5000;
	s17 =	simm.s32 $0x8800;
	s22 =	simm.s32 $0x1000  }
0x14: {  	s18 =	simm.s32 $0x4;
	s19 =	simm.s32 $0x5;
	[dreg:$0xc] =	wrdreg s11  }
0x15: {  	s24 =	simm.s32 $0x1080;
	s26 =	simm.s32 $0x1100;
	[dreg:$0x17] =	wrdreg s22  }
0x16: {  	s23 =	sshrl.u32 s0, $0x1;
	s11 =	simm.s32 $0xC00;
	[dreg:$0x19] =	wrdreg s24  }
0x17: {  	[dreg:$0x1b] =	wrdreg s26;
	s22 =	simm.s32 $0x680;
	s24 =	simm.s32 $0x700  }
0x18: {  	s26 =	simm.s32 $0x780;
	s5 =	sadd.s32 s6, s5;
	s7 =	sadd.s32 s8, s7  }
0x19: {  	s0 =	ssub.s32 s0, s23;
	s6 =	simm.s32 $0xC80;
	s23 =	simm.s32 $0x580  }
0x1a: {  	s9 =	sadd.s32 $0x78000, s5;
	s7 =	sshrl.u32 s7, $0x3;
	[dreg:$0x9] =	wrdreg s6  }
0x1b: {  	s5 =	sshrl.u32 s5, $0x3;
	s0 =	smax.u32 s0, $0x1;
	[dreg:$0x18] =	wrdreg s23  }
0x1c: {  	s21 =	sshrl.u32 s9, $0x3;
	s5 =	sadd.s32 s5, s20;
	[smem:$0x7FC] =	sst s0  }
0x1d: {  	s2 =	sadd.s32 s7, s2;
	s9 =	simm.s32 $0xD00;
	[dreg:$0x5] =	wrdreg s5  }
0x1e: {  	s7 =	sshrl.u32 s25, $0x2;
	s25 =	simm.s32 $0x600;
	[dreg:$0xb] =	wrdreg s9  }
0x1f: {  	s23 =	simm.s32 $0x1180;
	s8 =	sadd.s32 s21, s20;
	[dreg:$0x1a] =	wrdreg s25  }
0x20: {  	s6 =	sadd.s32 s7, s3;
	s7 =	sor.u32 $0x1C07, s10;
	[dreg:$0x4] =	wrdreg s8  }
0x21: {  	s0 =	simm.s32 $0x1400;
	s2 =	sadd.s32 $0x22C00, s2;
	[dreg:$0x1e] =	wrdreg s7  }
0x22: {  	s20 =	simm.s32 $0xF80;
	s21 =	simm.s32 $0x500;
	[dreg:$0x1f] =	wrdreg s2  }
0x23: {  	s25 =	simm.s32 $0x1200;
	s5 =	simm.s32 $0x1480;
	[dreg:$0x15] =	wrdreg s20  }
0x24: {  	s9 =	simm.s32 $0x0;
	s8 =	simm.s32 $0x200;
	[dreg:$0x16] =	wrdreg s21  }
0x25: {  	s20 =	simm.s32 $0x3;
	[dreg:$0xa] =	wrdreg s8;
	s8 =	sshrl.u32 s6, $0x3  }
0x26: {  	s21 =	simm.s32 $0x6;
	s2 =	simm.s32 $0x1380;
	[smem:$0x7FD] =	sst s8  }
.LBB2_1:
0x27: {  	[smem:$0x7FB] =	sst s9  }
0x28: {  	s6 =	rddreg [dreg:$0x1c]  }
0x29: {  	s7 =	rddreg [dreg:$0x1e]  }
0x2a: {  	[spmem:s8], [sflag:s7] =	dma.local [hbm:s6], $0x2780  }
0x2b: {  	s6 =	rddreg [dreg:$0x5]  }
0x2c: {  	s7 =	rddreg [dreg:$0x4];
	s6 =	sadd.s32 $0x0, s6  }
0x2d: {  	[tilespmem:s4], [sflag:$0x1] =	stream.linear.gather [hbm4b:s6+s4], $0x900, $0x38;
	[tilespmem:$0x1FC00] =	vst v63  }
0x2e: {  	s8 =	sadd.s32 $0x0, s7  }
0x2f: {  	[tilespmem:s11], [sflag:$0x2] =	stream.linear.gather [hbm4b:s8+s4], $0x900, $0x38;
	[tilespmem:$0x1FC00] =	vst v63  }
0x30: {  	_ =	swait.ge [sflag:s12], $0x900  }
0x31: {  	[sflag:s12] =	ssyncset.done $0x0  }
0x32: {  	[sflag:s12] =	ssyncadd.s32 $0xFFFFF700  }
0x33: {  	_ =	swait.ge [sflag:s13], $0x900  }
0x34: {  	[sflag:s13] =	ssyncset.done $0x0  }
0x35: {  	[sflag:s13] =	ssyncadd.s32 $0xFFFFF700  }
0x36: {  	[tilespmem:s15], [sflag:$0x1] =	stream.indirect.gather [hbm4b:s1+s14], $0x80, s4, s14, $0xb8;
	[tilespmem:$0x1FC00] =	vst v63  }
0x37: {  	p0 =	por $0x0, $0x0;
	s9 =	rddreg [dreg:$0x6]  }
0x38: {  	[tilespmem:s16], [sflag:$0x2] =	stream.indirect.gather [hbm4b:s1+s14], $0x80, s9, s14, $0xb8;
	[tilespmem:$0x1FC00] =	vst v63  }
0x39: {  	s6 =	simm.s32 @!p0 $0x7;
	s10 =	rddreg [dreg:$0x7]  }
0x3a: {  	[tilespmem:s17], [sflag:$0x3] =	stream.indirect.gather [hbm4b:s1+s14], $0x80, s10, s14, $0xb8;
	[tilespmem:$0x1FC00] =	vst v63  }
0x3b: {  	_ =	swait.ge @!p0 [sflag:s6], $0x2780  }
0x3c: {  	[sflag:s6] =	ssyncset.done @!p0 $0x0  }
0x3d: {  	[sflag:s6] =	ssyncadd.s32 @!p0 $0xFFFFD880  }
0x3e: {  	[bflag:$0x0] =	sbarrier.arrive @!p0 $0xFFFF  }
0x3f: {  	_ =	swait.ge [sflag:s12], $0x3800  }
0x40: {  	[sflag:s12] =	ssyncset.done $0x0  }
0x41: {  	[sflag:s12] =	ssyncadd.s32 $0xFFFFC800  }
0x42: {  	[spmem:s3] =	stream.indirect.scatter.add.f32 [tilespmem:s15], [sflag:$0x4], $0x80, s11, s14, $0xb8;
	[tilespmem:$0x1FC00] =	vst v63  }
0x43: {  	_ =	swait.ge [sflag:s18], $0x3800  }
0x44: {  	[sflag:s18] =	ssyncset.done $0x0  }
0x45: {  	s7 =	rddreg [dreg:$0x8];
	[sflag:s18] =	ssyncadd.s32 $0xFFFFC800  }
0x46: {  	[tilespmem:s15], [sflag:$0x1] =	stream.indirect.gather [hbm4b:s1+s14], $0x80, s7, s14, $0xb8;
	[tilespmem:$0x1FC00] =	vst v63  }
0x47: {  	_ =	swait.ge [sflag:s13], $0x3800  }
0x48: {  	[sflag:s13] =	ssyncset.done $0x0  }
0x49: {  	s8 =	rddreg [dreg:$0x9];
	[sflag:s13] =	ssyncadd.s32 $0xFFFFC800  }
0x4a: {  	[spmem:s3] =	stream.indirect.scatter.add.f32 [tilespmem:s16], [sflag:$0x5], $0x80, s8, s14, $0xb8;
	[tilespmem:$0x1FC00] =	vst v63  }
0x4b: {  	_ =	swait.ge [sflag:s19], $0x3800  }
0x4c: {  	[sflag:s19] =	ssyncset.done $0x0  }
0x4d: {  	s9 =	rddreg [dreg:$0xa];
	[sflag:s19] =	ssyncadd.s32 $0xFFFFC800  }
0x4e: {  	[tilespmem:s16], [sflag:$0x2] =	stream.indirect.gather [hbm4b:s1+s14], $0x80, s9, s14, $0xb8;
	[tilespmem:$0x1FC00] =	vst v63  }
0x4f: {  	_ =	swait.ge [sflag:s20], $0x3800  }
0x50: {  	[sflag:s20] =	ssyncset.done $0x0  }
0x51: {  	s10 =	rddreg [dreg:$0xb];
	[sflag:s20] =	ssyncadd.s32 $0xFFFFC800  }
0x52: {  	[spmem:s3] =	stream.indirect.scatter.add.f32 [tilespmem:s17], [sflag:$0x6], $0x80, s10, s14, $0xb8;
	[tilespmem:$0x1FC00] =	vst v63  }
0x53: {  	_ =	swait.ge [sflag:s21], $0x3800  }
0x54: {  	[sflag:s21] =	ssyncset.done $0x0  }
0x55: {  	s7 =	rddreg [dreg:$0xc];
	[sflag:s21] =	ssyncadd.s32 $0xFFFFC800  }
0x56: {  	[tilespmem:s17], [sflag:$0x3] =	stream.indirect.gather [hbm4b:s1+s14], $0x80, s7, s14, $0xb8;
	[tilespmem:$0x1FC00] =	vst v63  }
0x57: {  	_ =	swait.ge [sflag:s12], $0x3800  }
0x58: {  	[sflag:s12] =	ssyncset.done $0x0  }
0x59: {  	s8 =	rddreg [dreg:$0xd];
	[sflag:s12] =	ssyncadd.s32 $0xFFFFC800  }
0x5a: {  	[spmem:s3] =	stream.indirect.scatter.add.f32 [tilespmem:s15], [sflag:$0x4], $0x80, s8, s14, $0xb8;
	[tilespmem:$0x1FC00] =	vst v63  }
0x5b: {  	_ =	swait.ge [sflag:s18], $0x3800  }
0x5c: {  	[sflag:s18] =	ssyncset.done $0x0  }
0x5d: {  	s9 =	rddreg [dreg:$0xe];
	[sflag:s18] =	ssyncadd.s32 $0xFFFFC800  }
0x5e: {  	[tilespmem:s15], [sflag:$0x1] =	stream.indirect.gather [hbm4b:s1+s14], $0x80, s9, s14, $0xb8;
	[tilespmem:$0x1FC00] =	vst v63  }
0x5f: {  	_ =	swait.ge [sflag:s13], $0x3800  }
0x60: {  	[sflag:s13] =	ssyncset.done $0x0  }
0x61: {  	s10 =	rddreg [dreg:$0xf];
	[sflag:s13] =	ssyncadd.s32 $0xFFFFC800  }
0x62: {  	[spmem:s3] =	stream.indirect.scatter.add.f32 [tilespmem:s16], [sflag:$0x5], $0x80, s10, s14, $0xb8;
	[tilespmem:$0x1FC00] =	vst v63  }
0x63: {  	_ =	swait.ge [sflag:s19], $0x3800  }
0x64: {  	[sflag:s19] =	ssyncset.done $0x0  }
0x65: {  	s7 =	rddreg [dreg:$0x10];
	[sflag:s19] =	ssyncadd.s32 $0xFFFFC800  }
0x66: {  	[tilespmem:s16], [sflag:$0x2] =	stream.indirect.gather [hbm4b:s1+s14], $0x80, s7, s14, $0xb8;
	[tilespmem:$0x1FC00] =	vst v63  }
0x67: {  	_ =	swait.ge [sflag:s20], $0x3800  }
0x68: {  	[sflag:s20] =	ssyncset.done $0x0  }
0x69: {  	s8 =	rddreg [dreg:$0x11];
	[sflag:s20] =	ssyncadd.s32 $0xFFFFC800  }
0x6a: {  	[spmem:s3] =	stream.indirect.scatter.add.f32 [tilespmem:s17], [sflag:$0x6], $0x80, s8, s14, $0xb8;
	[tilespmem:$0x1FC00] =	vst v63  }
0x6b: {  	_ =	swait.ge [sflag:s21], $0x3800  }
0x6c: {  	[sflag:s21] =	ssyncset.done $0x0  }
0x6d: {  	s9 =	rddreg [dreg:$0x12];
	[sflag:s21] =	ssyncadd.s32 $0xFFFFC800  }
0x6e: {  	[tilespmem:s17], [sflag:$0x3] =	stream.indirect.gather [hbm4b:s1+s14], $0x80, s9, s14, $0xb8;
	[tilespmem:$0x1FC00] =	vst v63  }
0x6f: {  	_ =	swait.ge [sflag:s12], $0x3800  }
0x70: {  	[sflag:s12] =	ssyncset.done $0x0  }
0x71: {  	s10 =	rddreg [dreg:$0x13];
	[sflag:s12] =	ssyncadd.s32 $0xFFFFC800  }
0x72: {  	[spmem:s3] =	stream.indirect.scatter.add.f32 [tilespmem:s15], [sflag:$0x4], $0x80, s10, s14, $0xb8;
	[tilespmem:$0x1FC00] =	vst v63  }
0x73: {  	_ =	swait.ge [sflag:s18], $0x3800  }
0x74: {  	[sflag:s18] =	ssyncset.done $0x0  }
0x75: {  	s7 =	rddreg [dreg:$0x14];
	[sflag:s18] =	ssyncadd.s32 $0xFFFFC800  }
0x76: {  	[tilespmem:s15], [sflag:$0x1] =	stream.indirect.gather [hbm4b:s1+s14], $0x80, s7, s14, $0xb8;
	[tilespmem:$0x1FC00] =	vst v63  }
0x77: {  	_ =	swait.ge [sflag:s13], $0x3800  }
0x78: {  	[sflag:s13] =	ssyncset.done $0x0  }
0x79: {  	s8 =	rddreg [dreg:$0x15];
	[sflag:s13] =	ssyncadd.s32 $0xFFFFC800  }
0x7a: {  	[spmem:s3] =	stream.indirect.scatter.add.f32 [tilespmem:s16], [sflag:$0x5], $0x80, s8, s14, $0xb8;
	[tilespmem:$0x1FC00] =	vst v63  }
0x7b: {  	_ =	swait.ge [sflag:s19], $0x3800  }
0x7c: {  	[sflag:s19] =	ssyncset.done $0x0  }
0x7d: {  	s9 =	rddreg [dreg:$0x16];
	[sflag:s19] =	ssyncadd.s32 $0xFFFFC800  }
0x7e: {  	[tilespmem:s16], [sflag:$0x2] =	stream.indirect.gather [hbm4b:s1+s14], $0x80, s9, s14, $0xb8;
	[tilespmem:$0x1FC00] =	vst v63  }
0x7f: {  	_ =	swait.ge [sflag:s20], $0x3800  }
0x80: {  	[sflag:s20] =	ssyncset.done $0x0  }
0x81: {  	s10 =	rddreg [dreg:$0x17];
	[sflag:s20] =	ssyncadd.s32 $0xFFFFC800  }
0x82: {  	[spmem:s3] =	stream.indirect.scatter.add.f32 [tilespmem:s17], [sflag:$0x6], $0x80, s10, s14, $0xb8;
	[tilespmem:$0x1FC00] =	vst v63  }
0x83: {  	_ =	swait.ge [sflag:s21], $0x3800  }
0x84: {  	[sflag:s21] =	ssyncset.done $0x0  }
0x85: {  	s7 =	rddreg [dreg:$0x18];
	[sflag:s21] =	ssyncadd.s32 $0xFFFFC800  }
0x86: {  	[tilespmem:s17], [sflag:$0x3] =	stream.indirect.gather [hbm4b:s1+s14], $0x80, s7, s14, $0xb8;
	[tilespmem:$0x1FC00] =	vst v63  }
0x87: {  	_ =	swait.ge [sflag:s12], $0x3800  }
0x88: {  	[sflag:s12] =	ssyncset.done $0x0  }
0x89: {  	s8 =	rddreg [dreg:$0x19];
	[sflag:s12] =	ssyncadd.s32 $0xFFFFC800  }
0x8a: {  	[spmem:s3] =	stream.indirect.scatter.add.f32 [tilespmem:s15], [sflag:$0x4], $0x80, s8, s14, $0xb8;
	[tilespmem:$0x1FC00] =	vst v63  }
0x8b: {  	_ =	swait.ge [sflag:s18], $0x3800  }
0x8c: {  	[sflag:s18] =	ssyncset.done $0x0  }
0x8d: {  	s9 =	rddreg [dreg:$0x1a];
	[sflag:s18] =	ssyncadd.s32 $0xFFFFC800  }
0x8e: {  	[tilespmem:s15], [sflag:$0x1] =	stream.indirect.gather [hbm4b:s1+s14], $0x80, s9, s14, $0xb8;
	[tilespmem:$0x1FC00] =	vst v63  }
0x8f: {  	_ =	swait.ge [sflag:s13], $0x3800  }
0x90: {  	[sflag:s13] =	ssyncset.done $0x0  }
0x91: {  	s10 =	rddreg [dreg:$0x1b];
	[sflag:s13] =	ssyncadd.s32 $0xFFFFC800  }
0x92: {  	[spmem:s3] =	stream.indirect.scatter.add.f32 [tilespmem:s16], [sflag:$0x5], $0x80, s10, s14, $0xb8;
	[tilespmem:$0x1FC00] =	vst v63  }
0x93: {  	_ =	swait.ge [sflag:s19], $0x3800  }
0x94: {  	[sflag:s19] =	ssyncset.done $0x0  }
0x95: {  	[sflag:s19] =	ssyncadd.s32 $0xFFFFC800  }
0x96: {  	[tilespmem:s16], [sflag:$0x2] =	stream.indirect.gather [hbm4b:s1+s14], $0x80, s22, s14, $0xb8;
	[tilespmem:$0x1FC00] =	vst v63  }
0x97: {  	_ =	swait.ge [sflag:s20], $0x3800  }
0x98: {  	[sflag:s20] =	ssyncset.done $0x0  }
0x99: {  	[sflag:s20] =	ssyncadd.s32 $0xFFFFC800  }
0x9a: {  	[spmem:s3] =	stream.indirect.scatter.add.f32 [tilespmem:s17], [sflag:$0x6], $0x80, s23, s14, $0xb8;
	[tilespmem:$0x1FC00] =	vst v63  }
0x9b: {  	_ =	swait.ge [sflag:s21], $0x3800  }
0x9c: {  	[sflag:s21] =	ssyncset.done $0x0  }
0x9d: {  	[sflag:s21] =	ssyncadd.s32 $0xFFFFC800  }
0x9e: {  	[tilespmem:s17], [sflag:$0x3] =	stream.indirect.gather [hbm4b:s1+s14], $0x80, s24, s14, $0xb8;
	[tilespmem:$0x1FC00] =	vst v63  }
0x9f: {  	_ =	swait.ge [sflag:s12], $0x3800  }
0xa0: {  	[sflag:s12] =	ssyncset.done $0x0  }
0xa1: {  	[sflag:s12] =	ssyncadd.s32 $0xFFFFC800  }
0xa2: {  	[spmem:s3] =	stream.indirect.scatter.add.f32 [tilespmem:s15], [sflag:$0x4], $0x80, s25, s14, $0xb8;
	[tilespmem:$0x1FC00] =	vst v63  }
0xa3: {  	_ =	swait.ge [sflag:s18], $0x3800  }
0xa4: {  	[sflag:s18] =	ssyncset.done $0x0  }
0xa5: {  	[sflag:s18] =	ssyncadd.s32 $0xFFFFC800  }
0xa6: {  	[tilespmem:s15], [sflag:$0x1] =	stream.indirect.gather [hbm4b:s1+s14], $0x80, s26, s14, $0xb8;
	[tilespmem:$0x1FC00] =	vst v63  }
0xa7: {  	_ =	swait.ge [sflag:s13], $0x3800  }
0xa8: {  	[sflag:s13] =	ssyncset.done $0x0  }
0xa9: {  	[sflag:s13] =	ssyncadd.s32 $0xFFFFC800  }
0xaa: {  	[spmem:s3] =	stream.indirect.scatter.add.f32 [tilespmem:s16], [sflag:$0x5], $0x80, s28, s14, $0xb8;
	[tilespmem:$0x1FC00] =	vst v63  }
0xab: {  	_ =	swait.ge [sflag:s19], $0x3800  }
0xac: {  	[sflag:s19] =	ssyncset.done $0x0  }
0xad: {  	[sflag:s19] =	ssyncadd.s32 $0xFFFFC800  }
0xae: {  	[tilespmem:s16], [sflag:$0x2] =	stream.indirect.gather [hbm4b:s1+s14], $0x80, s29, s14, $0xb8;
	[tilespmem:$0x1FC00] =	vst v63  }
0xaf: {  	_ =	swait.ge [sflag:s20], $0x3800  }
0xb0: {  	[sflag:s20] =	ssyncset.done $0x0  }
0xb1: {  	[sflag:s20] =	ssyncadd.s32 $0xFFFFC800  }
0xb2: {  	[spmem:s3] =	stream.indirect.scatter.add.f32 [tilespmem:s17], [sflag:$0x6], $0x80, s30, s14, $0xb8;
	[tilespmem:$0x1FC00] =	vst v63  }
0xb3: {  	_ =	swait.ge [sflag:s21], $0x3800  }
0xb4: {  	[sflag:s21] =	ssyncset.done $0x0  }
0xb5: {  	[sflag:s21] =	ssyncadd.s32 $0xFFFFC800  }
0xb6: {  	[tilespmem:s17], [sflag:$0x3] =	stream.indirect.gather [hbm4b:s1+s14], $0x80, s31, s14, $0xb8;
	[tilespmem:$0x1FC00] =	vst v63  }
0xb7: {  	_ =	swait.ge [sflag:s12], $0x3800  }
0xb8: {  	[sflag:s12] =	ssyncset.done $0x0  }
0xb9: {  	[sflag:s12] =	ssyncadd.s32 $0xFFFFC800  }
0xba: {  	[spmem:s3] =	stream.indirect.scatter.add.f32 [tilespmem:s15], [sflag:$0x4], $0x80, s2, s14, $0xb8;
	[tilespmem:$0x1FC00] =	vst v63  }
0xbb: {  	_ =	swait.ge [sflag:s13], $0x3800  }
0xbc: {  	[sflag:s13] =	ssyncset.done $0x0  }
0xbd: {  	[sflag:s13] =	ssyncadd.s32 $0xFFFFC800  }
0xbe: {  	[spmem:s3] =	stream.indirect.scatter.add.f32 [tilespmem:s16], [sflag:$0x5], $0x80, s0, s14, $0xb8;
	[tilespmem:$0x1FC00] =	vst v63  }
0xbf: {  	_ =	swait.ge [sflag:s20], $0x3800  }
0xc0: {  	[sflag:s20] =	ssyncset.done $0x0  }
0xc1: {  	[sflag:s20] =	ssyncadd.s32 $0xFFFFC800  }
0xc2: {  	[spmem:s3] =	stream.indirect.scatter.add.f32 [tilespmem:s17], [sflag:$0x6], $0x80, s5, s14, $0xb8;
	[tilespmem:$0x1FC00] =	vst v63  }
0xc3: {  	_ =	swait.ge [sflag:s18], $0x3800  }
0xc4: {  	[sflag:s18] =	ssyncset.done $0x0  }
0xc5: {  	[sflag:s18] =	ssyncadd.s32 $0xFFFFC800  }
0xc6: {  	_ =	swait.ge [sflag:s19], $0x3800  }
0xc7: {  	[sflag:s19] =	ssyncset.done $0x0  }
0xc8: {  	[sflag:s19] =	ssyncadd.s32 $0xFFFFC800  }
0xc9: {  	s6 =	simm.s32 $0x300;
	s9 =	simm.s32 $0x180;
	_ =	swait.ge [sflag:s21], $0x3800  }
.LBB2_2:
0xca: {  	s7 =	rddreg [dreg:$0x5];
	[sflag:s21] =	ssyncset.done $0x0  }
0xcb: {  	s8 =	rddreg [dreg:$0x4];
	[sflag:s21] =	ssyncadd.s32 $0xFFFFC800;
	s7 =	sadd.s32 s9, s7  }
0xcc: {  	[tilespmem:s4], [sflag:$0x1] =	stream.linear.gather [hbm4b:s7+s4], $0x900, $0x38;
	[tilespmem:$0x1FC00] =	vst v63  }
0xcd: {  	s8 =	sadd.s32 s9, s8  }
0xce: {  	[tilespmem:s11], [sflag:$0x2] =	stream.linear.gather [hbm4b:s8+s4], $0x900, $0x38;
	[tilespmem:$0x1FC00] =	vst v63  }
0xcf: {  	_ =	swait.ge [sflag:s12], $0x900  }
0xd0: {  	[sflag:s12] =	ssyncset.done $0x0  }
0xd1: {  	[sflag:s12] =	ssyncadd.s32 $0xFFFFF700  }
0xd2: {  	_ =	swait.ge [sflag:s13], $0x900  }
0xd3: {  	[sflag:s13] =	ssyncset.done $0x0  }
0xd4: {  	[sflag:s13] =	ssyncadd.s32 $0xFFFFF700  }
0xd5: {  	[tilespmem:s15], [sflag:$0x1] =	stream.indirect.gather [hbm4b:s1+s14], $0x80, s4, s14, $0xb8;
	[tilespmem:$0x1FC00] =	vst v63  }
0xd6: {  	p1 =	sne.s32 s9, $0x0;
	s7 =	rddreg [dreg:$0x6]  }
0xd7: {  	[tilespmem:s16], [sflag:$0x2] =	stream.indirect.gather [hbm4b:s1+s14], $0x80, s7, s14, $0xb8;
	[tilespmem:$0x1FC00] =	vst v63  }
0xd8: {  	s8 =	rddreg [dreg:$0x7];
	s7 =	simm.s32 @!p1 $0x7  }
0xd9: {  	[tilespmem:s17], [sflag:$0x3] =	stream.indirect.gather [hbm4b:s1+s14], $0x80, s8, s14, $0xb8;
	[tilespmem:$0x1FC00] =	vst v63  }
0xda: {  	_ =	swait.ge @!p1 [sflag:s7], $0x2780  }
0xdb: {  	[sflag:s7] =	ssyncset.done @!p1 $0x0  }
0xdc: {  	[sflag:s7] =	ssyncadd.s32 @!p1 $0xFFFFD880  }
0xdd: {  	[bflag:$0x0] =	sbarrier.arrive @!p1 $0xFFFF  }
0xde: {  	_ =	swait.ge [sflag:s12], $0x3800  }
0xdf: {  	[sflag:s12] =	ssyncset.done $0x0  }
0xe0: {  	[sflag:s12] =	ssyncadd.s32 $0xFFFFC800  }
0xe1: {  	[spmem:s3] =	stream.indirect.scatter.add.f32 [tilespmem:s15], [sflag:$0x4], $0x80, s11, s14, $0xb8;
	[tilespmem:$0x1FC00] =	vst v63  }
0xe2: {  	_ =	swait.ge [sflag:s18], $0x3800  }
0xe3: {  	[sflag:s18] =	ssyncset.done $0x0  }
0xe4: {  	s8 =	rddreg [dreg:$0x8];
	[sflag:s18] =	ssyncadd.s32 $0xFFFFC800  }
0xe5: {  	[tilespmem:s15], [sflag:$0x1] =	stream.indirect.gather [hbm4b:s1+s14], $0x80, s8, s14, $0xb8;
	[tilespmem:$0x1FC00] =	vst v63  }
0xe6: {  	_ =	swait.ge [sflag:s13], $0x3800  }
0xe7: {  	s10 =	smov.u32 s6;
	[sflag:s13] =	ssyncset.done $0x0  }
0xe8: {  	s9 =	smov.u32 s10;
	s10 =	rddreg [dreg:$0x9];
	[sflag:s13] =	ssyncadd.s32 $0xFFFFC800  }
0xe9: {  	[spmem:s3] =	stream.indirect.scatter.add.f32 [tilespmem:s16], [sflag:$0x5], $0x80, s10, s14, $0xb8;
	[tilespmem:$0x1FC00] =	vst v63  }
0xea: {  	_ =	swait.ge [sflag:s19], $0x3800  }
0xeb: {  	[sflag:s19] =	ssyncset.done $0x0  }
0xec: {  	s8 =	rddreg [dreg:$0xa];
	[sflag:s19] =	ssyncadd.s32 $0xFFFFC800  }
0xed: {  	[tilespmem:s16], [sflag:$0x2] =	stream.indirect.gather [hbm4b:s1+s14], $0x80, s8, s14, $0xb8;
	[tilespmem:$0x1FC00] =	vst v63  }
0xee: {  	_ =	swait.ge [sflag:s20], $0x3800  }
0xef: {  	[sflag:s20] =	ssyncset.done $0x0  }
0xf0: {  	s10 =	rddreg [dreg:$0xb];
	[sflag:s20] =	ssyncadd.s32 $0xFFFFC800  }
0xf1: {  	[spmem:s3] =	stream.indirect.scatter.add.f32 [tilespmem:s17], [sflag:$0x6], $0x80, s10, s14, $0xb8;
	[tilespmem:$0x1FC00] =	vst v63  }
0xf2: {  	_ =	swait.ge [sflag:s21], $0x3800  }
0xf3: {  	[sflag:s21] =	ssyncset.done $0x0  }
0xf4: {  	s8 =	rddreg [dreg:$0xc];
	[sflag:s21] =	ssyncadd.s32 $0xFFFFC800  }
0xf5: {  	[tilespmem:s17], [sflag:$0x3] =	stream.indirect.gather [hbm4b:s1+s14], $0x80, s8, s14, $0xb8;
	[tilespmem:$0x1FC00] =	vst v63  }
0xf6: {  	_ =	swait.ge [sflag:s12], $0x3800  }
0xf7: {  	[sflag:s12] =	ssyncset.done $0x0  }
0xf8: {  	s10 =	rddreg [dreg:$0xd];
	[sflag:s12] =	ssyncadd.s32 $0xFFFFC800  }
0xf9: {  	[spmem:s3] =	stream.indirect.scatter.add.f32 [tilespmem:s15], [sflag:$0x4], $0x80, s10, s14, $0xb8;
	[tilespmem:$0x1FC00] =	vst v63  }
0xfa: {  	_ =	swait.ge [sflag:s18], $0x3800  }
0xfb: {  	[sflag:s18] =	ssyncset.done $0x0  }
0xfc: {  	s8 =	rddreg [dreg:$0xe];
	[sflag:s18] =	ssyncadd.s32 $0xFFFFC800  }
0xfd: {  	[tilespmem:s15], [sflag:$0x1] =	stream.indirect.gather [hbm4b:s1+s14], $0x80, s8, s14, $0xb8;
	[tilespmem:$0x1FC00] =	vst v63  }
0xfe: {  	_ =	swait.ge [sflag:s13], $0x3800  }
0xff: {  	[sflag:s13] =	ssyncset.done $0x0  }
0x100: {  	s10 =	rddreg [dreg:$0xf];
	[sflag:s13] =	ssyncadd.s32 $0xFFFFC800  }
0x101: {  	[spmem:s3] =	stream.indirect.scatter.add.f32 [tilespmem:s16], [sflag:$0x5], $0x80, s10, s14, $0xb8;
	[tilespmem:$0x1FC00] =	vst v63  }
0x102: {  	_ =	swait.ge [sflag:s19], $0x3800  }
0x103: {  	[sflag:s19] =	ssyncset.done $0x0  }
0x104: {  	s8 =	rddreg [dreg:$0x10];
	[sflag:s19] =	ssyncadd.s32 $0xFFFFC800  }
0x105: {  	[tilespmem:s16], [sflag:$0x2] =	stream.indirect.gather [hbm4b:s1+s14], $0x80, s8, s14, $0xb8;
	[tilespmem:$0x1FC00] =	vst v63  }
0x106: {  	_ =	swait.ge [sflag:s20], $0x3800  }
0x107: {  	[sflag:s20] =	ssyncset.done $0x0  }
0x108: {  	s10 =	rddreg [dreg:$0x11];
	[sflag:s20] =	ssyncadd.s32 $0xFFFFC800  }
0x109: {  	[spmem:s3] =	stream.indirect.scatter.add.f32 [tilespmem:s17], [sflag:$0x6], $0x80, s10, s14, $0xb8;
	[tilespmem:$0x1FC00] =	vst v63  }
0x10a: {  	_ =	swait.ge [sflag:s21], $0x3800  }
0x10b: {  	[sflag:s21] =	ssyncset.done $0x0  }
0x10c: {  	s8 =	rddreg [dreg:$0x12];
	[sflag:s21] =	ssyncadd.s32 $0xFFFFC800  }
0x10d: {  	[tilespmem:s17], [sflag:$0x3] =	stream.indirect.gather [hbm4b:s1+s14], $0x80, s8, s14, $0xb8;
	[tilespmem:$0x1FC00] =	vst v63  }
0x10e: {  	_ =	swait.ge [sflag:s12], $0x3800  }
0x10f: {  	[sflag:s12] =	ssyncset.done $0x0  }
0x110: {  	s10 =	rddreg [dreg:$0x13];
	[sflag:s12] =	ssyncadd.s32 $0xFFFFC800  }
0x111: {  	[spmem:s3] =	stream.indirect.scatter.add.f32 [tilespmem:s15], [sflag:$0x4], $0x80, s10, s14, $0xb8;
	[tilespmem:$0x1FC00] =	vst v63  }
0x112: {  	_ =	swait.ge [sflag:s18], $0x3800  }
0x113: {  	[sflag:s18] =	ssyncset.done $0x0  }
0x114: {  	s8 =	rddreg [dreg:$0x14];
	[sflag:s18] =	ssyncadd.s32 $0xFFFFC800  }
0x115: {  	[tilespmem:s15], [sflag:$0x1] =	stream.indirect.gather [hbm4b:s1+s14], $0x80, s8, s14, $0xb8;
	[tilespmem:$0x1FC00] =	vst v63  }
0x116: {  	_ =	swait.ge [sflag:s13], $0x3800  }
0x117: {  	[sflag:s13] =	ssyncset.done $0x0  }
0x118: {  	s10 =	rddreg [dreg:$0x15];
	[sflag:s13] =	ssyncadd.s32 $0xFFFFC800  }
0x119: {  	[spmem:s3] =	stream.indirect.scatter.add.f32 [tilespmem:s16], [sflag:$0x5], $0x80, s10, s14, $0xb8;
	[tilespmem:$0x1FC00] =	vst v63  }
0x11a: {  	_ =	swait.ge [sflag:s19], $0x3800  }
0x11b: {  	[sflag:s19] =	ssyncset.done $0x0  }
0x11c: {  	s8 =	rddreg [dreg:$0x16];
	[sflag:s19] =	ssyncadd.s32 $0xFFFFC800  }
0x11d: {  	[tilespmem:s16], [sflag:$0x2] =	stream.indirect.gather [hbm4b:s1+s14], $0x80, s8, s14, $0xb8;
	[tilespmem:$0x1FC00] =	vst v63  }
0x11e: {  	_ =	swait.ge [sflag:s20], $0x3800  }
0x11f: {  	[sflag:s20] =	ssyncset.done $0x0  }
0x120: {  	s10 =	rddreg [dreg:$0x17];
	[sflag:s20] =	ssyncadd.s32 $0xFFFFC800  }
0x121: {  	[spmem:s3] =	stream.indirect.scatter.add.f32 [tilespmem:s17], [sflag:$0x6], $0x80, s10, s14, $0xb8;
	[tilespmem:$0x1FC00] =	vst v63  }
0x122: {  	_ =	swait.ge [sflag:s21], $0x3800  }
0x123: {  	[sflag:s21] =	ssyncset.done $0x0  }
0x124: {  	s8 =	rddreg [dreg:$0x18];
	[sflag:s21] =	ssyncadd.s32 $0xFFFFC800  }
0x125: {  	[tilespmem:s17], [sflag:$0x3] =	stream.indirect.gather [hbm4b:s1+s14], $0x80, s8, s14, $0xb8;
	[tilespmem:$0x1FC00] =	vst v63  }
0x126: {  	_ =	swait.ge [sflag:s12], $0x3800  }
0x127: {  	[sflag:s12] =	ssyncset.done $0x0  }
0x128: {  	s10 =	rddreg [dreg:$0x19];
	[sflag:s12] =	ssyncadd.s32 $0xFFFFC800  }
0x129: {  	[spmem:s3] =	stream.indirect.scatter.add.f32 [tilespmem:s15], [sflag:$0x4], $0x80, s10, s14, $0xb8;
	[tilespmem:$0x1FC00] =	vst v63  }
0x12a: {  	_ =	swait.ge [sflag:s18], $0x3800  }
0x12b: {  	[sflag:s18] =	ssyncset.done $0x0  }
0x12c: {  	s8 =	rddreg [dreg:$0x1a];
	[sflag:s18] =	ssyncadd.s32 $0xFFFFC800  }
0x12d: {  	[tilespmem:s15], [sflag:$0x1] =	stream.indirect.gather [hbm4b:s1+s14], $0x80, s8, s14, $0xb8;
	[tilespmem:$0x1FC00] =	vst v63  }
0x12e: {  	_ =	swait.ge [sflag:s13], $0x3800  }
0x12f: {  	[sflag:s13] =	ssyncset.done $0x0  }
0x130: {  	s10 =	rddreg [dreg:$0x1b];
	[sflag:s13] =	ssyncadd.s32 $0xFFFFC800  }
0x131: {  	[spmem:s3] =	stream.indirect.scatter.add.f32 [tilespmem:s16], [sflag:$0x5], $0x80, s10, s14, $0xb8;
	[tilespmem:$0x1FC00] =	vst v63  }
0x132: {  	_ =	swait.ge [sflag:s19], $0x3800  }
0x133: {  	[sflag:s19] =	ssyncset.done $0x0  }
0x134: {  	[sflag:s19] =	ssyncadd.s32 $0xFFFFC800  }
0x135: {  	[tilespmem:s16], [sflag:$0x2] =	stream.indirect.gather [hbm4b:s1+s14], $0x80, s22, s14, $0xb8;
	[tilespmem:$0x1FC00] =	vst v63  }
0x136: {  	_ =	swait.ge [sflag:s20], $0x3800  }
0x137: {  	[sflag:s20] =	ssyncset.done $0x0  }
0x138: {  	[sflag:s20] =	ssyncadd.s32 $0xFFFFC800  }
0x139: {  	[spmem:s3] =	stream.indirect.scatter.add.f32 [tilespmem:s17], [sflag:$0x6], $0x80, s23, s14, $0xb8;
	[tilespmem:$0x1FC00] =	vst v63  }
0x13a: {  	_ =	swait.ge [sflag:s21], $0x3800  }
0x13b: {  	[sflag:s21] =	ssyncset.done $0x0  }
0x13c: {  	[sflag:s21] =	ssyncadd.s32 $0xFFFFC800  }
0x13d: {  	[tilespmem:s17], [sflag:$0x3] =	stream.indirect.gather [hbm4b:s1+s14], $0x80, s24, s14, $0xb8;
	[tilespmem:$0x1FC00] =	vst v63  }
0x13e: {  	_ =	swait.ge [sflag:s12], $0x3800  }
0x13f: {  	[sflag:s12] =	ssyncset.done $0x0  }
0x140: {  	[sflag:s12] =	ssyncadd.s32 $0xFFFFC800  }
0x141: {  	[spmem:s3] =	stream.indirect.scatter.add.f32 [tilespmem:s15], [sflag:$0x4], $0x80, s25, s14, $0xb8;
	[tilespmem:$0x1FC00] =	vst v63  }
0x142: {  	_ =	swait.ge [sflag:s18], $0x3800  }
0x143: {  	[sflag:s18] =	ssyncset.done $0x0  }
0x144: {  	[sflag:s18] =	ssyncadd.s32 $0xFFFFC800  }
0x145: {  	[tilespmem:s15], [sflag:$0x1] =	stream.indirect.gather [hbm4b:s1+s14], $0x80, s26, s14, $0xb8;
	[tilespmem:$0x1FC00] =	vst v63  }
0x146: {  	_ =	swait.ge [sflag:s13], $0x3800  }
0x147: {  	[sflag:s13] =	ssyncset.done $0x0  }
0x148: {  	[sflag:s13] =	ssyncadd.s32 $0xFFFFC800  }
0x149: {  	[spmem:s3] =	stream.indirect.scatter.add.f32 [tilespmem:s16], [sflag:$0x5], $0x80, s28, s14, $0xb8;
	[tilespmem:$0x1FC00] =	vst v63  }
0x14a: {  	_ =	swait.ge [sflag:s19], $0x3800  }
0x14b: {  	[sflag:s19] =	ssyncset.done $0x0  }
0x14c: {  	[sflag:s19] =	ssyncadd.s32 $0xFFFFC800  }
0x14d: {  	[tilespmem:s16], [sflag:$0x2] =	stream.indirect.gather [hbm4b:s1+s14], $0x80, s29, s14, $0xb8;
	[tilespmem:$0x1FC00] =	vst v63  }
0x14e: {  	_ =	swait.ge [sflag:s20], $0x3800  }
0x14f: {  	[sflag:s20] =	ssyncset.done $0x0  }
0x150: {  	[sflag:s20] =	ssyncadd.s32 $0xFFFFC800  }
0x151: {  	[spmem:s3] =	stream.indirect.scatter.add.f32 [tilespmem:s17], [sflag:$0x6], $0x80, s30, s14, $0xb8;
	[tilespmem:$0x1FC00] =	vst v63  }
0x152: {  	_ =	swait.ge [sflag:s21], $0x3800  }
0x153: {  	[sflag:s21] =	ssyncset.done $0x0  }
0x154: {  	[sflag:s21] =	ssyncadd.s32 $0xFFFFC800  }
0x155: {  	[tilespmem:s17], [sflag:$0x3] =	stream.indirect.gather [hbm4b:s1+s14], $0x80, s31, s14, $0xb8;
	[tilespmem:$0x1FC00] =	vst v63  }
0x156: {  	_ =	swait.ge [sflag:s12], $0x3800  }
0x157: {  	[sflag:s12] =	ssyncset.done $0x0  }
0x158: {  	[sflag:s12] =	ssyncadd.s32 $0xFFFFC800  }
0x159: {  	[spmem:s3] =	stream.indirect.scatter.add.f32 [tilespmem:s15], [sflag:$0x4], $0x80, s2, s14, $0xb8;
	[tilespmem:$0x1FC00] =	vst v63  }
0x15a: {  	_ =	swait.ge [sflag:s13], $0x3800  }
0x15b: {  	[sflag:s13] =	ssyncset.done $0x0  }
0x15c: {  	[sflag:s13] =	ssyncadd.s32 $0xFFFFC800  }
0x15d: {  	[spmem:s3] =	stream.indirect.scatter.add.f32 [tilespmem:s16], [sflag:$0x5], $0x80, s0, s14, $0xb8;
	[tilespmem:$0x1FC00] =	vst v63  }
0x15e: {  	_ =	swait.ge [sflag:s20], $0x3800  }
0x15f: {  	[sflag:s20] =	ssyncset.done $0x0  }
0x160: {  	[sflag:s20] =	ssyncadd.s32 $0xFFFFC800  }
0x161: {  	[spmem:s3] =	stream.indirect.scatter.add.f32 [tilespmem:s17], [sflag:$0x6], $0x80, s5, s14, $0xb8;
	[tilespmem:$0x1FC00] =	vst v63  }
0x162: {  	s6 =	sadd.s32 $0x180, s6;
	_ =	swait.ge [sflag:s18], $0x3800  }
0x163: {  	p0 =	sne.s32 s6, $0x780;
	[sflag:s18] =	ssyncset.done $0x0  }
.Ltmp0:
0x164: {  	[sflag:s18] =	ssyncadd.s32 $0xFFFFC800;
	(pc) =	sbr.rel @p0 .LBB2_2-.Ltmp0, $4  }
0x165: {  	_ =	swait.ge [sflag:s19], $0x3800  }
0x166: {  	[sflag:s19] =	ssyncset.done $0x0  }
0x167: {  	[sflag:s19] =	ssyncadd.s32 $0xFFFFC800  }
0x168: {  	_ =	swait.ge [sflag:s21], $0x3800  }
0x169: {  	s6 =	rddreg [dreg:$0x5];
	[sflag:s21] =	ssyncset.done $0x0  }
0x16a: {  	s7 =	rddreg [dreg:$0x4];
	[sflag:s21] =	ssyncadd.s32 $0xFFFFC800;
	s6 =	sadd.s32 s9, s6  }
0x16b: {  	[tilespmem:s4], [sflag:$0x1] =	stream.linear.gather [hbm4b:s6+s4], $0x900, $0x38;
	[tilespmem:$0x1FC00] =	vst v63  }
0x16c: {  	s10 =	sadd.s32 s9, s7  }
0x16d: {  	[tilespmem:s11], [sflag:$0x2] =	stream.linear.gather [hbm4b:s10+s4], $0x900, $0x38;
	[tilespmem:$0x1FC00] =	vst v63  }
0x16e: {  	_ =	swait.ge [sflag:s12], $0x900  }
0x16f: {  	[sflag:s12] =	ssyncset.done $0x0  }
0x170: {  	[sflag:s12] =	ssyncadd.s32 $0xFFFFF700  }
0x171: {  	_ =	swait.ge [sflag:s13], $0x900  }
0x172: {  	[sflag:s13] =	ssyncset.done $0x0  }
0x173: {  	[sflag:s13] =	ssyncadd.s32 $0xFFFFF700  }
0x174: {  	[tilespmem:s15], [sflag:$0x1] =	stream.indirect.gather [hbm4b:s1+s14], $0x80, s4, s14, $0xb8;
	[tilespmem:$0x1FC00] =	vst v63  }
0x175: {  	p0 =	sne.s32 s9, $0x0;
	s7 =	rddreg [dreg:$0x6]  }
0x176: {  	[tilespmem:s16], [sflag:$0x2] =	stream.indirect.gather [hbm4b:s1+s14], $0x80, s7, s14, $0xb8;
	[tilespmem:$0x1FC00] =	vst v63  }
0x177: {  	s6 =	simm.s32 @!p0 $0x7;
	s8 =	rddreg [dreg:$0x7]  }
0x178: {  	[tilespmem:s17], [sflag:$0x3] =	stream.indirect.gather [hbm4b:s1+s14], $0x80, s8, s14, $0xb8;
	[tilespmem:$0x1FC00] =	vst v63  }
0x179: {  	_ =	swait.ge @!p0 [sflag:s6], $0x2780  }
0x17a: {  	[sflag:s6] =	ssyncset.done @!p0 $0x0  }
0x17b: {  	[sflag:s6] =	ssyncadd.s32 @!p0 $0xFFFFD880  }
0x17c: {  	[bflag:$0x0] =	sbarrier.arrive @!p0 $0xFFFF  }
0x17d: {  	_ =	swait.ge [sflag:s12], $0x3800  }
0x17e: {  	[sflag:s12] =	ssyncset.done $0x0  }
0x17f: {  	[sflag:s12] =	ssyncadd.s32 $0xFFFFC800  }
0x180: {  	[spmem:s3] =	stream.indirect.scatter.add.f32 [tilespmem:s15], [sflag:$0x4], $0x80, s11, s14, $0xb8;
	[tilespmem:$0x1FC00] =	vst v63  }
0x181: {  	_ =	swait.ge [sflag:s18], $0x3800  }
0x182: {  	[sflag:s18] =	ssyncset.done $0x0  }
0x183: {  	s9 =	rddreg [dreg:$0x8];
	[sflag:s18] =	ssyncadd.s32 $0xFFFFC800  }
0x184: {  	[tilespmem:s15], [sflag:$0x1] =	stream.indirect.gather [hbm4b:s1+s14], $0x80, s9, s14, $0xb8;
	[tilespmem:$0x1FC00] =	vst v63  }
0x185: {  	_ =	swait.ge [sflag:s13], $0x3800  }
0x186: {  	[sflag:s13] =	ssyncset.done $0x0  }
0x187: {  	s10 =	rddreg [dreg:$0x9];
	[sflag:s13] =	ssyncadd.s32 $0xFFFFC800  }
0x188: {  	[spmem:s3] =	stream.indirect.scatter.add.f32 [tilespmem:s16], [sflag:$0x5], $0x80, s10, s14, $0xb8;
	[tilespmem:$0x1FC00] =	vst v63  }
0x189: {  	_ =	swait.ge [sflag:s19], $0x3800  }
0x18a: {  	[sflag:s19] =	ssyncset.done $0x0  }
0x18b: {  	s7 =	rddreg [dreg:$0xa];
	[sflag:s19] =	ssyncadd.s32 $0xFFFFC800  }
0x18c: {  	[tilespmem:s16], [sflag:$0x2] =	stream.indirect.gather [hbm4b:s1+s14], $0x80, s7, s14, $0xb8;
	[tilespmem:$0x1FC00] =	vst v63  }
0x18d: {  	_ =	swait.ge [sflag:s20], $0x3800  }
0x18e: {  	[sflag:s20] =	ssyncset.done $0x0  }
0x18f: {  	s8 =	rddreg [dreg:$0xb];
	[sflag:s20] =	ssyncadd.s32 $0xFFFFC800  }
0x190: {  	[spmem:s3] =	stream.indirect.scatter.add.f32 [tilespmem:s17], [sflag:$0x6], $0x80, s8, s14, $0xb8;
	[tilespmem:$0x1FC00] =	vst v63  }
0x191: {  	_ =	swait.ge [sflag:s21], $0x3800  }
0x192: {  	[sflag:s21] =	ssyncset.done $0x0  }
0x193: {  	s9 =	rddreg [dreg:$0xc];
	[sflag:s21] =	ssyncadd.s32 $0xFFFFC800  }
0x194: {  	[tilespmem:s17], [sflag:$0x3] =	stream.indirect.gather [hbm4b:s1+s14], $0x80, s9, s14, $0xb8;
	[tilespmem:$0x1FC00] =	vst v63  }
0x195: {  	_ =	swait.ge [sflag:s12], $0x3800  }
0x196: {  	[sflag:s12] =	ssyncset.done $0x0  }
0x197: {  	s10 =	rddreg [dreg:$0xd];
	[sflag:s12] =	ssyncadd.s32 $0xFFFFC800  }
0x198: {  	[spmem:s3] =	stream.indirect.scatter.add.f32 [tilespmem:s15], [sflag:$0x4], $0x80, s10, s14, $0xb8;
	[tilespmem:$0x1FC00] =	vst v63  }
0x199: {  	_ =	swait.ge [sflag:s18], $0x3800  }
0x19a: {  	[sflag:s18] =	ssyncset.done $0x0  }
0x19b: {  	s7 =	rddreg [dreg:$0xe];
	[sflag:s18] =	ssyncadd.s32 $0xFFFFC800  }
0x19c: {  	[tilespmem:s15], [sflag:$0x1] =	stream.indirect.gather [hbm4b:s1+s14], $0x80, s7, s14, $0xb8;
	[tilespmem:$0x1FC00] =	vst v63  }
0x19d: {  	_ =	swait.ge [sflag:s13], $0x3800  }
0x19e: {  	[sflag:s13] =	ssyncset.done $0x0  }
0x19f: {  	s8 =	rddreg [dreg:$0xf];
	[sflag:s13] =	ssyncadd.s32 $0xFFFFC800  }
0x1a0: {  	[spmem:s3] =	stream.indirect.scatter.add.f32 [tilespmem:s16], [sflag:$0x5], $0x80, s8, s14, $0xb8;
	[tilespmem:$0x1FC00] =	vst v63  }
0x1a1: {  	_ =	swait.ge [sflag:s19], $0x3800  }
0x1a2: {  	[sflag:s19] =	ssyncset.done $0x0  }
0x1a3: {  	s9 =	rddreg [dreg:$0x10];
	[sflag:s19] =	ssyncadd.s32 $0xFFFFC800  }
0x1a4: {  	[tilespmem:s16], [sflag:$0x2] =	stream.indirect.gather [hbm4b:s1+s14], $0x80, s9, s14, $0xb8;
	[tilespmem:$0x1FC00] =	vst v63  }
0x1a5: {  	_ =	swait.ge [sflag:s20], $0x3800  }
0x1a6: {  	[sflag:s20] =	ssyncset.done $0x0  }
0x1a7: {  	s10 =	rddreg [dreg:$0x11];
	[sflag:s20] =	ssyncadd.s32 $0xFFFFC800  }
0x1a8: {  	[spmem:s3] =	stream.indirect.scatter.add.f32 [tilespmem:s17], [sflag:$0x6], $0x80, s10, s14, $0xb8;
	[tilespmem:$0x1FC00] =	vst v63  }
0x1a9: {  	_ =	swait.ge [sflag:s21], $0x3800  }
0x1aa: {  	[sflag:s21] =	ssyncset.done $0x0  }
0x1ab: {  	s7 =	rddreg [dreg:$0x12];
	[sflag:s21] =	ssyncadd.s32 $0xFFFFC800  }
0x1ac: {  	[tilespmem:s17], [sflag:$0x3] =	stream.indirect.gather [hbm4b:s1+s14], $0x80, s7, s14, $0xb8;
	[tilespmem:$0x1FC00] =	vst v63  }
0x1ad: {  	_ =	swait.ge [sflag:s12], $0x3800  }
0x1ae: {  	[sflag:s12] =	ssyncset.done $0x0  }
0x1af: {  	s8 =	rddreg [dreg:$0x13];
	[sflag:s12] =	ssyncadd.s32 $0xFFFFC800  }
0x1b0: {  	[spmem:s3] =	stream.indirect.scatter.add.f32 [tilespmem:s15], [sflag:$0x4], $0x80, s8, s14, $0xb8;
	[tilespmem:$0x1FC00] =	vst v63  }
0x1b1: {  	_ =	swait.ge [sflag:s18], $0x3800  }
0x1b2: {  	[sflag:s18] =	ssyncset.done $0x0  }
0x1b3: {  	s9 =	rddreg [dreg:$0x14];
	[sflag:s18] =	ssyncadd.s32 $0xFFFFC800  }
0x1b4: {  	[tilespmem:s15], [sflag:$0x1] =	stream.indirect.gather [hbm4b:s1+s14], $0x80, s9, s14, $0xb8;
	[tilespmem:$0x1FC00] =	vst v63  }
0x1b5: {  	_ =	swait.ge [sflag:s13], $0x3800  }
0x1b6: {  	[sflag:s13] =	ssyncset.done $0x0  }
0x1b7: {  	s10 =	rddreg [dreg:$0x15];
	[sflag:s13] =	ssyncadd.s32 $0xFFFFC800  }
0x1b8: {  	[spmem:s3] =	stream.indirect.scatter.add.f32 [tilespmem:s16], [sflag:$0x5], $0x80, s10, s14, $0xb8;
	[tilespmem:$0x1FC00] =	vst v63  }
0x1b9: {  	_ =	swait.ge [sflag:s19], $0x3800  }
0x1ba: {  	[sflag:s19] =	ssyncset.done $0x0  }
0x1bb: {  	s7 =	rddreg [dreg:$0x16];
	[sflag:s19] =	ssyncadd.s32 $0xFFFFC800  }
0x1bc: {  	[tilespmem:s16], [sflag:$0x2] =	stream.indirect.gather [hbm4b:s1+s14], $0x80, s7, s14, $0xb8;
	[tilespmem:$0x1FC00] =	vst v63  }
0x1bd: {  	_ =	swait.ge [sflag:s20], $0x3800  }
0x1be: {  	[sflag:s20] =	ssyncset.done $0x0  }
0x1bf: {  	s8 =	rddreg [dreg:$0x17];
	[sflag:s20] =	ssyncadd.s32 $0xFFFFC800  }
0x1c0: {  	[spmem:s3] =	stream.indirect.scatter.add.f32 [tilespmem:s17], [sflag:$0x6], $0x80, s8, s14, $0xb8;
	[tilespmem:$0x1FC00] =	vst v63  }
0x1c1: {  	_ =	swait.ge [sflag:s21], $0x3800  }
0x1c2: {  	[sflag:s21] =	ssyncset.done $0x0  }
0x1c3: {  	s9 =	rddreg [dreg:$0x18];
	[sflag:s21] =	ssyncadd.s32 $0xFFFFC800  }
0x1c4: {  	[tilespmem:s17], [sflag:$0x3] =	stream.indirect.gather [hbm4b:s1+s14], $0x80, s9, s14, $0xb8;
	[tilespmem:$0x1FC00] =	vst v63  }
0x1c5: {  	_ =	swait.ge [sflag:s12], $0x3800  }
0x1c6: {  	[sflag:s12] =	ssyncset.done $0x0  }
0x1c7: {  	s10 =	rddreg [dreg:$0x19];
	[sflag:s12] =	ssyncadd.s32 $0xFFFFC800  }
0x1c8: {  	[spmem:s3] =	stream.indirect.scatter.add.f32 [tilespmem:s15], [sflag:$0x4], $0x80, s10, s14, $0xb8;
	[tilespmem:$0x1FC00] =	vst v63  }
0x1c9: {  	_ =	swait.ge [sflag:s18], $0x3800  }
0x1ca: {  	[sflag:s18] =	ssyncset.done $0x0  }
0x1cb: {  	s7 =	rddreg [dreg:$0x1a];
	[sflag:s18] =	ssyncadd.s32 $0xFFFFC800  }
0x1cc: {  	[tilespmem:s15], [sflag:$0x1] =	stream.indirect.gather [hbm4b:s1+s14], $0x80, s7, s14, $0xb8;
	[tilespmem:$0x1FC00] =	vst v63  }
0x1cd: {  	_ =	swait.ge [sflag:s13], $0x3800  }
0x1ce: {  	[sflag:s13] =	ssyncset.done $0x0  }
0x1cf: {  	s8 =	rddreg [dreg:$0x1b];
	[sflag:s13] =	ssyncadd.s32 $0xFFFFC800  }
0x1d0: {  	[spmem:s3] =	stream.indirect.scatter.add.f32 [tilespmem:s16], [sflag:$0x5], $0x80, s8, s14, $0xb8;
	[tilespmem:$0x1FC00] =	vst v63  }
0x1d1: {  	_ =	swait.ge [sflag:s19], $0x3800  }
0x1d2: {  	[sflag:s19] =	ssyncset.done $0x0  }
0x1d3: {  	[sflag:s19] =	ssyncadd.s32 $0xFFFFC800  }
0x1d4: {  	[tilespmem:s16], [sflag:$0x2] =	stream.indirect.gather [hbm4b:s1+s14], $0x80, s22, s14, $0xb8;
	[tilespmem:$0x1FC00] =	vst v63  }
0x1d5: {  	_ =	swait.ge [sflag:s20], $0x3800  }
0x1d6: {  	[sflag:s20] =	ssyncset.done $0x0  }
0x1d7: {  	[sflag:s20] =	ssyncadd.s32 $0xFFFFC800  }
0x1d8: {  	[spmem:s3] =	stream.indirect.scatter.add.f32 [tilespmem:s17], [sflag:$0x6], $0x80, s23, s14, $0xb8;
	[tilespmem:$0x1FC00] =	vst v63  }
0x1d9: {  	_ =	swait.ge [sflag:s21], $0x3800  }
0x1da: {  	[sflag:s21] =	ssyncset.done $0x0  }
0x1db: {  	[sflag:s21] =	ssyncadd.s32 $0xFFFFC800  }
0x1dc: {  	[tilespmem:s17], [sflag:$0x3] =	stream.indirect.gather [hbm4b:s1+s14], $0x80, s24, s14, $0xb8;
	[tilespmem:$0x1FC00] =	vst v63  }
0x1dd: {  	_ =	swait.ge [sflag:s12], $0x3800  }
0x1de: {  	[sflag:s12] =	ssyncset.done $0x0  }
0x1df: {  	[sflag:s12] =	ssyncadd.s32 $0xFFFFC800  }
0x1e0: {  	[spmem:s3] =	stream.indirect.scatter.add.f32 [tilespmem:s15], [sflag:$0x4], $0x80, s25, s14, $0xb8;
	[tilespmem:$0x1FC00] =	vst v63  }
0x1e1: {  	_ =	swait.ge [sflag:s18], $0x3800  }
0x1e2: {  	[sflag:s18] =	ssyncset.done $0x0  }
0x1e3: {  	[sflag:s18] =	ssyncadd.s32 $0xFFFFC800  }
0x1e4: {  	[tilespmem:s15], [sflag:$0x1] =	stream.indirect.gather [hbm4b:s1+s14], $0x80, s26, s14, $0xb8;
	[tilespmem:$0x1FC00] =	vst v63  }
0x1e5: {  	_ =	swait.ge [sflag:s13], $0x3800  }
0x1e6: {  	[sflag:s13] =	ssyncset.done $0x0  }
0x1e7: {  	[sflag:s13] =	ssyncadd.s32 $0xFFFFC800  }
0x1e8: {  	[spmem:s3] =	stream.indirect.scatter.add.f32 [tilespmem:s16], [sflag:$0x5], $0x80, s28, s14, $0xb8;
	[tilespmem:$0x1FC00] =	vst v63  }
0x1e9: {  	_ =	swait.ge [sflag:s19], $0x3800  }
0x1ea: {  	[sflag:s19] =	ssyncset.done $0x0  }
0x1eb: {  	[sflag:s19] =	ssyncadd.s32 $0xFFFFC800  }
0x1ec: {  	[tilespmem:s16], [sflag:$0x2] =	stream.indirect.gather [hbm4b:s1+s14], $0x80, s29, s14, $0xb8;
	[tilespmem:$0x1FC00] =	vst v63  }
0x1ed: {  	_ =	swait.ge [sflag:s20], $0x3800  }
0x1ee: {  	[sflag:s20] =	ssyncset.done $0x0  }
0x1ef: {  	[sflag:s20] =	ssyncadd.s32 $0xFFFFC800  }
0x1f0: {  	[spmem:s3] =	stream.indirect.scatter.add.f32 [tilespmem:s17], [sflag:$0x6], $0x80, s30, s14, $0xb8;
	[tilespmem:$0x1FC00] =	vst v63  }
0x1f1: {  	_ =	swait.ge [sflag:s21], $0x3800  }
0x1f2: {  	[sflag:s21] =	ssyncset.done $0x0  }
0x1f3: {  	[sflag:s21] =	ssyncadd.s32 $0xFFFFC800  }
0x1f4: {  	[tilespmem:s17], [sflag:$0x3] =	stream.indirect.gather [hbm4b:s1+s14], $0x80, s31, s14, $0xb8;
	[tilespmem:$0x1FC00] =	vst v63  }
0x1f5: {  	_ =	swait.ge [sflag:s12], $0x3800  }
0x1f6: {  	[sflag:s12] =	ssyncset.done $0x0  }
0x1f7: {  	[sflag:s12] =	ssyncadd.s32 $0xFFFFC800  }
0x1f8: {  	[spmem:s3] =	stream.indirect.scatter.add.f32 [tilespmem:s15], [sflag:$0x4], $0x80, s2, s14, $0xb8;
	[tilespmem:$0x1FC00] =	vst v63  }
0x1f9: {  	_ =	swait.ge [sflag:s13], $0x3800  }
0x1fa: {  	[sflag:s13] =	ssyncset.done $0x0  }
0x1fb: {  	[sflag:s13] =	ssyncadd.s32 $0xFFFFC800  }
0x1fc: {  	[spmem:s3] =	stream.indirect.scatter.add.f32 [tilespmem:s16], [sflag:$0x5], $0x80, s0, s14, $0xb8;
	[tilespmem:$0x1FC00] =	vst v63  }
0x1fd: {  	_ =	swait.ge [sflag:s20], $0x3800  }
0x1fe: {  	[sflag:s20] =	ssyncset.done $0x0  }
0x1ff: {  	[sflag:s20] =	ssyncadd.s32 $0xFFFFC800  }
0x200: {  	[spmem:s3] =	stream.indirect.scatter.add.f32 [tilespmem:s17], [sflag:$0x6], $0x80, s5, s14, $0xb8;
	[tilespmem:$0x1FC00] =	vst v63  }
0x201: {  	_ =	swait.ge [sflag:s18], $0x3800  }
0x202: {  	[sflag:s18] =	ssyncset.done $0x0  }
0x203: {  	[sflag:s18] =	ssyncadd.s32 $0xFFFFC800  }
0x204: {  	_ =	swait.ge [sflag:s19], $0x3800  }
0x205: {  	[sflag:s19] =	ssyncset.done $0x0  }
0x206: {  	[sflag:s19] =	ssyncadd.s32 $0xFFFFC800  }
0x207: {  	_ =	swait.ge [sflag:s21], $0x3800  }
0x208: {  	[sflag:s21] =	ssyncset.done $0x0  }
0x209: {  	[sflag:s21] =	ssyncadd.s32 $0xFFFFC800  }
0x20a: {  	[bflag:$0x0] =	sbarrier.arrive $0xFFFF  }
0x20b: {  	s8 =	sld [smem:$0x7FD]  }
0x20c: {  	s9 =	rddreg [dreg:$0x1d]  }
0x20d: {  	s7 =	simm.s32 $0x8;
	s10 =	rddreg [dreg:$0x1f];
	s6 =	sor.u32 $0x1C08, s9  }
0x20e: {  	[hbm:s10], [sflag:s6] =	dma.local [spmem:s8], $0x2780  }
0x20f: {  	_ =	swait.ge [sflag:s7], $0x2780  }
0x210: {  	s6 =	sld [smem:$0x7FB]  }
0x211: {  	s10 =	sld [smem:$0x7FC];
	_ =	sdelay $0x1  }
0x212: {  	s9 =	sadd.s32 $0x1, s6  }
0x213: {  	p0 =	sne.s32 s9, s10  }
.Ltmp1:
0x214: {  	_ = 	snop;
	(pc) =	sbr.rel @p0 .LBB2_1-.Ltmp1, $3  }
0x215: {  	_ =	sdelay $0x1  }
0x216: {  	[sflag:s7] =	ssyncset.done $0x0  }
0x217: {  	[sflag:s7] =	ssyncadd.s32 $0xFFFFD880  }
0x218: {  	_ =	sfence.sel $0x180000  }
0x219: {  	[bflag:$0x0] =	sbarrier.arrive $0xFFFF  }
0x21a: {  	_ =	strace $0x9000004D  }
0x21b: {  	s0 =	stileid.u32;
	[bflag:$0x2] =	sbarrier.arrive $0xFFFF  }
0x21c: {  	p0 =	sne.s32 s0, $0x0;
	s0 =	rddreg [dreg:$0x3]  }
0x21d: {  	s0 =	sadd.s32 @!p0 $0x100000, s0  }
0x21e: {  	[sflag:s0] =	ssyncadd.tile.s32 @!p0 $0x1;
	_ =	shalt  }
.Lfunc_end2:
_tile_overlayer_lowered:
.L_overlay_start_2:
0x21f: {  	(tag) =	ssettag $0x2  }
0x220: {  	s0 =	rddreg [dreg:$0x0];
	s2 =	stileid.u32  }
0x221: {  	s1 =	rddreg [dreg:$0x1];
	p0 =	sne.s32 s2, $0x0  }
0x222: {  	s3 =	rddreg [dreg:$0x2];
	[bflag:$0x3] =	sbarrier.arrive $0xFFFF;
	s2 =	simm.s32 @!p0 $0x1C08  }
0x223: {  	[timem:s3], [sflag:s2] =	dma.local @!p0 [hbm:s0], s1  }
0x224: {  	s0 =	simm.s32 @!p0 $0x8  }
0x225: {  	_ =	swait.ge @!p0 [sflag:s0], s1  }
0x226: {  	s1 =	ssub.s32 @!p0 $0x0, s1;
	[sflag:s0] =	ssyncset.done @!p0 $0x0  }
0x227: {  	[sflag:s0] =	ssyncadd.s32 @!p0 s1  }
0x228: {  	[bflag:$0x3] =	sbarrier.arrive $0xFFFF  }
0x229: {  	_ =	shalt  }

// kernel: kernel.8.cloned.1.call-start
scs
__scs_entry_jumppad:
0x0: {  	(pc) =	sbr.rel $0x88, $3  }
0x1: {  	(tag) =	ssettag $0x0;
	lr =	simm.s32 $0x1  }
0x2: {  	[smem:$0x3F9B] =	sst lr;
	_ =	strace $0xD0000000  }
0x3: {  	_ = 	snop  }
0x4: {  	_ = 	snop  }
0x5: {  	_ = 	snop  }
0x6: {  	_ = 	snop  }
0x7: {  	_ = 	snop  }
__scs_overlays_trampoline_lowered:
0x8: {  	[smem:$0x3FAA] =	sst s0  }
0x9: {  	[smem:$0x3FAB] =	sst s1  }
0xa: {  	[smem:$0x3FAC] =	sst s2  }
0xb: {  	[smem:$0x3FAD] =	sst s3  }
0xc: {  	[smem:$0x3FAE] =	sst s4  }
0xd: {  	[smem:$0x3FAF] =	sst s5  }
0xe: {  	[smem:$0x3FB0] =	sst s6  }
0xf: {  	[smem:$0x3FB1] =	sst s7  }
0x10: {  	[smem:$0x3FB2] =	sst s8  }
0x11: {  	[smem:$0x3FB3] =	sst s9;
	s0 =	simm.s32 @!p0 $0x0  }
0x12: {  	s1 =	sld [smem:$0x3F99];
	s0 =	simm.s32 @p0 $0x1  }
0x13: {  	[smem:$0x3FB4] =	sst s0;
	s0 =	simm.s32 @!p1 $0x0  }
0x14: {  	s2 =	sld [smem:$0x3F98];
	s0 =	simm.s32 @p1 $0x1  }
0x15: {  	[smem:$0x3FB5] =	sst s0;
	s0 =	simm.s32 @!p2 $0x0  }
0x16: {  	s3 =	sld [smem:$0x3FDB];
	s0 =	simm.s32 @p2 $0x1  }
0x17: {  	s4 =	simm.s32 $0x1BF5;
	[smem:$0x3FB7] =	sst s0  }
0x18: {  	s0 =	sld [smem:$0x3F9A];
	_ =	swait.ge [sflag:s4], $0x0  }
0x19: {  	s7 =	sld [smem:$0x3F9B]  }
0x1a: {  	s8 =	sadd.s32 $0xFFFFE003, lr  }
0x1b: {  	s9 =	sadd.s32 $0xFFFFFEF7, lr;
	s5 =	simm.s32 $0xFFFFFFFF;
	p2 =	slt.u32 s8, $0xFFFFF086  }
0x1c: {  	p1 =	slt.u32 s9, $0xF7A;
	s5 =	simm.s32 @!p2 $0x0  }
0x1d: {  	s5 =	simm.s32 @p1 $0x1;
	p0 =	seq.s32 s7, s2  }
0x1e: {  	s7 =	smul.u32 @!p0 $0xF7A, s2;
	p2 =	seq.s32 @!p0 s5, $0x0  }
0x1f: {  	s9 =	smul.u32 $0xF7A, s1;
	s8 =	simm.s32 @!p0 $0x1BF5;
	p2 =	por !p2, p0  }
0x20: {  	[sflag:s8] =	ssyncset.s32 @!p0 $0xFFFFF086;
	s6 =	sadd.s32 @!p0 s3, s7;
	s7 =	simm.s32 @!p0 $0x108  }
0x21: {  	s3 =	sadd.s32 s3, s9;
	s6 =	sadd.s32 @!p0 $0x88, s6;
	s7 =	simm.s32 @p2 $0x1082  }
0x22: {  	[simem:s7], [sflag:s8] =	dma.local @!p0 [hbm:s6], $0xF7A  }
0x23: {  	s9 =	sor.u32 $0xD0000000, s2;
	s6 =	simm.s32 $0x108;
	_ =	swait.ge @!p0 [sflag:s8], $0x0  }
0x24: {  	s3 =	sadd.s32 $0x88, s3;
	s6 =	simm.s32 @!p1 $0x1082;
	[sflag:s4] =	ssyncset.s32 $0xFFFFF086  }
0x25: {  	[simem:s6], [sflag:s4] =	dma.local [hbm:s3], $0xF7A  }
0x26: {  	[smem:$0x3F9B] =	sst s1;
	(tag) =	ssettag s2;
	_ =	strace s9  }
0x27: {  	s1 =	sld [smem:$0x3FAB]  }
0x28: {  	s2 =	sld [smem:$0x3FAC]  }
0x29: {  	s4 =	sld [smem:$0x3FAE]  }
0x2a: {  	p0 =	seq.s32 s5, $0x0;
	s5 =	sld [smem:$0x3FAF]  }
0x2b: {  	s6 =	sld [smem:$0x3FB0]  }
0x2c: {  	s7 =	sld [smem:$0x3FB1]  }
0x2d: {  	s3 =	simm.s32 $0x108;
	s8 =	sld [smem:$0x3FB2]  }
0x2e: {  	s3 =	simm.s32 @!p0 $0x1082;
	s9 =	sld [smem:$0x3FB3]  }
0x2f: {  	lr =	sadd.s32 s0, s3;
	s0 =	sld [smem:$0x3FAA]  }
0x30: {  	s3 =	sld [smem:$0x3FAD]  }
0x31: {  	[smem:$0x3FB6] =	sst s10  }
0x32: {  	s10 =	sld [smem:$0x3FB4];
	_ =	sdelay $0x3  }
0x33: {  	p0 =	seq.s32 s10, $0x1;
	s10 =	sld [smem:$0x3FB6];
	_ =	sdelay $0x3  }
0x34: {  	[smem:$0x3FB6] =	sst s10  }
0x35: {  	s10 =	sld [smem:$0x3FB5];
	_ =	sdelay $0x3  }
0x36: {  	p1 =	seq.s32 s10, $0x1;
	s10 =	sld [smem:$0x3FB6];
	_ =	sdelay $0x3  }
0x37: {  	[smem:$0x3FB6] =	sst s10  }
0x38: {  	s10 =	sld [smem:$0x3FB7]  }
0x39: {  	_ = 	snop;
	(pc) =	sbr.ind lr, $3  }
0x3a: {  	_ = 	snop  }
0x3b: {  	_ = 	snop  }
0x3c: {  	p2 =	seq.s32 s10, $0x1;
	s10 =	sld [smem:$0x3FB6]  }
0x3d: {  	_ =	shalt  }
0x3e: {  	_ =	shalt  }
0x3f: {  	_ =	shalt  }
0x40: {  	_ =	shalt  }
0x41: {  	_ =	shalt  }
0x42: {  	_ =	shalt  }
0x43: {  	_ =	shalt  }
0x44: {  	_ =	shalt  }
0x45: {  	_ =	shalt  }
0x46: {  	_ =	shalt  }
0x47: {  	_ =	shalt  }
0x48: {  	_ =	shalt  }
0x49: {  	_ =	shalt  }
0x4a: {  	_ =	shalt  }
0x4b: {  	_ =	shalt  }
0x4c: {  	_ =	shalt  }
0x4d: {  	_ =	shalt  }
0x4e: {  	_ =	shalt  }
0x4f: {  	_ =	shalt  }
0x50: {  	_ =	shalt  }
0x51: {  	_ =	shalt  }
0x52: {  	_ =	shalt  }
0x53: {  	_ =	shalt  }
0x54: {  	_ =	shalt  }
0x55: {  	_ =	shalt  }
0x56: {  	_ =	shalt  }
0x57: {  	_ =	shalt  }
0x58: {  	_ =	shalt  }
0x59: {  	_ =	shalt  }
0x5a: {  	_ =	shalt  }
0x5b: {  	_ =	shalt  }
0x5c: {  	_ =	shalt  }
0x5d: {  	_ =	shalt  }
0x5e: {  	_ =	shalt  }
0x5f: {  	_ =	shalt  }
0x60: {  	_ =	shalt  }
0x61: {  	_ =	shalt  }
0x62: {  	_ =	shalt  }
0x63: {  	_ =	shalt  }
0x64: {  	_ =	shalt  }
0x65: {  	_ =	shalt  }
0x66: {  	_ =	shalt  }
0x67: {  	_ =	shalt  }
0x68: {  	_ =	shalt  }
0x69: {  	_ =	shalt  }
0x6a: {  	_ =	shalt  }
0x6b: {  	_ =	shalt  }
0x6c: {  	_ =	shalt  }
0x6d: {  	_ =	shalt  }
0x6e: {  	_ =	shalt  }
0x6f: {  	_ =	shalt  }
0x70: {  	_ =	shalt  }
0x71: {  	_ =	shalt  }
0x72: {  	_ =	shalt  }
0x73: {  	_ =	shalt  }
0x74: {  	_ =	shalt  }
0x75: {  	_ =	shalt  }
0x76: {  	_ =	shalt  }
0x77: {  	_ =	shalt  }
0x78: {  	_ =	shalt  }
0x79: {  	_ =	shalt  }
0x7a: {  	_ =	shalt  }
0x7b: {  	_ =	shalt  }
0x7c: {  	_ =	shalt  }
0x7d: {  	_ =	shalt  }
0x7e: {  	_ =	shalt  }
0x7f: {  	_ =	shalt  }
0x80: {  	_ =	shalt  }
0x81: {  	_ =	shalt  }
0x82: {  	_ =	shalt  }
0x83: {  	_ =	shalt  }
0x84: {  	_ =	shalt  }
0x85: {  	_ =	shalt  }
0x86: {  	_ =	shalt  }
0x87: {  	_ =	shalt  }
.Lfunc_end0:
.L_simem_size_0:
called_computation_lowered:
.L_overlay_start_0:
0x88: {  	s2 =	sld [smem:$0x3FD9]  }
0x89: {  	s3 =	sld [smem:$0x3FFE];
	_ =	sdelay $0x1  }
0x8a: {  	s1 =	srdreg.scid  }
0x8b: {  	s0 =	sand.u32 $0x1, s1  }
0x8c: {  	s17 =	sshll.u32 s0, $0xA;
	s2 =	sadd.s32 s3, s2  }
0x8d: {  	s2 =	sadd.s32 s2, s17  }
0x8e: {  	[smem:$0x3FC2] =	sst s2  }
0x8f: {  	_ = 	snop  }
0x90: {  	s2 =	sld [smem:$0x3FD0];
	(tm) =	ssettm $0x1  }
0x91: {  	s18 =	sld [smem:$0x3FFB];
	_ =	sdelay $0x3  }
0x92: {  	_ =	strace s18  }
0x93: {  	s3 =	sld [smem:$0x3FFC];
	_ =	sdelay $0x3  }
0x94: {  	_ =	strace s3  }
0x95: {  	s3 =	sld [smem:$0x3FFD];
	_ =	sdelay $0x3  }
0x96: {  	_ =	strace s3  }
0x97: {  	_ =	strace $0x8FFFFFFF  }
0x98: {  	s19 =	sld [smem:$0x3FDB];
	_ =	sdelay $0x1  }
0x99: {  	s4 =	simm.s32 $_scs_section_size  }
0x9a: {  	s5 =	simm.s32 $_size__tile_overlayer_lowered;
	s6 =	simm.s32 $_tile_overlayer_lowered  }
0x9b: {  	s22 =	simm.s32 $0x1BFF;
	s21 =	sshll.u32 s6, $0x1;
	s3 =	sadd.s32 s4, s19  }
0x9c: {  	s7 =	simm.s32 $0x0;
	s20 =	sshll.u32 s5, $0x1;
	s5 =	sadd.s32 s21, s3  }
0x9d: {  	[timem:s7], [sflag:s22] =	dma.local [hbm:s5], s20  }
0x9e: {  	_ =	swait.ge [sflag:s22], s20  }
0x9f: {  	s4 =	ssub.s32 $0x0, s20;
	[sflag:s22] =	ssyncset.done $0x0  }
0xa0: {  	[sflag:s22] =	ssyncadd.s32 s4;
	_ =	sdelay $0x1  }
0xa1: {  	s23 =	simm.s32 $0x1B8B  }
0xa2: {  	_ =	swait.ge [sflag:s23], $0x1  }
0xa3: {  	[sflag:s23] =	ssyncset.done $0x0  }
0xa4: {  	s25 =	simm.s32 $0x1B8E;
	s24 =	sld [smem:$0x3FFE];
	[sflag:s23] =	ssyncadd.s32 $0xFFFFFFFF  }
0xa5: {  	s26 =	simm.s32 $execute0_lowered;
	[smem:$0x3FD2] =	sst s25  }
0xa6: {  	s5 =	sshll.u32 s26, $0x1;
	_ =	strace $0x80000046;
	[dreg:$0x1] =	wrdreg $0xFFFFFFFF  }
0xa7: {  	s28 =	simm.s32 $_size_execute0_lowered;
	s3 =	sadd.s32 s3, s5;
	[dreg:$0x0] =	wrdreg $0x0  }
0xa8: {  	s5 =	sshll.u32 s28, $0x1;
	[dreg:$0x2] =	wrdreg s3  }
0xa9: {  	[dreg:$0x3] =	wrdreg s5  }
0xaa: {  	[dreg:$0x4] =	wrdreg $0xC0  }
0xab: {  	_ =	task [dreg:s7], $0x5FFFF  }
0xac: {  	[dreg:$0x1] =	wrdreg $0xFFFFFFFF  }
0xad: {  	[dreg:$0x0] =	wrdreg $0x60  }
0xae: {  	[dreg:$0x2] =	wrdreg s24  }
0xaf: {  	[dreg:$0x3] =	wrdreg s2  }
0xb0: {  	[dreg:$0x4] =	wrdreg $0x3C800  }
0xb1: {  	[dreg:$0x5] =	wrdreg $0x9  }
0xb2: {  	_ =	task.clear_ibuf [dreg:s7], $0x6FFFF;
	_ =	strace $0x90000046  }
0xb3: {  	s29 =	simm.s32 $0x9;
	_ =	strace $0x80000048  }
0xb4: {  	_ =	swait.ge [sflag:s29], $0x1  }
0xb5: {  	[sflag:s29] =	ssyncadd.s32 $0xFFFFFFFF  }
0xb6: {  	_ =	strace $0x90000048  }
0xb7: {  	_ =	sfence  }
0xb8: {  	s30 =	sld [smem:$0x0];
	_ =	sdelay $0x2  }
0xb9: {  	s31 =	sshll.u32 s1, $0xD;
	s1 =	sshrl.u32 s1, $0x2  }
0xba: {  	s3 =	sand.u32 $0x4000, s31;
	s1 =	sadd.s32 s1, s30  }
0xbb: {  	s0 =	sor.u32 s3, s0;
	s1 =	sshll.u32 s1, $0x11  }
0xbc: {  	s0 =	sor.u32 s1, s0  }
0xbd: {  	s0 =	sadd.s32 $0x8F2B, s0  }
0xbe: {  	[sflag:s0] =	ssyncadd.remote.s32 $0x1  }
0xbf: {  	_ =	sfence.sel $0xFFFF  }
0xc0: {  	[dreg:$0x0] =	wrdreg $0xFFFFFFFF;
	(pc) =	sbr.abs _section_cstart, $3  }
0xc1: {  	[dreg:$0x1] =	wrdreg $0xFFFFFFFF  }
0xc2: {  	_ =	task.clear_ibuf [dreg:s7], $0x2FFFF;
	_ =	strace $0x9FFFFFFF  }
0xc3: {  	(tm) =	ssettm $0x7FFFFFFF  }
tec
execute0_lowered:
.L_overlay_start_1:
0x0: {  	(tag) =	ssettag $0x1  }
0x1: {  	s0 =	rddreg [dreg:$0x0]  }
0x2: {  	s2 =	rddreg [dreg:$0x1]  }
0x3: {  	s1 =	rddreg [dreg:$0x2];
	s4 =	srdreg.scid;
	s3 =	simm.s32 $0x0  }
0x4: {  	s13 =	stileid.u32;
	s14 =	simm.s32 $0xC00;
	s16 =	simm.s32 $0x1800  }
0x5: {  	s18 =	simm.s32 $0x2400;
	s20 =	simm.s32 $0x3000;
	s21 =	simm.s32 $0x70  }
0x6: {  	s28 =	simm.s32 $0x3780;
	s29 =	simm.s32 $0x3800;
	s30 =	simm.s32 $0x3880  }
0x7: {  	s31 =	simm.s32 $0x1;
	s22 =	simm.s32 $0x0;
	s7 =	smul.u32 $0xA00, s13  }
0x8: {  	s6 =	sand.u32 $0x1, s4;
	[smem:$0x7FF] =	sst s3;
	s11 =	smul.u32 $0x500, s13  }
0x9: {  	s25 =	sshll.u32 s13, $0x6;
	s4 =	sshll.u32 s6, $0x4;
	_ =	strace $0x80000047  }
0xa: {  	s8 =	ssub.s32 $0x2, s6;
	s6 =	sshll.u32 s6, $0x7;
	s5 =	sor.u32 s13, s4  }
0xb: {  	s4 =	sadd.s32 $0x20400, s0;
	s10 =	sshrl.u32 s8, $0x1;
	s7 =	sshrl.u32 s7, $0x2  }
0xc: {  	s6 =	sor.u32 s6, s11;
	s11 =	simm.s32 $0x2;
	s9 =	smul.u32 $0x3C00, s5  }
0xd: {  	s5 =	sadd.s32 $0x20600, s0;
	s10 =	ssub.s32 s8, s10;
	s12 =	sadd.s32 s7, s1  }
0xe: {  	s26 =	sshrl.u32 s6, $0x3;
	s6 =	sor.u32 $0x1C02, s25;
	s25 =	simm.s32 $0x3680  }
0xf: {  	s8 =	sadd.s32 s2, s26;
	s26 =	simm.s32 $0x3700;
	s24 =	sshrl.u32 s9, $0x3  }
0x10: {  	s2 =	simm.s32 $0x10;
	s9 =	smax.u32 s10, $0x1;
	s0 =	sadd.s32 s0, s24  }
0x11: {  	s10 =	sshrl.u32 s12, $0x3;
	s12 =	simm.s32 $0x3C00;
	s7 =	sadd.s32 $0x11400, s0  }
0x12: {  	s24 =	simm.s32 $0x3600;
	s0 =	simm.s32 $0x20;
	s13 =	sadd.s32 $0x180, s7  }
0x13: {  	s15 =	sadd.s32 $0x300, s7;
	s17 =	sadd.s32 $0x480, s7;
	s19 =	sadd.s32 $0x600, s7  }
.LBB2_1:
0x14: {  	[spmem:s10], [sflag:s6] =	dma.local [hbm:s5], $0x50  }
0x15: {  	_ =	swait.ge [sflag:s11], $0x50  }
0x16: {  	[sflag:s11] =	ssyncset.done $0x0  }
0x17: {  	[sflag:s11] =	ssyncadd.s32 $0xFFFFFFB0  }
0x18: {  	[tilespmem:s12], [sflag:$0x2] =	stream.linear.gather [hbm4b:s4+s3], $0x80, $0x38;
	[tilespmem:$0x3F00] =	vst v63  }
0x19: {  	_ =	swait.ge [sflag:s11], $0x80  }
0x1a: {  	[sflag:s11] =	ssyncset.done $0x0  }
0x1b: {  	[sflag:s11] =	ssyncadd.s32 $0xFFFFFF80  }
0x1c: {  	[tilespmem:s3], [sflag:$0x2] =	stream.linear.gather [hbm4b:s7+s3], $0x900, $0x38;
	[tilespmem:$0x3F00] =	vst v63  }
0x1d: {  	_ = 	snop  }
0x1e: {  	[tilespmem:s14], [sflag:$0x2] =	stream.linear.gather [hbm4b:s13+s3], $0x900, $0x38;
	[tilespmem:$0x3F00] =	vst v63  }
0x1f: {  	_ = 	snop  }
0x20: {  	[tilespmem:s16], [sflag:$0x2] =	stream.linear.gather [hbm4b:s15+s3], $0x900, $0x38;
	[tilespmem:$0x3F00] =	vst v63  }
0x21: {  	_ = 	snop  }
0x22: {  	[tilespmem:s18], [sflag:$0x2] =	stream.linear.gather [hbm4b:s17+s3], $0x900, $0x38;
	[tilespmem:$0x3F00] =	vst v63  }
0x23: {  	_ = 	snop  }
0x24: {  	[tilespmem:s20], [sflag:$0x2] =	stream.linear.gather [hbm4b:s19+s3], $0x900, $0x38;
	[tilespmem:$0x3F00] =	vst v63  }
0x25: {  	_ =	swait.ge [sflag:s11], $0x2D00  }
0x26: {  	[sflag:s11] =	ssyncset.done $0x0  }
0x27: {  	[sflag:s11] =	ssyncadd.s32 $0xFFFFD300  }
0x28: {  	[bflag:$0x0] =	sbarrier.arrive $0xFFFF  }
0x29: {  	[spmem:s1] =	stream.indirect.scatter.add.f32 [tilespmem:s12], [sflag:$0x1], $0x1, s3, s21, $0xb8;
	[tilespmem:$0x3F00] =	vst v63  }
0x2a: {  	s23 =	simm.s32 $0x80  }
0x2b: {  	[spmem:s1] =	stream.indirect.scatter.add.f32 [tilespmem:s12], [sflag:$0x1], $0x1, s23, s21, $0xb8;
	[tilespmem:$0x3F00] =	vst v63  }
0x2c: {  	s23 =	simm.s32 $0x100  }
0x2d: {  	[spmem:s1] =	stream.indirect.scatter.add.f32 [tilespmem:s12], [sflag:$0x1], $0x1, s23, s21, $0xb8;
	[tilespmem:$0x3F00] =	vst v63  }
0x2e: {  	s23 =	simm.s32 $0x180  }
0x2f: {  	[spmem:s1] =	stream.indirect.scatter.add.f32 [tilespmem:s12], [sflag:$0x1], $0x1, s23, s21, $0xb8;
	[tilespmem:$0x3F00] =	vst v63  }
0x30: {  	s23 =	simm.s32 $0x200  }
0x31: {  	[spmem:s1] =	stream.indirect.scatter.add.f32 [tilespmem:s12], [sflag:$0x1], $0x1, s23, s21, $0xb8;
	[tilespmem:$0x3F00] =	vst v63  }
0x32: {  	s23 =	simm.s32 $0x280  }
0x33: {  	[spmem:s1] =	stream.indirect.scatter.add.f32 [tilespmem:s12], [sflag:$0x1], $0x1, s23, s21, $0xb8;
	[tilespmem:$0x3F00] =	vst v63  }
0x34: {  	s23 =	simm.s32 $0x300  }
0x35: {  	[spmem:s1] =	stream.indirect.scatter.add.f32 [tilespmem:s12], [sflag:$0x1], $0x1, s23, s21, $0xb8;
	[tilespmem:$0x3F00] =	vst v63  }
0x36: {  	s23 =	simm.s32 $0x380  }
0x37: {  	[spmem:s1] =	stream.indirect.scatter.add.f32 [tilespmem:s12], [sflag:$0x1], $0x1, s23, s21, $0xb8;
	[tilespmem:$0x3F00] =	vst v63  }
0x38: {  	s23 =	simm.s32 $0x400  }
0x39: {  	[spmem:s1] =	stream.indirect.scatter.add.f32 [tilespmem:s12], [sflag:$0x1], $0x1, s23, s21, $0xb8;
	[tilespmem:$0x3F00] =	vst v63  }
0x3a: {  	s23 =	simm.s32 $0x480  }
0x3b: {  	[spmem:s1] =	stream.indirect.scatter.add.f32 [tilespmem:s12], [sflag:$0x1], $0x1, s23, s21, $0xb8;
	[tilespmem:$0x3F00] =	vst v63  }
0x3c: {  	s23 =	simm.s32 $0x500  }
0x3d: {  	[spmem:s1] =	stream.indirect.scatter.add.f32 [tilespmem:s12], [sflag:$0x1], $0x1, s23, s21, $0xb8;
	[tilespmem:$0x3F00] =	vst v63  }
0x3e: {  	s23 =	simm.s32 $0x580  }
0x3f: {  	[spmem:s1] =	stream.indirect.scatter.add.f32 [tilespmem:s12], [sflag:$0x1], $0x1, s23, s21, $0xb8;
	[tilespmem:$0x3F00] =	vst v63  }
0x40: {  	s23 =	simm.s32 $0x600  }
0x41: {  	[spmem:s1] =	stream.indirect.scatter.add.f32 [tilespmem:s12], [sflag:$0x1], $0x1, s23, s21, $0xb8;
	[tilespmem:$0x3F00] =	vst v63  }
0x42: {  	s23 =	simm.s32 $0x680  }
0x43: {  	[spmem:s1] =	stream.indirect.scatter.add.f32 [tilespmem:s12], [sflag:$0x1], $0x1, s23, s21, $0xb8;
	[tilespmem:$0x3F00] =	vst v63  }
0x44: {  	s23 =	simm.s32 $0x700  }
0x45: {  	[spmem:s1] =	stream.indirect.scatter.add.f32 [tilespmem:s12], [sflag:$0x1], $0x1, s23, s21, $0xb8;
	[tilespmem:$0x3F00] =	vst v63  }
0x46: {  	s23 =	simm.s32 $0x780  }
0x47: {  	[spmem:s1] =	stream.indirect.scatter.add.f32 [tilespmem:s12], [sflag:$0x1], $0x1, s23, s21, $0xb8;
	[tilespmem:$0x3F00] =	vst v63  }
0x48: {  	s23 =	simm.s32 $0x800  }
0x49: {  	[spmem:s1] =	stream.indirect.scatter.add.f32 [tilespmem:s12], [sflag:$0x1], $0x1, s23, s21, $0xb8;
	[tilespmem:$0x3F00] =	vst v63  }
0x4a: {  	s23 =	simm.s32 $0x880  }
0x4b: {  	[spmem:s1] =	stream.indirect.scatter.add.f32 [tilespmem:s12], [sflag:$0x1], $0x1, s23, s21, $0xb8;
	[tilespmem:$0x3F00] =	vst v63  }
0x4c: {  	_ = 	snop  }
0x4d: {  	[spmem:s1] =	stream.indirect.scatter.add.f32 [tilespmem:s12], [sflag:$0x1], $0x1, s14, s21, $0xb8;
	[tilespmem:$0x3F00] =	vst v63  }
0x4e: {  	s23 =	simm.s32 $0xC80  }
0x4f: {  	[spmem:s1] =	stream.indirect.scatter.add.f32 [tilespmem:s12], [sflag:$0x1], $0x1, s23, s21, $0xb8;
	[tilespmem:$0x3F00] =	vst v63  }
0x50: {  	s23 =	simm.s32 $0xD00  }
0x51: {  	[spmem:s1] =	stream.indirect.scatter.add.f32 [tilespmem:s12], [sflag:$0x1], $0x1, s23, s21, $0xb8;
	[tilespmem:$0x3F00] =	vst v63  }
0x52: {  	s23 =	simm.s32 $0xD80  }
0x53: {  	[spmem:s1] =	stream.indirect.scatter.add.f32 [tilespmem:s12], [sflag:$0x1], $0x1, s23, s21, $0xb8;
	[tilespmem:$0x3F00] =	vst v63  }
0x54: {  	s23 =	simm.s32 $0xE00  }
0x55: {  	[spmem:s1] =	stream.indirect.scatter.add.f32 [tilespmem:s12], [sflag:$0x1], $0x1, s23, s21, $0xb8;
	[tilespmem:$0x3F00] =	vst v63  }
0x56: {  	s23 =	simm.s32 $0xE80  }
0x57: {  	[spmem:s1] =	stream.indirect.scatter.add.f32 [tilespmem:s12], [sflag:$0x1], $0x1, s23, s21, $0xb8;
	[tilespmem:$0x3F00] =	vst v63  }
0x58: {  	s23 =	simm.s32 $0xF00  }
0x59: {  	[spmem:s1] =	stream.indirect.scatter.add.f32 [tilespmem:s12], [sflag:$0x1], $0x1, s23, s21, $0xb8;
	[tilespmem:$0x3F00] =	vst v63  }
0x5a: {  	s23 =	simm.s32 $0xF80  }
0x5b: {  	[spmem:s1] =	stream.indirect.scatter.add.f32 [tilespmem:s12], [sflag:$0x1], $0x1, s23, s21, $0xb8;
	[tilespmem:$0x3F00] =	vst v63  }
0x5c: {  	s23 =	simm.s32 $0x1000  }
0x5d: {  	[spmem:s1] =	stream.indirect.scatter.add.f32 [tilespmem:s12], [sflag:$0x1], $0x1, s23, s21, $0xb8;
	[tilespmem:$0x3F00] =	vst v63  }
0x5e: {  	s23 =	simm.s32 $0x1080  }
0x5f: {  	[spmem:s1] =	stream.indirect.scatter.add.f32 [tilespmem:s12], [sflag:$0x1], $0x1, s23, s21, $0xb8;
	[tilespmem:$0x3F00] =	vst v63  }
0x60: {  	s23 =	simm.s32 $0x1100  }
0x61: {  	[spmem:s1] =	stream.indirect.scatter.add.f32 [tilespmem:s12], [sflag:$0x1], $0x1, s23, s21, $0xb8;
	[tilespmem:$0x3F00] =	vst v63  }
0x62: {  	s23 =	simm.s32 $0x1180  }
0x63: {  	[spmem:s1] =	stream.indirect.scatter.add.f32 [tilespmem:s12], [sflag:$0x1], $0x1, s23, s21, $0xb8;
	[tilespmem:$0x3F00] =	vst v63  }
0x64: {  	s23 =	simm.s32 $0x1200  }
0x65: {  	[spmem:s1] =	stream.indirect.scatter.add.f32 [tilespmem:s12], [sflag:$0x1], $0x1, s23, s21, $0xb8;
	[tilespmem:$0x3F00] =	vst v63  }
0x66: {  	s23 =	simm.s32 $0x1280  }
0x67: {  	[spmem:s1] =	stream.indirect.scatter.add.f32 [tilespmem:s12], [sflag:$0x1], $0x1, s23, s21, $0xb8;
	[tilespmem:$0x3F00] =	vst v63  }
0x68: {  	s23 =	simm.s32 $0x1300  }
0x69: {  	[spmem:s1] =	stream.indirect.scatter.add.f32 [tilespmem:s12], [sflag:$0x1], $0x1, s23, s21, $0xb8;
	[tilespmem:$0x3F00] =	vst v63  }
0x6a: {  	s23 =	simm.s32 $0x1380  }
0x6b: {  	[spmem:s1] =	stream.indirect.scatter.add.f32 [tilespmem:s12], [sflag:$0x1], $0x1, s23, s21, $0xb8;
	[tilespmem:$0x3F00] =	vst v63  }
0x6c: {  	s23 =	simm.s32 $0x1400  }
0x6d: {  	[spmem:s1] =	stream.indirect.scatter.add.f32 [tilespmem:s12], [sflag:$0x1], $0x1, s23, s21, $0xb8;
	[tilespmem:$0x3F00] =	vst v63  }
0x6e: {  	s23 =	simm.s32 $0x1480  }
0x6f: {  	[spmem:s1] =	stream.indirect.scatter.add.f32 [tilespmem:s12], [sflag:$0x1], $0x1, s23, s21, $0xb8;
	[tilespmem:$0x3F00] =	vst v63  }
0x70: {  	_ = 	snop  }
0x71: {  	[spmem:s1] =	stream.indirect.scatter.add.f32 [tilespmem:s12], [sflag:$0x1], $0x1, s16, s21, $0xb8;
	[tilespmem:$0x3F00] =	vst v63  }
0x72: {  	s23 =	simm.s32 $0x1880  }
0x73: {  	[spmem:s1] =	stream.indirect.scatter.add.f32 [tilespmem:s12], [sflag:$0x1], $0x1, s23, s21, $0xb8;
	[tilespmem:$0x3F00] =	vst v63  }
0x74: {  	s23 =	simm.s32 $0x1900  }
0x75: {  	[spmem:s1] =	stream.indirect.scatter.add.f32 [tilespmem:s12], [sflag:$0x1], $0x1, s23, s21, $0xb8;
	[tilespmem:$0x3F00] =	vst v63  }
0x76: {  	s23 =	simm.s32 $0x1980  }
0x77: {  	[spmem:s1] =	stream.indirect.scatter.add.f32 [tilespmem:s12], [sflag:$0x1], $0x1, s23, s21, $0xb8;
	[tilespmem:$0x3F00] =	vst v63  }
0x78: {  	s23 =	simm.s32 $0x1A00  }
0x79: {  	[spmem:s1] =	stream.indirect.scatter.add.f32 [tilespmem:s12], [sflag:$0x1], $0x1, s23, s21, $0xb8;
	[tilespmem:$0x3F00] =	vst v63  }
0x7a: {  	s23 =	simm.s32 $0x1A80  }
0x7b: {  	[spmem:s1] =	stream.indirect.scatter.add.f32 [tilespmem:s12], [sflag:$0x1], $0x1, s23, s21, $0xb8;
	[tilespmem:$0x3F00] =	vst v63  }
0x7c: {  	s23 =	simm.s32 $0x1B00  }
0x7d: {  	[spmem:s1] =	stream.indirect.scatter.add.f32 [tilespmem:s12], [sflag:$0x1], $0x1, s23, s21, $0xb8;
	[tilespmem:$0x3F00] =	vst v63  }
0x7e: {  	s23 =	simm.s32 $0x1B80  }
0x7f: {  	[spmem:s1] =	stream.indirect.scatter.add.f32 [tilespmem:s12], [sflag:$0x1], $0x1, s23, s21, $0xb8;
	[tilespmem:$0x3F00] =	vst v63  }
0x80: {  	s23 =	simm.s32 $0x1C00  }
0x81: {  	[spmem:s1] =	stream.indirect.scatter.add.f32 [tilespmem:s12], [sflag:$0x1], $0x1, s23, s21, $0xb8;
	[tilespmem:$0x3F00] =	vst v63  }
0x82: {  	s23 =	simm.s32 $0x1C80  }
0x83: {  	[spmem:s1] =	stream.indirect.scatter.add.f32 [tilespmem:s12], [sflag:$0x1], $0x1, s23, s21, $0xb8;
	[tilespmem:$0x3F00] =	vst v63  }
0x84: {  	s23 =	simm.s32 $0x1D00  }
0x85: {  	[spmem:s1] =	stream.indirect.scatter.add.f32 [tilespmem:s12], [sflag:$0x1], $0x1, s23, s21, $0xb8;
	[tilespmem:$0x3F00] =	vst v63  }
0x86: {  	s23 =	simm.s32 $0x1D80  }
0x87: {  	[spmem:s1] =	stream.indirect.scatter.add.f32 [tilespmem:s12], [sflag:$0x1], $0x1, s23, s21, $0xb8;
	[tilespmem:$0x3F00] =	vst v63  }
0x88: {  	s23 =	simm.s32 $0x1E00  }
0x89: {  	[spmem:s1] =	stream.indirect.scatter.add.f32 [tilespmem:s12], [sflag:$0x1], $0x1, s23, s21, $0xb8;
	[tilespmem:$0x3F00] =	vst v63  }
0x8a: {  	s23 =	simm.s32 $0x1E80  }
0x8b: {  	[spmem:s1] =	stream.indirect.scatter.add.f32 [tilespmem:s12], [sflag:$0x1], $0x1, s23, s21, $0xb8;
	[tilespmem:$0x3F00] =	vst v63  }
0x8c: {  	s23 =	simm.s32 $0x1F00  }
0x8d: {  	[spmem:s1] =	stream.indirect.scatter.add.f32 [tilespmem:s12], [sflag:$0x1], $0x1, s23, s21, $0xb8;
	[tilespmem:$0x3F00] =	vst v63  }
0x8e: {  	s23 =	simm.s32 $0x1F80  }
0x8f: {  	[spmem:s1] =	stream.indirect.scatter.add.f32 [tilespmem:s12], [sflag:$0x1], $0x1, s23, s21, $0xb8;
	[tilespmem:$0x3F00] =	vst v63  }
0x90: {  	s23 =	simm.s32 $0x2000  }
0x91: {  	[spmem:s1] =	stream.indirect.scatter.add.f32 [tilespmem:s12], [sflag:$0x1], $0x1, s23, s21, $0xb8;
	[tilespmem:$0x3F00] =	vst v63  }
0x92: {  	s23 =	simm.s32 $0x2080  }
0x93: {  	[spmem:s1] =	stream.indirect.scatter.add.f32 [tilespmem:s12], [sflag:$0x1], $0x1, s23, s21, $0xb8;
	[tilespmem:$0x3F00] =	vst v63  }
0x94: {  	_ = 	snop  }
0x95: {  	[spmem:s1] =	stream.indirect.scatter.add.f32 [tilespmem:s12], [sflag:$0x1], $0x1, s18, s21, $0xb8;
	[tilespmem:$0x3F00] =	vst v63  }
0x96: {  	s23 =	simm.s32 $0x2480  }
0x97: {  	[spmem:s1] =	stream.indirect.scatter.add.f32 [tilespmem:s12], [sflag:$0x1], $0x1, s23, s21, $0xb8;
	[tilespmem:$0x3F00] =	vst v63  }
0x98: {  	s23 =	simm.s32 $0x2500  }
0x99: {  	[spmem:s1] =	stream.indirect.scatter.add.f32 [tilespmem:s12], [sflag:$0x1], $0x1, s23, s21, $0xb8;
	[tilespmem:$0x3F00] =	vst v63  }
0x9a: {  	s23 =	simm.s32 $0x2580  }
0x9b: {  	[spmem:s1] =	stream.indirect.scatter.add.f32 [tilespmem:s12], [sflag:$0x1], $0x1, s23, s21, $0xb8;
	[tilespmem:$0x3F00] =	vst v63  }
0x9c: {  	s23 =	simm.s32 $0x2600  }
0x9d: {  	[spmem:s1] =	stream.indirect.scatter.add.f32 [tilespmem:s12], [sflag:$0x1], $0x1, s23, s21, $0xb8;
	[tilespmem:$0x3F00] =	vst v63  }
0x9e: {  	s23 =	simm.s32 $0x2680  }
0x9f: {  	[spmem:s1] =	stream.indirect.scatter.add.f32 [tilespmem:s12], [sflag:$0x1], $0x1, s23, s21, $0xb8;
	[tilespmem:$0x3F00] =	vst v63  }
0xa0: {  	s23 =	simm.s32 $0x2700  }
0xa1: {  	[spmem:s1] =	stream.indirect.scatter.add.f32 [tilespmem:s12], [sflag:$0x1], $0x1, s23, s21, $0xb8;
	[tilespmem:$0x3F00] =	vst v63  }
0xa2: {  	s23 =	simm.s32 $0x2780  }
0xa3: {  	[spmem:s1] =	stream.indirect.scatter.add.f32 [tilespmem:s12], [sflag:$0x1], $0x1, s23, s21, $0xb8;
	[tilespmem:$0x3F00] =	vst v63  }
0xa4: {  	s23 =	simm.s32 $0x2800  }
0xa5: {  	[spmem:s1] =	stream.indirect.scatter.add.f32 [tilespmem:s12], [sflag:$0x1], $0x1, s23, s21, $0xb8;
	[tilespmem:$0x3F00] =	vst v63  }
0xa6: {  	s23 =	simm.s32 $0x2880  }
0xa7: {  	[spmem:s1] =	stream.indirect.scatter.add.f32 [tilespmem:s12], [sflag:$0x1], $0x1, s23, s21, $0xb8;
	[tilespmem:$0x3F00] =	vst v63  }
0xa8: {  	s23 =	simm.s32 $0x2900  }
0xa9: {  	[spmem:s1] =	stream.indirect.scatter.add.f32 [tilespmem:s12], [sflag:$0x1], $0x1, s23, s21, $0xb8;
	[tilespmem:$0x3F00] =	vst v63  }
0xaa: {  	s23 =	simm.s32 $0x2980  }
0xab: {  	[spmem:s1] =	stream.indirect.scatter.add.f32 [tilespmem:s12], [sflag:$0x1], $0x1, s23, s21, $0xb8;
	[tilespmem:$0x3F00] =	vst v63  }
0xac: {  	s23 =	simm.s32 $0x2A00  }
0xad: {  	[spmem:s1] =	stream.indirect.scatter.add.f32 [tilespmem:s12], [sflag:$0x1], $0x1, s23, s21, $0xb8;
	[tilespmem:$0x3F00] =	vst v63  }
0xae: {  	s23 =	simm.s32 $0x2A80  }
0xaf: {  	[spmem:s1] =	stream.indirect.scatter.add.f32 [tilespmem:s12], [sflag:$0x1], $0x1, s23, s21, $0xb8;
	[tilespmem:$0x3F00] =	vst v63  }
0xb0: {  	s23 =	simm.s32 $0x2B00  }
0xb1: {  	[spmem:s1] =	stream.indirect.scatter.add.f32 [tilespmem:s12], [sflag:$0x1], $0x1, s23, s21, $0xb8;
	[tilespmem:$0x3F00] =	vst v63  }
0xb2: {  	s23 =	simm.s32 $0x2B80  }
0xb3: {  	[spmem:s1] =	stream.indirect.scatter.add.f32 [tilespmem:s12], [sflag:$0x1], $0x1, s23, s21, $0xb8;
	[tilespmem:$0x3F00] =	vst v63  }
0xb4: {  	s23 =	simm.s32 $0x2C00  }
0xb5: {  	[spmem:s1] =	stream.indirect.scatter.add.f32 [tilespmem:s12], [sflag:$0x1], $0x1, s23, s21, $0xb8;
	[tilespmem:$0x3F00] =	vst v63  }
0xb6: {  	s23 =	simm.s32 $0x2C80  }
0xb7: {  	[spmem:s1] =	stream.indirect.scatter.add.f32 [tilespmem:s12], [sflag:$0x1], $0x1, s23, s21, $0xb8;
	[tilespmem:$0x3F00] =	vst v63  }
0xb8: {  	_ = 	snop  }
0xb9: {  	[spmem:s1] =	stream.indirect.scatter.add.f32 [tilespmem:s12], [sflag:$0x1], $0x1, s20, s21, $0xb8;
	[tilespmem:$0x3F00] =	vst v63  }
0xba: {  	s23 =	simm.s32 $0x3080  }
0xbb: {  	[spmem:s1] =	stream.indirect.scatter.add.f32 [tilespmem:s12], [sflag:$0x1], $0x1, s23, s21, $0xb8;
	[tilespmem:$0x3F00] =	vst v63  }
0xbc: {  	s23 =	simm.s32 $0x3100  }
0xbd: {  	[spmem:s1] =	stream.indirect.scatter.add.f32 [tilespmem:s12], [sflag:$0x1], $0x1, s23, s21, $0xb8;
	[tilespmem:$0x3F00] =	vst v63  }
0xbe: {  	s23 =	simm.s32 $0x3180  }
0xbf: {  	[spmem:s1] =	stream.indirect.scatter.add.f32 [tilespmem:s12], [sflag:$0x1], $0x1, s23, s21, $0xb8;
	[tilespmem:$0x3F00] =	vst v63  }
0xc0: {  	s23 =	simm.s32 $0x3200  }
0xc1: {  	[spmem:s1] =	stream.indirect.scatter.add.f32 [tilespmem:s12], [sflag:$0x1], $0x1, s23, s21, $0xb8;
	[tilespmem:$0x3F00] =	vst v63  }
0xc2: {  	s23 =	simm.s32 $0x3280  }
0xc3: {  	[spmem:s1] =	stream.indirect.scatter.add.f32 [tilespmem:s12], [sflag:$0x1], $0x1, s23, s21, $0xb8;
	[tilespmem:$0x3F00] =	vst v63  }
0xc4: {  	s23 =	simm.s32 $0x3300  }
0xc5: {  	[spmem:s1] =	stream.indirect.scatter.add.f32 [tilespmem:s12], [sflag:$0x1], $0x1, s23, s21, $0xb8;
	[tilespmem:$0x3F00] =	vst v63  }
0xc6: {  	s23 =	simm.s32 $0x3380  }
0xc7: {  	[spmem:s1] =	stream.indirect.scatter.add.f32 [tilespmem:s12], [sflag:$0x1], $0x1, s23, s21, $0xb8;
	[tilespmem:$0x3F00] =	vst v63  }
0xc8: {  	s23 =	simm.s32 $0x3400  }
0xc9: {  	[spmem:s1] =	stream.indirect.scatter.add.f32 [tilespmem:s12], [sflag:$0x1], $0x1, s23, s21, $0xb8;
	[tilespmem:$0x3F00] =	vst v63  }
0xca: {  	s23 =	simm.s32 $0x3480  }
0xcb: {  	[spmem:s1] =	stream.indirect.scatter.add.f32 [tilespmem:s12], [sflag:$0x1], $0x1, s23, s21, $0xb8;
	[tilespmem:$0x3F00] =	vst v63  }
0xcc: {  	s23 =	simm.s32 $0x3500  }
0xcd: {  	[spmem:s1] =	stream.indirect.scatter.add.f32 [tilespmem:s12], [sflag:$0x1], $0x1, s23, s21, $0xb8;
	[tilespmem:$0x3F00] =	vst v63  }
0xce: {  	s23 =	simm.s32 $0x3580  }
0xcf: {  	[spmem:s1] =	stream.indirect.scatter.add.f32 [tilespmem:s12], [sflag:$0x1], $0x1, s23, s21, $0xb8;
	[tilespmem:$0x3F00] =	vst v63  }
0xd0: {  	_ = 	snop  }
0xd1: {  	[spmem:s1] =	stream.indirect.scatter.add.f32 [tilespmem:s12], [sflag:$0x1], $0x1, s24, s21, $0xb8;
	[tilespmem:$0x3F00] =	vst v63  }
0xd2: {  	_ = 	snop  }
0xd3: {  	[spmem:s1] =	stream.indirect.scatter.add.f32 [tilespmem:s12], [sflag:$0x1], $0x1, s25, s21, $0xb8;
	[tilespmem:$0x3F00] =	vst v63  }
0xd4: {  	_ = 	snop  }
0xd5: {  	[spmem:s1] =	stream.indirect.scatter.add.f32 [tilespmem:s12], [sflag:$0x1], $0x1, s26, s21, $0xb8;
	[tilespmem:$0x3F00] =	vst v63  }
0xd6: {  	_ = 	snop  }
0xd7: {  	[spmem:s1] =	stream.indirect.scatter.add.f32 [tilespmem:s12], [sflag:$0x1], $0x1, s28, s21, $0xb8;
	[tilespmem:$0x3F00] =	vst v63  }
0xd8: {  	_ = 	snop  }
0xd9: {  	[spmem:s1] =	stream.indirect.scatter.add.f32 [tilespmem:s12], [sflag:$0x1], $0x1, s29, s21, $0xb8;
	[tilespmem:$0x3F00] =	vst v63  }
0xda: {  	_ = 	snop  }
0xdb: {  	[spmem:s1] =	stream.indirect.scatter.add.f32 [tilespmem:s12], [sflag:$0x1], $0x1, s30, s21, $0xb8;
	[tilespmem:$0x3F00] =	vst v63  }
0xdc: {  	_ =	swait.ge [sflag:s31], $0x70  }
0xdd: {  	s23 =	simm.s32 $0x59;
	[sflag:s31] =	ssyncset.done $0x0  }
.LBB2_2:
0xde: {  	p0 =	sne.s32 s23, $0x1;
	s23 =	sadd.s32 $0xFFFFFFFF, s23;
	[sflag:s31] =	ssyncadd.s32 $0xFFFFFF90  }
.Ltmp0:
0xdf: {  	(pc) =	sbr.rel @p0 .LBB2_2-.Ltmp0, $3  }
0xe0: {  	_ =	sdelay $0x1  }
0xe1: {  	_ =	swait.ge [sflag:s31], $0x70  }
0xe2: {  	[sflag:s31] =	ssyncset.done $0x0  }
0xe3: {  	s22 =	sadd.s32 $0x1, s22  }
0xe4: {  	[sflag:s31] =	ssyncadd.s32 $0xFFFFFF90;
	p0 =	sne.s32 s22, s9  }
.Ltmp1:
0xe5: {  	[bflag:$0x0] =	sbarrier.arrive $0xFFFF;
	(pc) =	sbr.rel @p0 .LBB2_1-.Ltmp1, $4  }
0xe6: {  	[hbm:s8@s0], [sflag:s6] =	dma.strided [spmem:s10@s2], $0x50, s31, $0x10   }
0xe7: {  	_ =	swait.ge [sflag:s11], $0x50  }
0xe8: {  	[sflag:s11] =	ssyncset.done $0x0  }
0xe9: {  	[sflag:s11] =	ssyncadd.s32 $0xFFFFFFB0  }
0xea: {  	_ =	sfence.sel $0x180000  }
0xeb: {  	[bflag:$0x0] =	sbarrier.arrive $0xFFFF  }
0xec: {  	_ =	strace $0x90000047  }
0xed: {  	s0 =	stileid.u32;
	[bflag:$0x2] =	sbarrier.arrive $0xFFFF  }
0xee: {  	p0 =	sne.s32 s0, $0x0;
	s0 =	rddreg [dreg:$0x3]  }
0xef: {  	s0 =	sadd.s32 @!p0 $0x100000, s0  }
0xf0: {  	[sflag:s0] =	ssyncadd.tile.s32 @!p0 $0x1;
	_ =	shalt  }
.Lfunc_end2:
_tile_overlayer_lowered:
.L_overlay_start_2:
0xf1: {  	(tag) =	ssettag $0x2  }
0xf2: {  	s0 =	rddreg [dreg:$0x0];
	s2 =	stileid.u32  }
0xf3: {  	s1 =	rddreg [dreg:$0x1];
	p0 =	sne.s32 s2, $0x0  }
0xf4: {  	s3 =	rddreg [dreg:$0x2];
	[bflag:$0x3] =	sbarrier.arrive $0xFFFF;
	s2 =	simm.s32 @!p0 $0x1C02  }
0xf5: {  	[timem:s3], [sflag:s2] =	dma.local @!p0 [hbm:s0], s1  }
0xf6: {  	s0 =	simm.s32 @!p0 $0x2  }
0xf7: {  	_ =	swait.ge @!p0 [sflag:s0], s1  }
0xf8: {  	s1 =	ssub.s32 @!p0 $0x0, s1;
	[sflag:s0] =	ssyncset.done @!p0 $0x0  }
0xf9: {  	[sflag:s0] =	ssyncadd.s32 @!p0 s1  }
0xfa: {  	[bflag:$0x3] =	sbarrier.arrive $0xFFFF  }
0xfb: {  	_ =	shalt  }

</sc_bundles>
